<compile_context>
chip_gen: v7x
topology: tpu7x:2x2x1
jax: 0.10.2.dev20260603
libtpu: 0.0.44.dev20260713+nightly
codegen_flags: <defaults>
</compile_context>

<pallas_src>
import jax
import jax.numpy as jnp
from jax import lax
from jax.experimental import pallas as pl
from jax.experimental.pallas import tpu as pltpu
from jax.experimental.pallas import tpu_sc as plsc

N = 100000
NNZ = 3200000
FP = 16
ONE_COL = 10
NC, NS = 2, 16
NW = NC * NS
NNZ_W = NNZ // NW
CHUNK = 800
ITERS = NNZ_W // CHUNK
PAIRS = (ITERS - 1) // 2
RPT_A = 6256
RPT_LAST = N - 15 * RPT_A

_f32 = jnp.float32


def _sc_body(gidx, sidx, table, zeros, out,
             ig0, is0, rows0, ig1, is1, rows1, acc,
             semi0, semi1, semg0, semg1):
    c = lax.axis_index("c")
    s = lax.axis_index("s")
    row0 = pl.multiple_of(s * RPT_A, 8)
    base = (c * NS + s) * NNZ_W

    slots = ((ig0, is0, rows0, semi0, semg0),
             (ig1, is1, rows1, semi1, semg1))

    def idx_load(chunk, slot):
        off = pl.multiple_of(base + chunk * CHUNK, 8)
        ig, is_, _, si, _ = slots[slot]
        pltpu.async_copy(gidx.at[pl.ds(off, CHUNK)], ig, si)
        pltpu.async_copy(sidx.at[pl.ds(off, CHUNK)], is_, si)

    def idx_wait(slot):
        ig, is_, _, si, _ = slots[slot]
        pltpu.make_async_copy(gidx.at[pl.ds(0, CHUNK)], ig, si).wait()
        pltpu.make_async_copy(sidx.at[pl.ds(0, CHUNK)], is_, si).wait()

    def gather_start(slot):
        ig, _, rows, _, sg = slots[slot]
        pltpu.async_copy(table.at[ig], rows, sg)

    def gather_wait(slot):
        ig, _, rows, _, sg = slots[slot]
        pltpu.make_async_copy(table.at[ig], rows, sg).wait()

    def scatter(slot):
        _, is_, rows, _, _ = slots[slot]
        pltpu.sync_copy(rows, acc.at[is_], add=True)

    idx_load(0, 0)
    idx_load(1, 1)

    @pl.when(s < 15)
    def _():
        pltpu.sync_copy(zeros, acc.at[pl.ds(row0, RPT_A)])

    @pl.when(s == 15)
    def _():
        pltpu.sync_copy(zeros.at[pl.ds(0, RPT_LAST)],
                        acc.at[pl.ds(15 * RPT_A, RPT_LAST)])

    idx_wait(0)
    gather_start(0)
    plsc.subcore_barrier()

    @pl.loop(0, PAIRS)
    def _(j):
        gather_wait(0)
        idx_wait(1)
        gather_start(1)
        scatter(0)
        idx_load(2 * j + 2, 0)
        gather_wait(1)
        idx_wait(0)
        gather_start(0)
        scatter(1)

        @pl.when(j < PAIRS - 1)
        def _():
            idx_load(2 * j + 3, 1)

    gather_wait(0)
    scatter(0)

    plsc.subcore_barrier()

    @pl.when(s < 15)
    def _():
        pltpu.sync_copy(acc.at[pl.ds(row0, RPT_A)],
                        out.at[c, pl.ds(row0, RPT_A)])

    @pl.when(s == 15)
    def _():
        pltpu.sync_copy(acc.at[pl.ds(15 * RPT_A, RPT_LAST)],
                        out.at[c, pl.ds(15 * RPT_A, RPT_LAST)])


_sc_pass = pl.kernel(
    _sc_body,
    out_type=jax.ShapeDtypeStruct((NC, N, FP), _f32),
    mesh=plsc.VectorSubcoreMesh(
        core_axis_name="c", subcore_axis_name="s",
        num_cores=NC, num_subcores=NS),
    scratch_types=(
        [pltpu.VMEM((CHUNK,), jnp.int32),
         pltpu.VMEM((CHUNK,), jnp.int32),
         pltpu.VMEM((CHUNK, FP), _f32)] * 2
        + [pltpu.VMEM_SHARED((N, FP), _f32)]
        + [pltpu.SemaphoreType.DMA] * 4
    ),
    compiler_params=pltpu.CompilerParams(use_tc_tiling_on_sc=False),
)


RB = 2000


def _cols(shape):
    return lax.broadcasted_iota(jnp.int32, shape, 1)


def _proj1_body(x_ref, w_ref, o_ref):
    h = jnp.dot(x_ref[...], w_ref[...], preferred_element_type=_f32)
    o_ref[...] = jnp.where(_cols((RB, FP)) == ONE_COL, 1.0, h)


def _proj1(x, w1p):
    return pl.pallas_call(
        _proj1_body,
        grid=(N // RB,),
        in_specs=[pl.BlockSpec((RB, 3), lambda i: (i, 0)),
                  pl.BlockSpec((3, FP), lambda i: (0, 0))],
        out_specs=pl.BlockSpec((RB, FP), lambda i: (i, 0)),
        out_shape=jax.ShapeDtypeStruct((N, FP), _f32),
    )(x, w1p)


def _combine(a0, a1):
    a = a0[0] + a1[0]
    cnt = a[:, ONE_COL:ONE_COL + 1]
    inv = jnp.where(cnt > 0, 1.0 / cnt, 0.0)
    return a * inv


def _scale_body(a0_ref, a1_ref, o_ref):
    e = _combine(a0_ref, a1_ref)
    o_ref[...] = jnp.where(_cols((RB, FP)) == ONE_COL, 1.0, e)


def _scale(acc):
    return pl.pallas_call(
        _scale_body,
        grid=(N // RB,),
        in_specs=[pl.BlockSpec((1, RB, FP), lambda i: (0, i, 0)),
                  pl.BlockSpec((1, RB, FP), lambda i: (1, i, 0))],
        out_specs=pl.BlockSpec((RB, FP), lambda i: (i, 0)),
        out_shape=jax.ShapeDtypeStruct((N, FP), _f32),
    )(acc, acc)


def _layer2_body(a0_ref, a1_ref, w_ref, b_ref, o_ref):
    g = jnp.maximum(_combine(a0_ref, a1_ref) + b_ref[...], 0.0)
    h = jnp.dot(g, w_ref[...], preferred_element_type=_f32)
    o_ref[...] = jnp.where(_cols((RB, FP)) == ONE_COL, 1.0, h)


def _layer2(acc, w2p, b1p):
    return pl.pallas_call(
        _layer2_body,
        grid=(N // RB,),
        in_specs=[pl.BlockSpec((1, RB, FP), lambda i: (0, i, 0)),
                  pl.BlockSpec((1, RB, FP), lambda i: (1, i, 0)),
                  pl.BlockSpec((FP, FP), lambda i: (0, 0)),
                  pl.BlockSpec((1, FP), lambda i: (0, 0))],
        out_specs=pl.BlockSpec((RB, FP), lambda i: (i, 0)),
        out_shape=jax.ShapeDtypeStruct((N, FP), _f32),
    )(acc, acc, w2p, b1p)


def _final_body(a0_ref, a1_ref, b_ref, o_ref):
    g = _combine(a0_ref, a1_ref)
    o_ref[...] = jnp.maximum(g[:, :10] + b_ref[...], 0.0)


def _final(acc, b2r):
    return pl.pallas_call(
        _final_body,
        grid=(N // RB,),
        in_specs=[pl.BlockSpec((1, RB, FP), lambda i: (0, i, 0)),
                  pl.BlockSpec((1, RB, FP), lambda i: (1, i, 0)),
                  pl.BlockSpec((1, 10), lambda i: (0, 0))],
        out_specs=pl.BlockSpec((RB, 10), lambda i: (i, 0)),
        out_shape=jax.ShapeDtypeStruct((N, 10), _f32),
    )(acc, acc, b2r)


def kernel(x, hyperedge_index, W1, b1, W2, b2):
    nidx = hyperedge_index[0]
    eidx = hyperedge_index[1]
    w1p = jnp.zeros((3, FP), _f32).at[:, :10].set(W1)
    w2p = jnp.zeros((FP, FP), _f32).at[:10, :10].set(W2)
    b1p = jnp.zeros((1, FP), _f32).at[0, :10].set(b1)
    b2r = b2.reshape(1, 10)
    zeros = jnp.zeros((RPT_A, FP), _f32)

    h1 = _proj1(x, w1p)
    accB1 = _sc_pass(nidx, eidx, h1, zeros)
    e1 = _scale(accB1)
    accD1 = _sc_pass(eidx, nidx, e1, zeros)
    h2 = _layer2(accD1, w2p, b1p)
    accB2 = _sc_pass(nidx, eidx, h2, zeros)
    e2 = _scale(accB2)
    accD2 = _sc_pass(eidx, nidx, e2, zeros)
    return _final(accD2, b2r)

# --- scband reference (transcript-rebuilt; emitter-appended) ---
"""Pipeline reference for scband-hhgnn-36481452212894 (READ-ONLY COPY).

The authoritative reference and input builder live on the scoring server;
editing this copy changes nothing except your own understanding.
"""

import jax, jax.numpy as jnp
import numpy as np

N_NODES = 100000
N_EDGES = 100000
NNZ = 3200000
F_IN = 3
F_HID = 10
F_MID = 10


def setup_inputs(seed: int = 0) -> dict:
    key = jax.random.key(seed)
    k1, k2, k3, k4, k5, k6 = jax.random.split(key, 6)
    x = jax.random.normal(k1, (N_NODES, F_IN), dtype=jnp.float32)
    hyperedge_index = jax.random.randint(k2, (2, NNZ), 0, N_NODES, dtype=jnp.int32)
    W1 = jax.random.normal(k3, (F_IN, F_HID), dtype=jnp.float32) * (1.0 / np.sqrt(F_IN))
    b1 = jnp.zeros((F_HID,), dtype=jnp.float32)
    W2 = jax.random.normal(k4, (F_HID, F_MID), dtype=jnp.float32) * (1.0 / np.sqrt(F_HID))
    b2 = jnp.zeros((F_MID,), dtype=jnp.float32)
    return {"x": x, "hyperedge_index": hyperedge_index, "W1": W1, "b1": b1, "W2": W2, "b2": b2}


def _hypergraph_conv(x, hyperedge_index, W, b):
    # PyG HypergraphConv (use_attention=False):
    #   X' = D^{-1} H W_e B^{-1} H^T X Theta  + bias, with W_e = I (unit hyperedge weights)
    x = x @ W
    node_idx = hyperedge_index[0]
    edge_idx = hyperedge_index[1]
    ones_nnz = jnp.ones((NNZ,), dtype=x.dtype)
    # node degree D: sum of hyperedge weights (ones) over incident hyperedges
    D = jax.ops.segment_sum(ones_nnz, node_idx, num_segments=N_NODES)
    Dinv = jnp.where(D > 0, 1.0 / D, 0.0)
    # hyperedge degree B
    B = jax.ops.segment_sum(ones_nnz, edge_idx, num_segments=N_EDGES)
    Binv = jnp.where(B > 0, 1.0 / B, 0.0)
    # node -> hyperedge aggregation with norm B^{-1}
    e = jax.ops.segment_sum(Binv[edge_idx][:, None] * x[node_idx], edge_idx, num_segments=N_EDGES)
    # hyperedge -> node aggregation with norm D^{-1}
    out = jax.ops.segment_sum(Dinv[node_idx][:, None] * e[edge_idx], node_idx, num_segments=N_NODES)
    return out + b


def reference(x, hyperedge_index, W1, b1, W2, b2):
    h = jax.nn.relu(_hypergraph_conv(x, hyperedge_index, W1, b1))
    h = jax.nn.relu(_hypergraph_conv(h, hyperedge_index, W2, b2))
    return h

if __name__ == "__main__":
    import jax
    _d = setup_inputs()
    print(jax.jit(kernel)(*tuple(_d.values())))

</pallas_src>

<mosaic_0001>
#map = affine_map<(d0, d1) -> (0)>
#map1 = affine_map<(d0, d1) -> (0, 0)>
#map2 = affine_map<(d0, d1) -> (0, 0, 0)>
module attributes {stable_mosaic.version = 14 : i64} {
  func.func @_sc_body(%arg0: i32, %arg1: i32, %arg2: memref<3200000xi32, #tpu.memory_space<hbm>>, %arg3: memref<3200000xi32, #tpu.memory_space<hbm>>, %arg4: memref<100000x16xf32, #tpu.memory_space<hbm>>, %arg5: memref<6256x16xf32, #tpu.memory_space<hbm>>, %arg6: memref<2x100000x16xf32, #tpu.memory_space<hbm>>, %arg7: memref<800xi32, #tpu.memory_space<vmem>>, %arg8: memref<800xi32, #tpu.memory_space<vmem>>, %arg9: memref<800x16xf32, #tpu.memory_space<vmem>>, %arg10: memref<800xi32, #tpu.memory_space<vmem>>, %arg11: memref<800xi32, #tpu.memory_space<vmem>>, %arg12: memref<800x16xf32, #tpu.memory_space<vmem>>, %arg13: memref<100000x16xf32, #tpu.memory_space<vmem_shared>>, %arg14: memref<!tpu.dma_semaphore, #tpu.memory_space<semaphore_mem>>, %arg15: memref<!tpu.dma_semaphore, #tpu.memory_space<semaphore_mem>>, %arg16: memref<!tpu.dma_semaphore, #tpu.memory_space<semaphore_mem>>, %arg17: memref<!tpu.dma_semaphore, #tpu.memory_space<semaphore_mem>>) attributes {dimension_semantics = [#tpu.dimension_semantics<core_parallel>, #tpu.dimension_semantics<subcore_parallel>], iteration_bounds = array<i64: 2, 16>, scalar_prefetch = 0 : i64, scratch_operands = 11 : i64, tpu.core_type = #tpu.core_type<sc_vector_subcore>, window_params = [{transform_indices = #map}, {transform_indices = #map}, {transform_indices = #map1}, {transform_indices = #map1}, {transform_indices = #map2}]} {
    %mul3A = arith.constant 6256 : i32
    %mul3A_0 = arith.muli %arg1, %mul3A : i32
    %multiple_of3A = tpu.assume_multiple %mul3A_0, 8 : i32
    %mul3A_1 = arith.constant 16 : i32
    %mul3A_2 = arith.muli %arg0, %mul3A_1 : i32
    %add3A = arith.addi %mul3A_2, %arg1 : i32
    %mul3A_3 = arith.constant 100000 : i32
    %mul3A_4 = arith.muli %add3A, %mul3A_3 : i32
    %add3A_5 = arith.constant 0 : i32
    %add3A_6 = arith.addi %mul3A_4, %add3A_5 : i32
    %multiple_of3A_7 = tpu.assume_multiple %add3A_6, 8 : i32
    %dma_start3A = tpu.memref_slice %arg2[%multiple_of3A_7] : memref<3200000xi32, #tpu.memory_space<hbm>> -> memref<800xi32, #tpu.memory_space<hbm>>
    %dma_start3A_8 = tpu.memref_slice %arg2[%multiple_of3A_7] : memref<3200000xi32, #tpu.memory_space<hbm>> -> memref<800xi32, #tpu.memory_space<hbm>>
    tpu.enqueue_dma source(%dma_start3A_8 : memref<800xi32, #tpu.memory_space<hbm>>) target(%arg7 : memref<800xi32, #tpu.memory_space<vmem>>) target_semaphore(%arg14 : memref<!tpu.dma_semaphore, #tpu.memory_space<semaphore_mem>>)
    %dma_start3A_9 = tpu.memref_slice %arg3[%multiple_of3A_7] : memref<3200000xi32, #tpu.memory_space<hbm>> -> memref<800xi32, #tpu.memory_space<hbm>>
    %dma_start3A_10 = tpu.memref_slice %arg3[%multiple_of3A_7] : memref<3200000xi32, #tpu.memory_space<hbm>> -> memref<800xi32, #tpu.memory_space<hbm>>
    tpu.enqueue_dma source(%dma_start3A_10 : memref<800xi32, #tpu.memory_space<hbm>>) target(%arg8 : memref<800xi32, #tpu.memory_space<vmem>>) target_semaphore(%arg14 : memref<!tpu.dma_semaphore, #tpu.memory_space<semaphore_mem>>)
    %add3A_11 = arith.constant 800 : i32
    %add3A_12 = arith.addi %mul3A_4, %add3A_11 : i32
    %multiple_of3A_13 = tpu.assume_multiple %add3A_12, 8 : i32
    %dma_start3A_14 = tpu.memref_slice %arg2[%multiple_of3A_13] : memref<3200000xi32, #tpu.memory_space<hbm>> -> memref<800xi32, #tpu.memory_space<hbm>>
    %dma_start3A_15 = tpu.memref_slice %arg2[%multiple_of3A_13] : memref<3200000xi32, #tpu.memory_space<hbm>> -> memref<800xi32, #tpu.memory_space<hbm>>
    tpu.enqueue_dma source(%dma_start3A_15 : memref<800xi32, #tpu.memory_space<hbm>>) target(%arg10 : memref<800xi32, #tpu.memory_space<vmem>>) target_semaphore(%arg15 : memref<!tpu.dma_semaphore, #tpu.memory_space<semaphore_mem>>)
    %dma_start3A_16 = tpu.memref_slice %arg3[%multiple_of3A_13] : memref<3200000xi32, #tpu.memory_space<hbm>> -> memref<800xi32, #tpu.memory_space<hbm>>
    %dma_start3A_17 = tpu.memref_slice %arg3[%multiple_of3A_13] : memref<3200000xi32, #tpu.memory_space<hbm>> -> memref<800xi32, #tpu.memory_space<hbm>>
    tpu.enqueue_dma source(%dma_start3A_17 : memref<800xi32, #tpu.memory_space<hbm>>) target(%arg11 : memref<800xi32, #tpu.memory_space<vmem>>) target_semaphore(%arg15 : memref<!tpu.dma_semaphore, #tpu.memory_space<semaphore_mem>>)
    %lt3A = arith.constant 15 : i32
    %lt3A_18 = arith.cmpi slt, %arg1, %lt3A : i32
    %convert_element_type3A = arith.extui %lt3A_18 : i1 to i32
    %cond3A = arith.constant 0 : i32
    %cond3A_19 = arith.cmpi ne, %convert_element_type3A, %cond3A : i32
    scf.if %cond3A_19 {
      "tpu.region"() ({
        %run_scoped3A = tpu.sem_alloc : memref<!tpu.dma_semaphore, #tpu.memory_space<semaphore_mem>>
        %dma_start3A_52 = arith.constant 0 : i32
        %dma_start3A_53 = tpu.memref_slice %arg13[%multiple_of3A, %dma_start3A_52] : memref<100000x16xf32, #tpu.memory_space<vmem_shared>> -> memref<6256x16xf32, #tpu.memory_space<vmem_shared>>
        tpu.enqueue_dma source(%arg5 : memref<6256x16xf32, #tpu.memory_space<hbm>>) target(%dma_start3A_53 : memref<6256x16xf32, #tpu.memory_space<vmem_shared>>) target_semaphore(%run_scoped3A : memref<!tpu.dma_semaphore, #tpu.memory_space<semaphore_mem>>)
        %dma_wait3A_54 = arith.constant 0 : i32
        %dma_wait3A_55 = tpu.memref_slice %arg13[%multiple_of3A, %dma_wait3A_54] : memref<100000x16xf32, #tpu.memory_space<vmem_shared>> -> memref<6256x16xf32, #tpu.memory_space<vmem_shared>>
        tpu.wait_dma2 semaphore(%run_scoped3A : memref<!tpu.dma_semaphore, #tpu.memory_space<semaphore_mem>>) src(%arg5 : memref<6256x16xf32, #tpu.memory_space<hbm>>) dst(%dma_wait3A_55 : memref<6256x16xf32, #tpu.memory_space<vmem_shared>>)
        tpu.yield
      }) : () -> ()
    } else {
    }
    %eq3A = arith.constant 15 : i32
    %eq3A_20 = arith.cmpi eq, %arg1, %eq3A : i32
    %convert_element_type3A_21 = arith.extui %eq3A_20 : i1 to i32
    %cond3A_22 = arith.constant 0 : i32
    %cond3A_23 = arith.cmpi ne, %convert_element_type3A_21, %cond3A_22 : i32
    scf.if %cond3A_23 {
      "tpu.region"() ({
        %run_scoped3A = tpu.sem_alloc : memref<!tpu.dma_semaphore, #tpu.memory_space<semaphore_mem>>
        %dma_start3A_52 = arith.constant 93840 : i32
        %dma_start3A_53 = arith.constant 0 : i32
        %dma_start3A_54 = tpu.memref_slice %arg13[%dma_start3A_52, %dma_start3A_53] : memref<100000x16xf32, #tpu.memory_space<vmem_shared>> -> memref<6160x16xf32, #tpu.memory_space<vmem_shared>>
        %dma_start3A_55 = arith.constant 0 : i32
        %dma_start3A_56 = arith.constant 0 : i32
        %dma_start3A_57 = tpu.memref_slice %arg5[%dma_start3A_55, %dma_start3A_56] : memref<6256x16xf32, #tpu.memory_space<hbm>> -> memref<6160x16xf32, #tpu.memory_space<hbm>>
        tpu.enqueue_dma source(%dma_start3A_57 : memref<6160x16xf32, #tpu.memory_space<hbm>>) target(%dma_start3A_54 : memref<6160x16xf32, #tpu.memory_space<vmem_shared>>) target_semaphore(%run_scoped3A : memref<!tpu.dma_semaphore, #tpu.memory_space<semaphore_mem>>)
        %dma_wait3A_58 = arith.constant 93840 : i32
        %dma_wait3A_59 = arith.constant 0 : i32
        %dma_wait3A_60 = tpu.memref_slice %arg13[%dma_wait3A_58, %dma_wait3A_59] : memref<100000x16xf32, #tpu.memory_space<vmem_shared>> -> memref<6160x16xf32, #tpu.memory_space<vmem_shared>>
        %dma_wait3A_61 = arith.constant 0 : i32
        %dma_wait3A_62 = arith.constant 0 : i32
        %dma_wait3A_63 = tpu.memref_slice %arg5[%dma_wait3A_61, %dma_wait3A_62] : memref<6256x16xf32, #tpu.memory_space<hbm>> -> memref<6160x16xf32, #tpu.memory_space<hbm>>
        tpu.wait_dma2 semaphore(%run_scoped3A : memref<!tpu.dma_semaphore, #tpu.memory_space<semaphore_mem>>) src(%dma_wait3A_63 : memref<6160x16xf32, #tpu.memory_space<hbm>>) dst(%dma_wait3A_60 : memref<6160x16xf32, #tpu.memory_space<vmem_shared>>)
        tpu.yield
      }) : () -> ()
    } else {
    }
    %dma_wait3A = arith.constant 0 : i32
    %dma_wait3A_24 = tpu.memref_slice %arg2[%dma_wait3A] : memref<3200000xi32, #tpu.memory_space<hbm>> -> memref<800xi32, #tpu.memory_space<hbm>>
    %dma_wait3A_25 = arith.constant 0 : i32
    %dma_wait3A_26 = tpu.memref_slice %arg2[%dma_wait3A_25] : memref<3200000xi32, #tpu.memory_space<hbm>> -> memref<800xi32, #tpu.memory_space<hbm>>
    tpu.wait_dma2 semaphore(%arg14 : memref<!tpu.dma_semaphore, #tpu.memory_space<semaphore_mem>>) src(%dma_wait3A_26 : memref<800xi32, #tpu.memory_space<hbm>>) dst(%arg7 : memref<800xi32, #tpu.memory_space<vmem>>)
    %dma_wait3A_27 = arith.constant 0 : i32
    %dma_wait3A_28 = tpu.memref_slice %arg3[%dma_wait3A_27] : memref<3200000xi32, #tpu.memory_space<hbm>> -> memref<800xi32, #tpu.memory_space<hbm>>
    %dma_wait3A_29 = arith.constant 0 : i32
    %dma_wait3A_30 = tpu.memref_slice %arg3[%dma_wait3A_29] : memref<3200000xi32, #tpu.memory_space<hbm>> -> memref<800xi32, #tpu.memory_space<hbm>>
    tpu.wait_dma2 semaphore(%arg14 : memref<!tpu.dma_semaphore, #tpu.memory_space<semaphore_mem>>) src(%dma_wait3A_30 : memref<800xi32, #tpu.memory_space<hbm>>) dst(%arg8 : memref<800xi32, #tpu.memory_space<vmem>>)
    %dma_start3A_31 = arith.constant 0 : i32
    %dma_start3A_32 = arith.constant 0 : i32
    %dma_start3A_33 = tpu.memref_slice %arg4[%dma_start3A_31, %dma_start3A_32] : memref<100000x16xf32, #tpu.memory_space<hbm>> -> memref<100000x16xf32, #tpu.memory_space<hbm>>
    tpu.enqueue_indirect_dma source(%dma_start3A_33 : memref<100000x16xf32, #tpu.memory_space<hbm>>) target(%arg9 : memref<800x16xf32, #tpu.memory_space<vmem>>) offsets(%arg7 : memref<800xi32, #tpu.memory_space<vmem>>) semaphore(%arg16 : memref<!tpu.dma_semaphore, #tpu.memory_space<semaphore_mem>>)
    %barrier3A = arith.constant 0 : index
    tpu.barrier barrier_id(%barrier3A)
    %scan3A = arith.constant 0 : i32
    %scan3A_34 = arith.constant 62 : i32
    %scan3A_35 = arith.addi %scan3A, %scan3A_34 : i32
    %scan3A_36 = arith.constant 1 : i32
    scf.for %scan3A_52 = %scan3A to %scan3A_35 step %scan3A_36  : i32 {
      %mul3A_53 = arith.constant 1 : i32
      %mul3A_54 = arith.muli %scan3A_52, %mul3A_53 : i32
      %add3A_55 = arith.constant 0 : i32
      %add3A_56 = arith.addi %add3A_55, %mul3A_54 : i32
      %dma_wait3A_57 = arith.constant 0 : i32
      %dma_wait3A_58 = arith.constant 0 : i32
      %dma_wait3A_59 = tpu.memref_slice %arg4[%dma_wait3A_57, %dma_wait3A_58] : memref<100000x16xf32, #tpu.memory_space<hbm>> -> memref<100000x16xf32, #tpu.memory_space<hbm>>
      tpu.wait_indirect_dma semaphore(%arg16 : memref<!tpu.dma_semaphore, #tpu.memory_space<semaphore_mem>>) src(%dma_wait3A_59 : memref<100000x16xf32, #tpu.memory_space<hbm>>) dst(%arg9 : memref<800x16xf32, #tpu.memory_space<vmem>>)
      %dma_wait3A_60 = arith.constant 0 : i32
      %dma_wait3A_61 = tpu.memref_slice %arg2[%dma_wait3A_60] : memref<3200000xi32, #tpu.memory_space<hbm>> -> memref<800xi32, #tpu.memory_space<hbm>>
      %dma_wait3A_62 = arith.constant 0 : i32
      %dma_wait3A_63 = tpu.memref_slice %arg2[%dma_wait3A_62] : memref<3200000xi32, #tpu.memory_space<hbm>> -> memref<800xi32, #tpu.memory_space<hbm>>
      tpu.wait_dma2 semaphore(%arg15 : memref<!tpu.dma_semaphore, #tpu.memory_space<semaphore_mem>>) src(%dma_wait3A_63 : memref<800xi32, #tpu.memory_space<hbm>>) dst(%arg10 : memref<800xi32, #tpu.memory_space<vmem>>)
      %dma_wait3A_64 = arith.constant 0 : i32
      %dma_wait3A_65 = tpu.memref_slice %arg3[%dma_wait3A_64] : memref<3200000xi32, #tpu.memory_space<hbm>> -> memref<800xi32, #tpu.memory_space<hbm>>
      %dma_wait3A_66 = arith.constant 0 : i32
      %dma_wait3A_67 = tpu.memref_slice %arg3[%dma_wait3A_66] : memref<3200000xi32, #tpu.memory_space<hbm>> -> memref<800xi32, #tpu.memory_space<hbm>>
      tpu.wait_dma2 semaphore(%arg15 : memref<!tpu.dma_semaphore, #tpu.memory_space<semaphore_mem>>) src(%dma_wait3A_67 : memref<800xi32, #tpu.memory_space<hbm>>) dst(%arg11 : memref<800xi32, #tpu.memory_space<vmem>>)
      %dma_start3A_68 = arith.constant 0 : i32
      %dma_start3A_69 = arith.constant 0 : i32
      %dma_start3A_70 = tpu.memref_slice %arg4[%dma_start3A_68, %dma_start3A_69] : memref<100000x16xf32, #tpu.memory_space<hbm>> -> memref<100000x16xf32, #tpu.memory_space<hbm>>
      tpu.enqueue_indirect_dma source(%dma_start3A_70 : memref<100000x16xf32, #tpu.memory_space<hbm>>) target(%arg12 : memref<800x16xf32, #tpu.memory_space<vmem>>) offsets(%arg10 : memref<800xi32, #tpu.memory_space<vmem>>) semaphore(%arg17 : memref<!tpu.dma_semaphore, #tpu.memory_space<semaphore_mem>>)
      "tpu.region"() ({
        %run_scoped3A = tpu.sem_alloc : memref<!tpu.dma_semaphore, #tpu.memory_space<semaphore_mem>>
        %dma_start3A_102 = arith.constant 0 : i32
        %dma_start3A_103 = arith.constant 0 : i32
        %dma_start3A_104 = tpu.memref_slice %arg13[%dma_start3A_102, %dma_start3A_103] : memref<100000x16xf32, #tpu.memory_space<vmem_shared>> -> memref<100000x16xf32, #tpu.memory_space<vmem_shared>>
        tpu.enqueue_indirect_dma source(%arg9 : memref<800x16xf32, #tpu.memory_space<vmem>>) target(%dma_start3A_104 : memref<100000x16xf32, #tpu.memory_space<vmem_shared>>) offsets(%arg8 : memref<800xi32, #tpu.memory_space<vmem>>) semaphore(%run_scoped3A : memref<!tpu.dma_semaphore, #tpu.memory_space<semaphore_mem>>) {add = true}
        %dma_wait3A_105 = arith.constant 0 : i32
        %dma_wait3A_106 = arith.constant 0 : i32
        %dma_wait3A_107 = tpu.memref_slice %arg13[%dma_wait3A_105, %dma_wait3A_106] : memref<100000x16xf32, #tpu.memory_space<vmem_shared>> -> memref<100000x16xf32, #tpu.memory_space<vmem_shared>>
        tpu.wait_indirect_dma semaphore(%run_scoped3A : memref<!tpu.dma_semaphore, #tpu.memory_space<semaphore_mem>>) src(%arg9 : memref<800x16xf32, #tpu.memory_space<vmem>>) dst(%dma_wait3A_107 : memref<100000x16xf32, #tpu.memory_space<vmem_shared>>)
        tpu.yield
      }) : () -> ()
      %mul3A_71 = arith.constant 2 : i32
      %mul3A_72 = arith.muli %mul3A_71, %add3A_56 : i32
      %add3A_73 = arith.constant 2 : i32
      %add3A_74 = arith.addi %mul3A_72, %add3A_73 : i32
      %mul3A_75 = arith.constant 800 : i32
      %mul3A_76 = arith.muli %add3A_74, %mul3A_75 : i32
      %add3A_77 = arith.addi %mul3A_4, %mul3A_76 : i32
      %multiple_of3A_78 = tpu.assume_multiple %add3A_77, 8 : i32
      %dma_start3A_79 = tpu.memref_slice %arg2[%multiple_of3A_78] : memref<3200000xi32, #tpu.memory_space<hbm>> -> memref<800xi32, #tpu.memory_space<hbm>>
      %dma_start3A_80 = tpu.memref_slice %arg2[%multiple_of3A_78] : memref<3200000xi32, #tpu.memory_space<hbm>> -> memref<800xi32, #tpu.memory_space<hbm>>
      tpu.enqueue_dma source(%dma_start3A_80 : memref<800xi32, #tpu.memory_space<hbm>>) target(%arg7 : memref<800xi32, #tpu.memory_space<vmem>>) target_semaphore(%arg14 : memref<!tpu.dma_semaphore, #tpu.memory_space<semaphore_mem>>)
      %dma_start3A_81 = tpu.memref_slice %arg3[%multiple_of3A_78] : memref<3200000xi32, #tpu.memory_space<hbm>> -> memref<800xi32, #tpu.memory_space<hbm>>
      %dma_start3A_82 = tpu.memref_slice %arg3[%multiple_of3A_78] : memref<3200000xi32, #tpu.memory_space<hbm>> -> memref<800xi32, #tpu.memory_space<hbm>>
      tpu.enqueue_dma source(%dma_start3A_82 : memref<800xi32, #tpu.memory_space<hbm>>) target(%arg8 : memref<800xi32, #tpu.memory_space<vmem>>) target_semaphore(%arg14 : memref<!tpu.dma_semaphore, #tpu.memory_space<semaphore_mem>>)
      %dma_wait3A_83 = arith.constant 0 : i32
      %dma_wait3A_84 = arith.constant 0 : i32
      %dma_wait3A_85 = tpu.memref_slice %arg4[%dma_wait3A_83, %dma_wait3A_84] : memref<100000x16xf32, #tpu.memory_space<hbm>> -> memref<100000x16xf32, #tpu.memory_space<hbm>>
      tpu.wait_indirect_dma semaphore(%arg17 : memref<!tpu.dma_semaphore, #tpu.memory_space<semaphore_mem>>) src(%dma_wait3A_85 : memref<100000x16xf32, #tpu.memory_space<hbm>>) dst(%arg12 : memref<800x16xf32, #tpu.memory_space<vmem>>)
      %dma_wait3A_86 = arith.constant 0 : i32
      %dma_wait3A_87 = tpu.memref_slice %arg2[%dma_wait3A_86] : memref<3200000xi32, #tpu.memory_space<hbm>> -> memref<800xi32, #tpu.memory_space<hbm>>
      %dma_wait3A_88 = arith.constant 0 : i32
      %dma_wait3A_89 = tpu.memref_slice %arg2[%dma_wait3A_88] : memref<3200000xi32, #tpu.memory_space<hbm>> -> memref<800xi32, #tpu.memory_space<hbm>>
      tpu.wait_dma2 semaphore(%arg14 : memref<!tpu.dma_semaphore, #tpu.memory_space<semaphore_mem>>) src(%dma_wait3A_89 : memref<800xi32, #tpu.memory_space<hbm>>) dst(%arg7 : memref<800xi32, #tpu.memory_space<vmem>>)
      %dma_wait3A_90 = arith.constant 0 : i32
      %dma_wait3A_91 = tpu.memref_slice %arg3[%dma_wait3A_90] : memref<3200000xi32, #tpu.memory_space<hbm>> -> memref<800xi32, #tpu.memory_space<hbm>>
      %dma_wait3A_92 = arith.constant 0 : i32
      %dma_wait3A_93 = tpu.memref_slice %arg3[%dma_wait3A_92] : memref<3200000xi32, #tpu.memory_space<hbm>> -> memref<800xi32, #tpu.memory_space<hbm>>
      tpu.wait_dma2 semaphore(%arg14 : memref<!tpu.dma_semaphore, #tpu.memory_space<semaphore_mem>>) src(%dma_wait3A_93 : memref<800xi32, #tpu.memory_space<hbm>>) dst(%arg8 : memref<800xi32, #tpu.memory_space<vmem>>)
      %dma_start3A_94 = arith.constant 0 : i32
      %dma_start3A_95 = arith.constant 0 : i32
      %dma_start3A_96 = tpu.memref_slice %arg4[%dma_start3A_94, %dma_start3A_95] : memref<100000x16xf32, #tpu.memory_space<hbm>> -> memref<100000x16xf32, #tpu.memory_space<hbm>>
      tpu.enqueue_indirect_dma source(%dma_start3A_96 : memref<100000x16xf32, #tpu.memory_space<hbm>>) target(%arg9 : memref<800x16xf32, #tpu.memory_space<vmem>>) offsets(%arg7 : memref<800xi32, #tpu.memory_space<vmem>>) semaphore(%arg16 : memref<!tpu.dma_semaphore, #tpu.memory_space<semaphore_mem>>)
      "tpu.region"() ({
        %run_scoped3A = tpu.sem_alloc : memref<!tpu.dma_semaphore, #tpu.memory_space<semaphore_mem>>
        %dma_start3A_102 = arith.constant 0 : i32
        %dma_start3A_103 = arith.constant 0 : i32
        %dma_start3A_104 = tpu.memref_slice %arg13[%dma_start3A_102, %dma_start3A_103] : memref<100000x16xf32, #tpu.memory_space<vmem_shared>> -> memref<100000x16xf32, #tpu.memory_space<vmem_shared>>
        tpu.enqueue_indirect_dma source(%arg12 : memref<800x16xf32, #tpu.memory_space<vmem>>) target(%dma_start3A_104 : memref<100000x16xf32, #tpu.memory_space<vmem_shared>>) offsets(%arg11 : memref<800xi32, #tpu.memory_space<vmem>>) semaphore(%run_scoped3A : memref<!tpu.dma_semaphore, #tpu.memory_space<semaphore_mem>>) {add = true}
        %dma_wait3A_105 = arith.constant 0 : i32
        %dma_wait3A_106 = arith.constant 0 : i32
        %dma_wait3A_107 = tpu.memref_slice %arg13[%dma_wait3A_105, %dma_wait3A_106] : memref<100000x16xf32, #tpu.memory_space<vmem_shared>> -> memref<100000x16xf32, #tpu.memory_space<vmem_shared>>
        tpu.wait_indirect_dma semaphore(%run_scoped3A : memref<!tpu.dma_semaphore, #tpu.memory_space<semaphore_mem>>) src(%arg12 : memref<800x16xf32, #tpu.memory_space<vmem>>) dst(%dma_wait3A_107 : memref<100000x16xf32, #tpu.memory_space<vmem_shared>>)
        tpu.yield
      }) : () -> ()
      %lt3A_97 = arith.constant 61 : i32
      %lt3A_98 = arith.cmpi slt, %add3A_56, %lt3A_97 : i32
      %convert_element_type3A_99 = arith.extui %lt3A_98 : i1 to i32
      %cond3A_100 = arith.constant 0 : i32
      %cond3A_101 = arith.cmpi ne, %convert_element_type3A_99, %cond3A_100 : i32
      scf.if %cond3A_101 {
        %mul3A_102 = arith.constant 2 : i32
        %mul3A_103 = arith.muli %mul3A_102, %add3A_56 : i32
        %add3A_104 = arith.constant 3 : i32
        %add3A_105 = arith.addi %mul3A_103, %add3A_104 : i32
        %mul3A_106 = arith.constant 800 : i32
        %mul3A_107 = arith.muli %add3A_105, %mul3A_106 : i32
        %add3A_108 = arith.addi %mul3A_4, %mul3A_107 : i32
        %multiple_of3A_109 = tpu.assume_multiple %add3A_108, 8 : i32
        %dma_start3A_110 = tpu.memref_slice %arg2[%multiple_of3A_109] : memref<3200000xi32, #tpu.memory_space<hbm>> -> memref<800xi32, #tpu.memory_space<hbm>>
        %dma_start3A_111 = tpu.memref_slice %arg2[%multiple_of3A_109] : memref<3200000xi32, #tpu.memory_space<hbm>> -> memref<800xi32, #tpu.memory_space<hbm>>
        tpu.enqueue_dma source(%dma_start3A_111 : memref<800xi32, #tpu.memory_space<hbm>>) target(%arg10 : memref<800xi32, #tpu.memory_space<vmem>>) target_semaphore(%arg15 : memref<!tpu.dma_semaphore, #tpu.memory_space<semaphore_mem>>)
        %dma_start3A_112 = tpu.memref_slice %arg3[%multiple_of3A_109] : memref<3200000xi32, #tpu.memory_space<hbm>> -> memref<800xi32, #tpu.memory_space<hbm>>
        %dma_start3A_113 = tpu.memref_slice %arg3[%multiple_of3A_109] : memref<3200000xi32, #tpu.memory_space<hbm>> -> memref<800xi32, #tpu.memory_space<hbm>>
        tpu.enqueue_dma source(%dma_start3A_113 : memref<800xi32, #tpu.memory_space<hbm>>) target(%arg11 : memref<800xi32, #tpu.memory_space<vmem>>) target_semaphore(%arg15 : memref<!tpu.dma_semaphore, #tpu.memory_space<semaphore_mem>>)
      } else {
      }
    }
    %scan3A_37 = arith.constant 62 : i32
    %dma_wait3A_38 = arith.constant 0 : i32
    %dma_wait3A_39 = arith.constant 0 : i32
    %dma_wait3A_40 = tpu.memref_slice %arg4[%dma_wait3A_38, %dma_wait3A_39] : memref<100000x16xf32, #tpu.memory_space<hbm>> -> memref<100000x16xf32, #tpu.memory_space<hbm>>
    tpu.wait_indirect_dma semaphore(%arg16 : memref<!tpu.dma_semaphore, #tpu.memory_space<semaphore_mem>>) src(%dma_wait3A_40 : memref<100000x16xf32, #tpu.memory_space<hbm>>) dst(%arg9 : memref<800x16xf32, #tpu.memory_space<vmem>>)
    "tpu.region"() ({
      %run_scoped3A = tpu.sem_alloc : memref<!tpu.dma_semaphore, #tpu.memory_space<semaphore_mem>>
      %dma_start3A_52 = arith.constant 0 : i32
      %dma_start3A_53 = arith.constant 0 : i32
      %dma_start3A_54 = tpu.memref_slice %arg13[%dma_start3A_52, %dma_start3A_53] : memref<100000x16xf32, #tpu.memory_space<vmem_shared>> -> memref<100000x16xf32, #tpu.memory_space<vmem_shared>>
      tpu.enqueue_indirect_dma source(%arg9 : memref<800x16xf32, #tpu.memory_space<vmem>>) target(%dma_start3A_54 : memref<100000x16xf32, #tpu.memory_space<vmem_shared>>) offsets(%arg8 : memref<800xi32, #tpu.memory_space<vmem>>) semaphore(%run_scoped3A : memref<!tpu.dma_semaphore, #tpu.memory_space<semaphore_mem>>) {add = true}
      %dma_wait3A_55 = arith.constant 0 : i32
      %dma_wait3A_56 = arith.constant 0 : i32
      %dma_wait3A_57 = tpu.memref_slice %arg13[%dma_wait3A_55, %dma_wait3A_56] : memref<100000x16xf32, #tpu.memory_space<vmem_shared>> -> memref<100000x16xf32, #tpu.memory_space<vmem_shared>>
      tpu.wait_indirect_dma semaphore(%run_scoped3A : memref<!tpu.dma_semaphore, #tpu.memory_space<semaphore_mem>>) src(%arg9 : memref<800x16xf32, #tpu.memory_space<vmem>>) dst(%dma_wait3A_57 : memref<100000x16xf32, #tpu.memory_space<vmem_shared>>)
      tpu.yield
    }) : () -> ()
    %barrier3A_41 = arith.constant 0 : index
    tpu.barrier barrier_id(%barrier3A_41)
    %lt3A_42 = arith.constant 15 : i32
    %lt3A_43 = arith.cmpi slt, %arg1, %lt3A_42 : i32
    %convert_element_type3A_44 = arith.extui %lt3A_43 : i1 to i32
    %cond3A_45 = arith.constant 0 : i32
    %cond3A_46 = arith.cmpi ne, %convert_element_type3A_44, %cond3A_45 : i32
    scf.if %cond3A_46 {
      "tpu.region"() ({
        %run_scoped3A = tpu.sem_alloc : memref<!tpu.dma_semaphore, #tpu.memory_space<semaphore_mem>>
        %dma_start3A_52 = arith.constant 0 : i32
        %dma_start3A_53 = tpu.memref_slice %arg6[%arg0, %multiple_of3A, %dma_start3A_52] : memref<2x100000x16xf32, #tpu.memory_space<hbm>> -> memref<1x6256x16xf32, #tpu.memory_space<hbm>>
        %dma_start3A_54 = tpu.memref_squeeze %dma_start3A_53 : memref<1x6256x16xf32, #tpu.memory_space<hbm>> -> memref<6256x16xf32, #tpu.memory_space<hbm>>
        %dma_start3A_55 = arith.constant 0 : i32
        %dma_start3A_56 = tpu.memref_slice %arg13[%multiple_of3A, %dma_start3A_55] : memref<100000x16xf32, #tpu.memory_space<vmem_shared>> -> memref<6256x16xf32, #tpu.memory_space<vmem_shared>>
        tpu.enqueue_dma source(%dma_start3A_56 : memref<6256x16xf32, #tpu.memory_space<vmem_shared>>) target(%dma_start3A_54 : memref<6256x16xf32, #tpu.memory_space<hbm>>) target_semaphore(%run_scoped3A : memref<!tpu.dma_semaphore, #tpu.memory_space<semaphore_mem>>)
        %dma_wait3A_57 = arith.constant 0 : i32
        %dma_wait3A_58 = tpu.memref_slice %arg6[%arg0, %multiple_of3A, %dma_wait3A_57] : memref<2x100000x16xf32, #tpu.memory_space<hbm>> -> memref<1x6256x16xf32, #tpu.memory_space<hbm>>
        %dma_wait3A_59 = tpu.memref_squeeze %dma_wait3A_58 : memref<1x6256x16xf32, #tpu.memory_space<hbm>> -> memref<6256x16xf32, #tpu.memory_space<hbm>>
        %dma_wait3A_60 = arith.constant 0 : i32
        %dma_wait3A_61 = tpu.memref_slice %arg13[%multiple_of3A, %dma_wait3A_60] : memref<100000x16xf32, #tpu.memory_space<vmem_shared>> -> memref<6256x16xf32, #tpu.memory_space<vmem_shared>>
        tpu.wait_dma2 semaphore(%run_scoped3A : memref<!tpu.dma_semaphore, #tpu.memory_space<semaphore_mem>>) src(%dma_wait3A_61 : memref<6256x16xf32, #tpu.memory_space<vmem_shared>>) dst(%dma_wait3A_59 : memref<6256x16xf32, #tpu.memory_space<hbm>>)
        tpu.yield
      }) : () -> ()
    } else {
    }
    %eq3A_47 = arith.constant 15 : i32
    %eq3A_48 = arith.cmpi eq, %arg1, %eq3A_47 : i32
    %convert_element_type3A_49 = arith.extui %eq3A_48 : i1 to i32
    %cond3A_50 = arith.constant 0 : i32
    %cond3A_51 = arith.cmpi ne, %convert_element_type3A_49, %cond3A_50 : i32
    scf.if %cond3A_51 {
      "tpu.region"() ({
        %run_scoped3A = tpu.sem_alloc : memref<!tpu.dma_semaphore, #tpu.memory_space<semaphore_mem>>
        %dma_start3A_52 = arith.constant 93840 : i32
        %dma_start3A_53 = arith.constant 0 : i32
        %dma_start3A_54 = tpu.memref_slice %arg6[%arg0, %dma_start3A_52, %dma_start3A_53] : memref<2x100000x16xf32, #tpu.memory_space<hbm>> -> memref<1x6160x16xf32, #tpu.memory_space<hbm>>
        %dma_start3A_55 = tpu.memref_squeeze %dma_start3A_54 : memref<1x6160x16xf32, #tpu.memory_space<hbm>> -> memref<6160x16xf32, #tpu.memory_space<hbm>>
        %dma_start3A_56 = arith.constant 93840 : i32
        %dma_start3A_57 = arith.constant 0 : i32
        %dma_start3A_58 = tpu.memref_slice %arg13[%dma_start3A_56, %dma_start3A_57] : memref<100000x16xf32, #tpu.memory_space<vmem_shared>> -> memref<6160x16xf32, #tpu.memory_space<vmem_shared>>
        tpu.enqueue_dma source(%dma_start3A_58 : memref<6160x16xf32, #tpu.memory_space<vmem_shared>>) target(%dma_start3A_55 : memref<6160x16xf32, #tpu.memory_space<hbm>>) target_semaphore(%run_scoped3A : memref<!tpu.dma_semaphore, #tpu.memory_space<semaphore_mem>>)
        %dma_wait3A_59 = arith.constant 93840 : i32
        %dma_wait3A_60 = arith.constant 0 : i32
        %dma_wait3A_61 = tpu.memref_slice %arg6[%arg0, %dma_wait3A_59, %dma_wait3A_60] : memref<2x100000x16xf32, #tpu.memory_space<hbm>> -> memref<1x6160x16xf32, #tpu.memory_space<hbm>>
        %dma_wait3A_62 = tpu.memref_squeeze %dma_wait3A_61 : memref<1x6160x16xf32, #tpu.memory_space<hbm>> -> memref<6160x16xf32, #tpu.memory_space<hbm>>
        %dma_wait3A_63 = arith.constant 93840 : i32
        %dma_wait3A_64 = arith.constant 0 : i32
        %dma_wait3A_65 = tpu.memref_slice %arg13[%dma_wait3A_63, %dma_wait3A_64] : memref<100000x16xf32, #tpu.memory_space<vmem_shared>> -> memref<6160x16xf32, #tpu.memory_space<vmem_shared>>
        tpu.wait_dma2 semaphore(%run_scoped3A : memref<!tpu.dma_semaphore, #tpu.memory_space<semaphore_mem>>) src(%dma_wait3A_65 : memref<6160x16xf32, #tpu.memory_space<vmem_shared>>) dst(%dma_wait3A_62 : memref<6160x16xf32, #tpu.memory_space<hbm>>)
        tpu.yield
      }) : () -> ()
    } else {
    }
    return
  }
}

#map = affine_map<(d0, d1) -> (0)>
#map1 = affine_map<(d0, d1) -> (0, 0)>
#map2 = affine_map<(d0, d1) -> (0, 0, 0)>
module attributes {stable_mosaic.version = 14 : i64} {
  func.func @_sc_body(%arg0: i32, %arg1: i32, %arg2: memref<3200000xi32, #tpu.memory_space<hbm>>, %arg3: memref<3200000xi32, #tpu.memory_space<hbm>>, %arg4: memref<100000x16xf32, #tpu.memory_space<hbm>>, %arg5: memref<6256x16xf32, #tpu.memory_space<hbm>>, %arg6: memref<2x100000x16xf32, #tpu.memory_space<hbm>>, %arg7: memref<800xi32, #tpu.memory_space<vmem>>, %arg8: memref<800xi32, #tpu.memory_space<vmem>>, %arg9: memref<800x16xf32, #tpu.memory_space<vmem>>, %arg10: memref<800xi32, #tpu.memory_space<vmem>>, %arg11: memref<800xi32, #tpu.memory_space<vmem>>, %arg12: memref<800x16xf32, #tpu.memory_space<vmem>>, %arg13: memref<100000x16xf32, #tpu.memory_space<vmem_shared>>, %arg14: memref<!tpu.dma_semaphore, #tpu.memory_space<semaphore_mem>>, %arg15: memref<!tpu.dma_semaphore, #tpu.memory_space<semaphore_mem>>, %arg16: memref<!tpu.dma_semaphore, #tpu.memory_space<semaphore_mem>>, %arg17: memref<!tpu.dma_semaphore, #tpu.memory_space<semaphore_mem>>) attributes {dimension_semantics = [#tpu.dimension_semantics<core_parallel>, #tpu.dimension_semantics<subcore_parallel>], iteration_bounds = array<i64: 2, 16>, scalar_prefetch = 0 : i64, scratch_operands = 11 : i64, tpu.core_type = #tpu.core_type<sc_vector_subcore>, window_params = [{transform_indices = #map}, {transform_indices = #map}, {transform_indices = #map1}, {transform_indices = #map1}, {transform_indices = #map2}]} {
    %mul3A = arith.constant 6256 : i32
    %mul3A_0 = arith.muli %arg1, %mul3A : i32
    %multiple_of3A = tpu.assume_multiple %mul3A_0, 8 : i32
    %mul3A_1 = arith.constant 16 : i32
    %mul3A_2 = arith.muli %arg0, %mul3A_1 : i32
    %add3A = arith.addi %mul3A_2, %arg1 : i32
    %mul3A_3 = arith.constant 100000 : i32
    %mul3A_4 = arith.muli %add3A, %mul3A_3 : i32
    %add3A_5 = arith.constant 0 : i32
    %add3A_6 = arith.addi %mul3A_4, %add3A_5 : i32
    %multiple_of3A_7 = tpu.assume_multiple %add3A_6, 8 : i32
    %dma_start3A = tpu.memref_slice %arg2[%multiple_of3A_7] : memref<3200000xi32, #tpu.memory_space<hbm>> -> memref<800xi32, #tpu.memory_space<hbm>>
    %dma_start3A_8 = tpu.memref_slice %arg2[%multiple_of3A_7] : memref<3200000xi32, #tpu.memory_space<hbm>> -> memref<800xi32, #tpu.memory_space<hbm>>
    tpu.enqueue_dma source(%dma_start3A_8 : memref<800xi32, #tpu.memory_space<hbm>>) target(%arg7 : memref<800xi32, #tpu.memory_space<vmem>>) target_semaphore(%arg14 : memref<!tpu.dma_semaphore, #tpu.memory_space<semaphore_mem>>)
    %dma_start3A_9 = tpu.memref_slice %arg3[%multiple_of3A_7] : memref<3200000xi32, #tpu.memory_space<hbm>> -> memref<800xi32, #tpu.memory_space<hbm>>
    %dma_start3A_10 = tpu.memref_slice %arg3[%multiple_of3A_7] : memref<3200000xi32, #tpu.memory_space<hbm>> -> memref<800xi32, #tpu.memory_space<hbm>>
    tpu.enqueue_dma source(%dma_start3A_10 : memref<800xi32, #tpu.memory_space<hbm>>) target(%arg8 : memref<800xi32, #tpu.memory_space<vmem>>) target_semaphore(%arg14 : memref<!tpu.dma_semaphore, #tpu.memory_space<semaphore_mem>>)
    %add3A_11 = arith.constant 800 : i32
    %add3A_12 = arith.addi %mul3A_4, %add3A_11 : i32
    %multiple_of3A_13 = tpu.assume_multiple %add3A_12, 8 : i32
    %dma_start3A_14 = tpu.memref_slice %arg2[%multiple_of3A_13] : memref<3200000xi32, #tpu.memory_space<hbm>> -> memref<800xi32, #tpu.memory_space<hbm>>
    %dma_start3A_15 = tpu.memref_slice %arg2[%multiple_of3A_13] : memref<3200000xi32, #tpu.memory_space<hbm>> -> memref<800xi32, #tpu.memory_space<hbm>>
    tpu.enqueue_dma source(%dma_start3A_15 : memref<800xi32, #tpu.memory_space<hbm>>) target(%arg10 : memref<800xi32, #tpu.memory_space<vmem>>) target_semaphore(%arg15 : memref<!tpu.dma_semaphore, #tpu.memory_space<semaphore_mem>>)
    %dma_start3A_16 = tpu.memref_slice %arg3[%multiple_of3A_13] : memref<3200000xi32, #tpu.memory_space<hbm>> -> memref<800xi32, #tpu.memory_space<hbm>>
    %dma_start3A_17 = tpu.memref_slice %arg3[%multiple_of3A_13] : memref<3200000xi32, #tpu.memory_space<hbm>> -> memref<800xi32, #tpu.memory_space<hbm>>
    tpu.enqueue_dma source(%dma_start3A_17 : memref<800xi32, #tpu.memory_space<hbm>>) target(%arg11 : memref<800xi32, #tpu.memory_space<vmem>>) target_semaphore(%arg15 : memref<!tpu.dma_semaphore, #tpu.memory_space<semaphore_mem>>)
    %lt3A = arith.constant 15 : i32
    %lt3A_18 = arith.cmpi slt, %arg1, %lt3A : i32
    %convert_element_type3A = arith.extui %lt3A_18 : i1 to i32
    %cond3A = arith.constant 0 : i32
    %cond3A_19 = arith.cmpi ne, %convert_element_type3A, %cond3A : i32
    scf.if %cond3A_19 {
      "tpu.region"() ({
        %run_scoped3A = tpu.sem_alloc : memref<!tpu.dma_semaphore, #tpu.memory_space<semaphore_mem>>
        %dma_start3A_52 = arith.constant 0 : i32
        %dma_start3A_53 = tpu.memref_slice %arg13[%multiple_of3A, %dma_start3A_52] : memref<100000x16xf32, #tpu.memory_space<vmem_shared>> -> memref<6256x16xf32, #tpu.memory_space<vmem_shared>>
        tpu.enqueue_dma source(%arg5 : memref<6256x16xf32, #tpu.memory_space<hbm>>) target(%dma_start3A_53 : memref<6256x16xf32, #tpu.memory_space<vmem_shared>>) target_semaphore(%run_scoped3A : memref<!tpu.dma_semaphore, #tpu.memory_space<semaphore_mem>>)
        %dma_wait3A_54 = arith.constant 0 : i32
        %dma_wait3A_55 = tpu.memref_slice %arg13[%multiple_of3A, %dma_wait3A_54] : memref<100000x16xf32, #tpu.memory_space<vmem_shared>> -> memref<6256x16xf32, #tpu.memory_space<vmem_shared>>
        tpu.wait_dma2 semaphore(%run_scoped3A : memref<!tpu.dma_semaphore, #tpu.memory_space<semaphore_mem>>) src(%arg5 : memref<6256x16xf32, #tpu.memory_space<hbm>>) dst(%dma_wait3A_55 : memref<6256x16xf32, #tpu.memory_space<vmem_shared>>)
        tpu.yield
      }) : () -> ()
    } else {
    }
    %eq3A = arith.constant 15 : i32
    %eq3A_20 = arith.cmpi eq, %arg1, %eq3A : i32
    %convert_element_type3A_21 = arith.extui %eq3A_20 : i1 to i32
    %cond3A_22 = arith.constant 0 : i32
    %cond3A_23 = arith.cmpi ne, %convert_element_type3A_21, %cond3A_22 : i32
    scf.if %cond3A_23 {
      "tpu.region"() ({
        %run_scoped3A = tpu.sem_alloc : memref<!tpu.dma_semaphore, #tpu.memory_space<semaphore_mem>>
        %dma_start3A_52 = arith.constant 93840 : i32
        %dma_start3A_53 = arith.constant 0 : i32
        %dma_start3A_54 = tpu.memref_slice %arg13[%dma_start3A_52, %dma_start3A_53] : memref<100000x16xf32, #tpu.memory_space<vmem_shared>> -> memref<6160x16xf32, #tpu.memory_space<vmem_shared>>
        %dma_start3A_55 = arith.constant 0 : i32
        %dma_start3A_56 = arith.constant 0 : i32
        %dma_start3A_57 = tpu.memref_slice %arg5[%dma_start3A_55, %dma_start3A_56] : memref<6256x16xf32, #tpu.memory_space<hbm>> -> memref<6160x16xf32, #tpu.memory_space<hbm>>
        tpu.enqueue_dma source(%dma_start3A_57 : memref<6160x16xf32, #tpu.memory_space<hbm>>) target(%dma_start3A_54 : memref<6160x16xf32, #tpu.memory_space<vmem_shared>>) target_semaphore(%run_scoped3A : memref<!tpu.dma_semaphore, #tpu.memory_space<semaphore_mem>>)
        %dma_wait3A_58 = arith.constant 93840 : i32
        %dma_wait3A_59 = arith.constant 0 : i32
        %dma_wait3A_60 = tpu.memref_slice %arg13[%dma_wait3A_58, %dma_wait3A_59] : memref<100000x16xf32, #tpu.memory_space<vmem_shared>> -> memref<6160x16xf32, #tpu.memory_space<vmem_shared>>
        %dma_wait3A_61 = arith.constant 0 : i32
        %dma_wait3A_62 = arith.constant 0 : i32
        %dma_wait3A_63 = tpu.memref_slice %arg5[%dma_wait3A_61, %dma_wait3A_62] : memref<6256x16xf32, #tpu.memory_space<hbm>> -> memref<6160x16xf32, #tpu.memory_space<hbm>>
        tpu.wait_dma2 semaphore(%run_scoped3A : memref<!tpu.dma_semaphore, #tpu.memory_space<semaphore_mem>>) src(%dma_wait3A_63 : memref<6160x16xf32, #tpu.memory_space<hbm>>) dst(%dma_wait3A_60 : memref<6160x16xf32, #tpu.memory_space<vmem_shared>>)
        tpu.yield
      }) : () -> ()
    } else {
    }
    %dma_wait3A = arith.constant 0 : i32
    %dma_wait3A_24 = tpu.memref_slice %arg2[%dma_wait3A] : memref<3200000xi32, #tpu.memory_space<hbm>> -> memref<800xi32, #tpu.memory_space<hbm>>
    %dma_wait3A_25 = arith.constant 0 : i32
    %dma_wait3A_26 = tpu.memref_slice %arg2[%dma_wait3A_25] : memref<3200000xi32, #tpu.memory_space<hbm>> -> memref<800xi32, #tpu.memory_space<hbm>>
    tpu.wait_dma2 semaphore(%arg14 : memref<!tpu.dma_semaphore, #tpu.memory_space<semaphore_mem>>) src(%dma_wait3A_26 : memref<800xi32, #tpu.memory_space<hbm>>) dst(%arg7 : memref<800xi32, #tpu.memory_space<vmem>>)
    %dma_wait3A_27 = arith.constant 0 : i32
    %dma_wait3A_28 = tpu.memref_slice %arg3[%dma_wait3A_27] : memref<3200000xi32, #tpu.memory_space<hbm>> -> memref<800xi32, #tpu.memory_space<hbm>>
    %dma_wait3A_29 = arith.constant 0 : i32
    %dma_wait3A_30 = tpu.memref_slice %arg3[%dma_wait3A_29] : memref<3200000xi32, #tpu.memory_space<hbm>> -> memref<800xi32, #tpu.memory_space<hbm>>
    tpu.wait_dma2 semaphore(%arg14 : memref<!tpu.dma_semaphore, #tpu.memory_space<semaphore_mem>>) src(%dma_wait3A_30 : memref<800xi32, #tpu.memory_space<hbm>>) dst(%arg8 : memref<800xi32, #tpu.memory_space<vmem>>)
    %dma_start3A_31 = arith.constant 0 : i32
    %dma_start3A_32 = arith.constant 0 : i32
    %dma_start3A_33 = tpu.memref_slice %arg4[%dma_start3A_31, %dma_start3A_32] : memref<100000x16xf32, #tpu.memory_space<hbm>> -> memref<100000x16xf32, #tpu.memory_space<hbm>>
    tpu.enqueue_indirect_dma source(%dma_start3A_33 : memref<100000x16xf32, #tpu.memory_space<hbm>>) target(%arg9 : memref<800x16xf32, #tpu.memory_space<vmem>>) offsets(%arg7 : memref<800xi32, #tpu.memory_space<vmem>>) semaphore(%arg16 : memref<!tpu.dma_semaphore, #tpu.memory_space<semaphore_mem>>)
    %barrier3A = arith.constant 0 : index
    tpu.barrier barrier_id(%barrier3A)
    %scan3A = arith.constant 0 : i32
    %scan3A_34 = arith.constant 62 : i32
    %scan3A_35 = arith.addi %scan3A, %scan3A_34 : i32
    %scan3A_36 = arith.constant 1 : i32
    scf.for %scan3A_52 = %scan3A to %scan3A_35 step %scan3A_36  : i32 {
      %mul3A_53 = arith.constant 1 : i32
      %mul3A_54 = arith.muli %scan3A_52, %mul3A_53 : i32
      %add3A_55 = arith.constant 0 : i32
      %add3A_56 = arith.addi %add3A_55, %mul3A_54 : i32
      %dma_wait3A_57 = arith.constant 0 : i32
      %dma_wait3A_58 = arith.constant 0 : i32
      %dma_wait3A_59 = tpu.memref_slice %arg4[%dma_wait3A_57, %dma_wait3A_58] : memref<100000x16xf32, #tpu.memory_space<hbm>> -> memref<100000x16xf32, #tpu.memory_space<hbm>>
      tpu.wait_indirect_dma semaphore(%arg16 : memref<!tpu.dma_semaphore, #tpu.memory_space<semaphore_mem>>) src(%dma_wait3A_59 : memref<100000x16xf32, #tpu.memory_space<hbm>>) dst(%arg9 : memref<800x16xf32, #tpu.memory_space<vmem>>)
      %dma_wait3A_60 = arith.constant 0 : i32
      %dma_wait3A_61 = tpu.memref_slice %arg2[%dma_wait3A_60] : memref<3200000xi32, #tpu.memory_space<hbm>> -> memref<800xi32, #tpu.memory_space<hbm>>
      %dma_wait3A_62 = arith.constant 0 : i32
      %dma_wait3A_63 = tpu.memref_slice %arg2[%dma_wait3A_62] : memref<3200000xi32, #tpu.memory_space<hbm>> -> memref<800xi32, #tpu.memory_space<hbm>>
      tpu.wait_dma2 semaphore(%arg15 : memref<!tpu.dma_semaphore, #tpu.memory_space<semaphore_mem>>) src(%dma_wait3A_63 : memref<800xi32, #tpu.memory_space<hbm>>) dst(%arg10 : memref<800xi32, #tpu.memory_space<vmem>>)
      %dma_wait3A_64 = arith.constant 0 : i32
      %dma_wait3A_65 = tpu.memref_slice %arg3[%dma_wait3A_64] : memref<3200000xi32, #tpu.memory_space<hbm>> -> memref<800xi32, #tpu.memory_space<hbm>>
      %dma_wait3A_66 = arith.constant 0 : i32
      %dma_wait3A_67 = tpu.memref_slice %arg3[%dma_wait3A_66] : memref<3200000xi32, #tpu.memory_space<hbm>> -> memref<800xi32, #tpu.memory_space<hbm>>
      tpu.wait_dma2 semaphore(%arg15 : memref<!tpu.dma_semaphore, #tpu.memory_space<semaphore_mem>>) src(%dma_wait3A_67 : memref<800xi32, #tpu.memory_space<hbm>>) dst(%arg11 : memref<800xi32, #tpu.memory_space<vmem>>)
      %dma_start3A_68 = arith.constant 0 : i32
      %dma_start3A_69 = arith.constant 0 : i32
      %dma_start3A_70 = tpu.memref_slice %arg4[%dma_start3A_68, %dma_start3A_69] : memref<100000x16xf32, #tpu.memory_space<hbm>> -> memref<100000x16xf32, #tpu.memory_space<hbm>>
      tpu.enqueue_indirect_dma source(%dma_start3A_70 : memref<100000x16xf32, #tpu.memory_space<hbm>>) target(%arg12 : memref<800x16xf32, #tpu.memory_space<vmem>>) offsets(%arg10 : memref<800xi32, #tpu.memory_space<vmem>>) semaphore(%arg17 : memref<!tpu.dma_semaphore, #tpu.memory_space<semaphore_mem>>)
      "tpu.region"() ({
        %run_scoped3A = tpu.sem_alloc : memref<!tpu.dma_semaphore, #tpu.memory_space<semaphore_mem>>
        %dma_start3A_102 = arith.constant 0 : i32
        %dma_start3A_103 = arith.constant 0 : i32
        %dma_start3A_104 = tpu.memref_slice %arg13[%dma_start3A_102, %dma_start3A_103] : memref<100000x16xf32, #tpu.memory_space<vmem_shared>> -> memref<100000x16xf32, #tpu.memory_space<vmem_shared>>
        tpu.enqueue_indirect_dma source(%arg9 : memref<800x16xf32, #tpu.memory_space<vmem>>) target(%dma_start3A_104 : memref<100000x16xf32, #tpu.memory_space<vmem_shared>>) offsets(%arg8 : memref<800xi32, #tpu.memory_space<vmem>>) semaphore(%run_scoped3A : memref<!tpu.dma_semaphore, #tpu.memory_space<semaphore_mem>>) {add = true}
        %dma_wait3A_105 = arith.constant 0 : i32
        %dma_wait3A_106 = arith.constant 0 : i32
        %dma_wait3A_107 = tpu.memref_slice %arg13[%dma_wait3A_105, %dma_wait3A_106] : memref<100000x16xf32, #tpu.memory_space<vmem_shared>> -> memref<100000x16xf32, #tpu.memory_space<vmem_shared>>
        tpu.wait_indirect_dma semaphore(%run_scoped3A : memref<!tpu.dma_semaphore, #tpu.memory_space<semaphore_mem>>) src(%arg9 : memref<800x16xf32, #tpu.memory_space<vmem>>) dst(%dma_wait3A_107 : memref<100000x16xf32, #tpu.memory_space<vmem_shared>>)
        tpu.yield
      }) : () -> ()
      %mul3A_71 = arith.constant 2 : i32
      %mul3A_72 = arith.muli %mul3A_71, %add3A_56 : i32
      %add3A_73 = arith.constant 2 : i32
      %add3A_74 = arith.addi %mul3A_72, %add3A_73 : i32
      %mul3A_75 = arith.constant 800 : i32
      %mul3A_76 = arith.muli %add3A_74, %mul3A_75 : i32
      %add3A_77 = arith.addi %mul3A_4, %mul3A_76 : i32
      %multiple_of3A_78 = tpu.assume_multiple %add3A_77, 8 : i32
      %dma_start3A_79 = tpu.memref_slice %arg2[%multiple_of3A_78] : memref<3200000xi32, #tpu.memory_space<hbm>> -> memref<800xi32, #tpu.memory_space<hbm>>
      %dma_start3A_80 = tpu.memref_slice %arg2[%multiple_of3A_78] : memref<3200000xi32, #tpu.memory_space<hbm>> -> memref<800xi32, #tpu.memory_space<hbm>>
      tpu.enqueue_dma source(%dma_start3A_80 : memref<800xi32, #tpu.memory_space<hbm>>) target(%arg7 : memref<800xi32, #tpu.memory_space<vmem>>) target_semaphore(%arg14 : memref<!tpu.dma_semaphore, #tpu.memory_space<semaphore_mem>>)
      %dma_start3A_81 = tpu.memref_slice %arg3[%multiple_of3A_78] : memref<3200000xi32, #tpu.memory_space<hbm>> -> memref<800xi32, #tpu.memory_space<hbm>>
      %dma_start3A_82 = tpu.memref_slice %arg3[%multiple_of3A_78] : memref<3200000xi32, #tpu.memory_space<hbm>> -> memref<800xi32, #tpu.memory_space<hbm>>
      tpu.enqueue_dma source(%dma_start3A_82 : memref<800xi32, #tpu.memory_space<hbm>>) target(%arg8 : memref<800xi32, #tpu.memory_space<vmem>>) target_semaphore(%arg14 : memref<!tpu.dma_semaphore, #tpu.memory_space<semaphore_mem>>)
      %dma_wait3A_83 = arith.constant 0 : i32
      %dma_wait3A_84 = arith.constant 0 : i32
      %dma_wait3A_85 = tpu.memref_slice %arg4[%dma_wait3A_83, %dma_wait3A_84] : memref<100000x16xf32, #tpu.memory_space<hbm>> -> memref<100000x16xf32, #tpu.memory_space<hbm>>
      tpu.wait_indirect_dma semaphore(%arg17 : memref<!tpu.dma_semaphore, #tpu.memory_space<semaphore_mem>>) src(%dma_wait3A_85 : memref<100000x16xf32, #tpu.memory_space<hbm>>) dst(%arg12 : memref<800x16xf32, #tpu.memory_space<vmem>>)
      %dma_wait3A_86 = arith.constant 0 : i32
      %dma_wait3A_87 = tpu.memref_slice %arg2[%dma_wait3A_86] : memref<3200000xi32, #tpu.memory_space<hbm>> -> memref<800xi32, #tpu.memory_space<hbm>>
      %dma_wait3A_88 = arith.constant 0 : i32
      %dma_wait3A_89 = tpu.memref_slice %arg2[%dma_wait3A_88] : memref<3200000xi32, #tpu.memory_space<hbm>> -> memref<800xi32, #tpu.memory_space<hbm>>
      tpu.wait_dma2 semaphore(%arg14 : memref<!tpu.dma_semaphore, #tpu.memory_space<semaphore_mem>>) src(%dma_wait3A_89 : memref<800xi32, #tpu.memory_space<hbm>>) dst(%arg7 : memref<800xi32, #tpu.memory_space<vmem>>)
      %dma_wait3A_90 = arith.constant 0 : i32
      %dma_wait3A_91 = tpu.memref_slice %arg3[%dma_wait3A_90] : memref<3200000xi32, #tpu.memory_space<hbm>> -> memref<800xi32, #tpu.memory_space<hbm>>
      %dma_wait3A_92 = arith.constant 0 : i32
      %dma_wait3A_93 = tpu.memref_slice %arg3[%dma_wait3A_92] : memref<3200000xi32, #tpu.memory_space<hbm>> -> memref<800xi32, #tpu.memory_space<hbm>>
      tpu.wait_dma2 semaphore(%arg14 : memref<!tpu.dma_semaphore, #tpu.memory_space<semaphore_mem>>) src(%dma_wait3A_93 : memref<800xi32, #tpu.memory_space<hbm>>) dst(%arg8 : memref<800xi32, #tpu.memory_space<vmem>>)
      %dma_start3A_94 = arith.constant 0 : i32
      %dma_start3A_95 = arith.constant 0 : i32
      %dma_start3A_96 = tpu.memref_slice %arg4[%dma_start3A_94, %dma_start3A_95] : memref<100000x16xf32, #tpu.memory_space<hbm>> -> memref<100000x16xf32, #tpu.memory_space<hbm>>
      tpu.enqueue_indirect_dma source(%dma_start3A_96 : memref<100000x16xf32, #tpu.memory_space<hbm>>) target(%arg9 : memref<800x16xf32, #tpu.memory_space<vmem>>) offsets(%arg7 : memref<800xi32, #tpu.memory_space<vmem>>) semaphore(%arg16 : memref<!tpu.dma_semaphore, #tpu.memory_space<semaphore_mem>>)
      "tpu.region"() ({
        %run_scoped3A = tpu.sem_alloc : memref<!tpu.dma_semaphore, #tpu.memory_space<semaphore_mem>>
        %dma_start3A_102 = arith.constant 0 : i32
        %dma_start3A_103 = arith.constant 0 : i32
        %dma_start3A_104 = tpu.memref_slice %arg13[%dma_start3A_102, %dma_start3A_103] : memref<100000x16xf32, #tpu.memory_space<vmem_shared>> -> memref<100000x16xf32, #tpu.memory_space<vmem_shared>>
        tpu.enqueue_indirect_dma source(%arg12 : memref<800x16xf32, #tpu.memory_space<vmem>>) target(%dma_start3A_104 : memref<100000x16xf32, #tpu.memory_space<vmem_shared>>) offsets(%arg11 : memref<800xi32, #tpu.memory_space<vmem>>) semaphore(%run_scoped3A : memref<!tpu.dma_semaphore, #tpu.memory_space<semaphore_mem>>) {add = true}
        %dma_wait3A_105 = arith.constant 0 : i32
        %dma_wait3A_106 = arith.constant 0 : i32
        %dma_wait3A_107 = tpu.memref_slice %arg13[%dma_wait3A_105, %dma_wait3A_106] : memref<100000x16xf32, #tpu.memory_space<vmem_shared>> -> memref<100000x16xf32, #tpu.memory_space<vmem_shared>>
        tpu.wait_indirect_dma semaphore(%run_scoped3A : memref<!tpu.dma_semaphore, #tpu.memory_space<semaphore_mem>>) src(%arg12 : memref<800x16xf32, #tpu.memory_space<vmem>>) dst(%dma_wait3A_107 : memref<100000x16xf32, #tpu.memory_space<vmem_shared>>)
        tpu.yield
      }) : () -> ()
      %lt3A_97 = arith.constant 61 : i32
      %lt3A_98 = arith.cmpi slt, %add3A_56, %lt3A_97 : i32
      %convert_element_type3A_99 = arith.extui %lt3A_98 : i1 to i32
      %cond3A_100 = arith.constant 0 : i32
      %cond3A_101 = arith.cmpi ne, %convert_element_type3A_99, %cond3A_100 : i32
      scf.if %cond3A_101 {
        %mul3A_102 = arith.constant 2 : i32
        %mul3A_103 = arith.muli %mul3A_102, %add3A_56 : i32
        %add3A_104 = arith.constant 3 : i32
        %add3A_105 = arith.addi %mul3A_103, %add3A_104 : i32
        %mul3A_106 = arith.constant 800 : i32
        %mul3A_107 = arith.muli %add3A_105, %mul3A_106 : i32
        %add3A_108 = arith.addi %mul3A_4, %mul3A_107 : i32
        %multiple_of3A_109 = tpu.assume_multiple %add3A_108, 8 : i32
        %dma_start3A_110 = tpu.memref_slice %arg2[%multiple_of3A_109] : memref<3200000xi32, #tpu.memory_space<hbm>> -> memref<800xi32, #tpu.memory_space<hbm>>
        %dma_start3A_111 = tpu.memref_slice %arg2[%multiple_of3A_109] : memref<3200000xi32, #tpu.memory_space<hbm>> -> memref<800xi32, #tpu.memory_space<hbm>>
        tpu.enqueue_dma source(%dma_start3A_111 : memref<800xi32, #tpu.memory_space<hbm>>) target(%arg10 : memref<800xi32, #tpu.memory_space<vmem>>) target_semaphore(%arg15 : memref<!tpu.dma_semaphore, #tpu.memory_space<semaphore_mem>>)
        %dma_start3A_112 = tpu.memref_slice %arg3[%multiple_of3A_109] : memref<3200000xi32, #tpu.memory_space<hbm>> -> memref<800xi32, #tpu.memory_space<hbm>>
        %dma_start3A_113 = tpu.memref_slice %arg3[%multiple_of3A_109] : memref<3200000xi32, #tpu.memory_space<hbm>> -> memref<800xi32, #tpu.memory_space<hbm>>
        tpu.enqueue_dma source(%dma_start3A_113 : memref<800xi32, #tpu.memory_space<hbm>>) target(%arg11 : memref<800xi32, #tpu.memory_space<vmem>>) target_semaphore(%arg15 : memref<!tpu.dma_semaphore, #tpu.memory_space<semaphore_mem>>)
      } else {
      }
    }
    %scan3A_37 = arith.constant 62 : i32
    %dma_wait3A_38 = arith.constant 0 : i32
    %dma_wait3A_39 = arith.constant 0 : i32
    %dma_wait3A_40 = tpu.memref_slice %arg4[%dma_wait3A_38, %dma_wait3A_39] : memref<100000x16xf32, #tpu.memory_space<hbm>> -> memref<100000x16xf32, #tpu.memory_space<hbm>>
    tpu.wait_indirect_dma semaphore(%arg16 : memref<!tpu.dma_semaphore, #tpu.memory_space<semaphore_mem>>) src(%dma_wait3A_40 : memref<100000x16xf32, #tpu.memory_space<hbm>>) dst(%arg9 : memref<800x16xf32, #tpu.memory_space<vmem>>)
    "tpu.region"() ({
      %run_scoped3A = tpu.sem_alloc : memref<!tpu.dma_semaphore, #tpu.memory_space<semaphore_mem>>
      %dma_start3A_52 = arith.constant 0 : i32
      %dma_start3A_53 = arith.constant 0 : i32
      %dma_start3A_54 = tpu.memref_slice %arg13[%dma_start3A_52, %dma_start3A_53] : memref<100000x16xf32, #tpu.memory_space<vmem_shared>> -> memref<100000x16xf32, #tpu.memory_space<vmem_shared>>
      tpu.enqueue_indirect_dma source(%arg9 : memref<800x16xf32, #tpu.memory_space<vmem>>) target(%dma_start3A_54 : memref<100000x16xf32, #tpu.memory_space<vmem_shared>>) offsets(%arg8 : memref<800xi32, #tpu.memory_space<vmem>>) semaphore(%run_scoped3A : memref<!tpu.dma_semaphore, #tpu.memory_space<semaphore_mem>>) {add = true}
      %dma_wait3A_55 = arith.constant 0 : i32
      %dma_wait3A_56 = arith.constant 0 : i32
      %dma_wait3A_57 = tpu.memref_slice %arg13[%dma_wait3A_55, %dma_wait3A_56] : memref<100000x16xf32, #tpu.memory_space<vmem_shared>> -> memref<100000x16xf32, #tpu.memory_space<vmem_shared>>
      tpu.wait_indirect_dma semaphore(%run_scoped3A : memref<!tpu.dma_semaphore, #tpu.memory_space<semaphore_mem>>) src(%arg9 : memref<800x16xf32, #tpu.memory_space<vmem>>) dst(%dma_wait3A_57 : memref<100000x16xf32, #tpu.memory_space<vmem_shared>>)
      tpu.yield
    }) : () -> ()
    %barrier3A_41 = arith.constant 0 : index
    tpu.barrier barrier_id(%barrier3A_41)
    %lt3A_42 = arith.constant 15 : i32
    %lt3A_43 = arith.cmpi slt, %arg1, %lt3A_42 : i32
    %convert_element_type3A_44 = arith.extui %lt3A_43 : i1 to i32
    %cond3A_45 = arith.constant 0 : i32
    %cond3A_46 = arith.cmpi ne, %convert_element_type3A_44, %cond3A_45 : i32
    scf.if %cond3A_46 {
      "tpu.region"() ({
        %run_scoped3A = tpu.sem_alloc : memref<!tpu.dma_semaphore, #tpu.memory_space<semaphore_mem>>
        %dma_start3A_52 = arith.constant 0 : i32
        %dma_start3A_53 = tpu.memref_slice %arg6[%arg0, %multiple_of3A, %dma_start3A_52] : memref<2x100000x16xf32, #tpu.memory_space<hbm>> -> memref<1x6256x16xf32, #tpu.memory_space<hbm>>
        %dma_start3A_54 = tpu.memref_squeeze %dma_start3A_53 : memref<1x6256x16xf32, #tpu.memory_space<hbm>> -> memref<6256x16xf32, #tpu.memory_space<hbm>>
        %dma_start3A_55 = arith.constant 0 : i32
        %dma_start3A_56 = tpu.memref_slice %arg13[%multiple_of3A, %dma_start3A_55] : memref<100000x16xf32, #tpu.memory_space<vmem_shared>> -> memref<6256x16xf32, #tpu.memory_space<vmem_shared>>
        tpu.enqueue_dma source(%dma_start3A_56 : memref<6256x16xf32, #tpu.memory_space<vmem_shared>>) target(%dma_start3A_54 : memref<6256x16xf32, #tpu.memory_space<hbm>>) target_semaphore(%run_scoped3A : memref<!tpu.dma_semaphore, #tpu.memory_space<semaphore_mem>>)
        %dma_wait3A_57 = arith.constant 0 : i32
        %dma_wait3A_58 = tpu.memref_slice %arg6[%arg0, %multiple_of3A, %dma_wait3A_57] : memref<2x100000x16xf32, #tpu.memory_space<hbm>> -> memref<1x6256x16xf32, #tpu.memory_space<hbm>>
        %dma_wait3A_59 = tpu.memref_squeeze %dma_wait3A_58 : memref<1x6256x16xf32, #tpu.memory_space<hbm>> -> memref<6256x16xf32, #tpu.memory_space<hbm>>
        %dma_wait3A_60 = arith.constant 0 : i32
        %dma_wait3A_61 = tpu.memref_slice %arg13[%multiple_of3A, %dma_wait3A_60] : memref<100000x16xf32, #tpu.memory_space<vmem_shared>> -> memref<6256x16xf32, #tpu.memory_space<vmem_shared>>
        tpu.wait_dma2 semaphore(%run_scoped3A : memref<!tpu.dma_semaphore, #tpu.memory_space<semaphore_mem>>) src(%dma_wait3A_61 : memref<6256x16xf32, #tpu.memory_space<vmem_shared>>) dst(%dma_wait3A_59 : memref<6256x16xf32, #tpu.memory_space<hbm>>)
        tpu.yield
      }) : () -> ()
    } else {
    }
    %eq3A_47 = arith.constant 15 : i32
    %eq3A_48 = arith.cmpi eq, %arg1, %eq3A_47 : i32
    %convert_element_type3A_49 = arith.extui %eq3A_48 : i1 to i32
    %cond3A_50 = arith.constant 0 : i32
    %cond3A_51 = arith.cmpi ne, %convert_element_type3A_49, %cond3A_50 : i32
    scf.if %cond3A_51 {
      "tpu.region"() ({
        %run_scoped3A = tpu.sem_alloc : memref<!tpu.dma_semaphore, #tpu.memory_space<semaphore_mem>>
        %dma_start3A_52 = arith.constant 93840 : i32
        %dma_start3A_53 = arith.constant 0 : i32
        %dma_start3A_54 = tpu.memref_slice %arg6[%arg0, %dma_start3A_52, %dma_start3A_53] : memref<2x100000x16xf32, #tpu.memory_space<hbm>> -> memref<1x6160x16xf32, #tpu.memory_space<hbm>>
        %dma_start3A_55 = tpu.memref_squeeze %dma_start3A_54 : memref<1x6160x16xf32, #tpu.memory_space<hbm>> -> memref<6160x16xf32, #tpu.memory_space<hbm>>
        %dma_start3A_56 = arith.constant 93840 : i32
        %dma_start3A_57 = arith.constant 0 : i32
        %dma_start3A_58 = tpu.memref_slice %arg13[%dma_start3A_56, %dma_start3A_57] : memref<100000x16xf32, #tpu.memory_space<vmem_shared>> -> memref<6160x16xf32, #tpu.memory_space<vmem_shared>>
        tpu.enqueue_dma source(%dma_start3A_58 : memref<6160x16xf32, #tpu.memory_space<vmem_shared>>) target(%dma_start3A_55 : memref<6160x16xf32, #tpu.memory_space<hbm>>) target_semaphore(%run_scoped3A : memref<!tpu.dma_semaphore, #tpu.memory_space<semaphore_mem>>)
        %dma_wait3A_59 = arith.constant 93840 : i32
        %dma_wait3A_60 = arith.constant 0 : i32
        %dma_wait3A_61 = tpu.memref_slice %arg6[%arg0, %dma_wait3A_59, %dma_wait3A_60] : memref<2x100000x16xf32, #tpu.memory_space<hbm>> -> memref<1x6160x16xf32, #tpu.memory_space<hbm>>
        %dma_wait3A_62 = tpu.memref_squeeze %dma_wait3A_61 : memref<1x6160x16xf32, #tpu.memory_space<hbm>> -> memref<6160x16xf32, #tpu.memory_space<hbm>>
        %dma_wait3A_63 = arith.constant 93840 : i32
        %dma_wait3A_64 = arith.constant 0 : i32
        %dma_wait3A_65 = tpu.memref_slice %arg13[%dma_wait3A_63, %dma_wait3A_64] : memref<100000x16xf32, #tpu.memory_space<vmem_shared>> -> memref<6160x16xf32, #tpu.memory_space<vmem_shared>>
        tpu.wait_dma2 semaphore(%run_scoped3A : memref<!tpu.dma_semaphore, #tpu.memory_space<semaphore_mem>>) src(%dma_wait3A_65 : memref<6160x16xf32, #tpu.memory_space<vmem_shared>>) dst(%dma_wait3A_62 : memref<6160x16xf32, #tpu.memory_space<hbm>>)
        tpu.yield
      }) : () -> ()
    } else {
    }
    return
  }
}

#map = affine_map<(d0, d1) -> (0)>
#map1 = affine_map<(d0, d1) -> (0, 0)>
#map2 = affine_map<(d0, d1) -> (0, 0, 0)>
module attributes {stable_mosaic.version = 14 : i64} {
  func.func @_sc_body(%arg0: i32, %arg1: i32, %arg2: memref<3200000xi32, #tpu.memory_space<hbm>>, %arg3: memref<3200000xi32, #tpu.memory_space<hbm>>, %arg4: memref<100000x16xf32, #tpu.memory_space<hbm>>, %arg5: memref<6256x16xf32, #tpu.memory_space<hbm>>, %arg6: memref<2x100000x16xf32, #tpu.memory_space<hbm>>, %arg7: memref<800xi32, #tpu.memory_space<vmem>>, %arg8: memref<800xi32, #tpu.memory_space<vmem>>, %arg9: memref<800x16xf32, #tpu.memory_space<vmem>>, %arg10: memref<800xi32, #tpu.memory_space<vmem>>, %arg11: memref<800xi32, #tpu.memory_space<vmem>>, %arg12: memref<800x16xf32, #tpu.memory_space<vmem>>, %arg13: memref<100000x16xf32, #tpu.memory_space<vmem_shared>>, %arg14: memref<!tpu.dma_semaphore, #tpu.memory_space<semaphore_mem>>, %arg15: memref<!tpu.dma_semaphore, #tpu.memory_space<semaphore_mem>>, %arg16: memref<!tpu.dma_semaphore, #tpu.memory_space<semaphore_mem>>, %arg17: memref<!tpu.dma_semaphore, #tpu.memory_space<semaphore_mem>>) attributes {dimension_semantics = [#tpu.dimension_semantics<core_parallel>, #tpu.dimension_semantics<subcore_parallel>], iteration_bounds = array<i64: 2, 16>, scalar_prefetch = 0 : i64, scratch_operands = 11 : i64, tpu.core_type = #tpu.core_type<sc_vector_subcore>, window_params = [{transform_indices = #map}, {transform_indices = #map}, {transform_indices = #map1}, {transform_indices = #map1}, {transform_indices = #map2}]} {
    %mul3A = arith.constant 6256 : i32
    %mul3A_0 = arith.muli %arg1, %mul3A : i32
    %multiple_of3A = tpu.assume_multiple %mul3A_0, 8 : i32
    %mul3A_1 = arith.constant 16 : i32
    %mul3A_2 = arith.muli %arg0, %mul3A_1 : i32
    %add3A = arith.addi %mul3A_2, %arg1 : i32
    %mul3A_3 = arith.constant 100000 : i32
    %mul3A_4 = arith.muli %add3A, %mul3A_3 : i32
    %add3A_5 = arith.constant 0 : i32
    %add3A_6 = arith.addi %mul3A_4, %add3A_5 : i32
    %multiple_of3A_7 = tpu.assume_multiple %add3A_6, 8 : i32
    %dma_start3A = tpu.memref_slice %arg2[%multiple_of3A_7] : memref<3200000xi32, #tpu.memory_space<hbm>> -> memref<800xi32, #tpu.memory_space<hbm>>
    %dma_start3A_8 = tpu.memref_slice %arg2[%multiple_of3A_7] : memref<3200000xi32, #tpu.memory_space<hbm>> -> memref<800xi32, #tpu.memory_space<hbm>>
    tpu.enqueue_dma source(%dma_start3A_8 : memref<800xi32, #tpu.memory_space<hbm>>) target(%arg7 : memref<800xi32, #tpu.memory_space<vmem>>) target_semaphore(%arg14 : memref<!tpu.dma_semaphore, #tpu.memory_space<semaphore_mem>>)
    %dma_start3A_9 = tpu.memref_slice %arg3[%multiple_of3A_7] : memref<3200000xi32, #tpu.memory_space<hbm>> -> memref<800xi32, #tpu.memory_space<hbm>>
    %dma_start3A_10 = tpu.memref_slice %arg3[%multiple_of3A_7] : memref<3200000xi32, #tpu.memory_space<hbm>> -> memref<800xi32, #tpu.memory_space<hbm>>
    tpu.enqueue_dma source(%dma_start3A_10 : memref<800xi32, #tpu.memory_space<hbm>>) target(%arg8 : memref<800xi32, #tpu.memory_space<vmem>>) target_semaphore(%arg14 : memref<!tpu.dma_semaphore, #tpu.memory_space<semaphore_mem>>)
    %add3A_11 = arith.constant 800 : i32
    %add3A_12 = arith.addi %mul3A_4, %add3A_11 : i32
    %multiple_of3A_13 = tpu.assume_multiple %add3A_12, 8 : i32
    %dma_start3A_14 = tpu.memref_slice %arg2[%multiple_of3A_13] : memref<3200000xi32, #tpu.memory_space<hbm>> -> memref<800xi32, #tpu.memory_space<hbm>>
    %dma_start3A_15 = tpu.memref_slice %arg2[%multiple_of3A_13] : memref<3200000xi32, #tpu.memory_space<hbm>> -> memref<800xi32, #tpu.memory_space<hbm>>
    tpu.enqueue_dma source(%dma_start3A_15 : memref<800xi32, #tpu.memory_space<hbm>>) target(%arg10 : memref<800xi32, #tpu.memory_space<vmem>>) target_semaphore(%arg15 : memref<!tpu.dma_semaphore, #tpu.memory_space<semaphore_mem>>)
    %dma_start3A_16 = tpu.memref_slice %arg3[%multiple_of3A_13] : memref<3200000xi32, #tpu.memory_space<hbm>> -> memref<800xi32, #tpu.memory_space<hbm>>
    %dma_start3A_17 = tpu.memref_slice %arg3[%multiple_of3A_13] : memref<3200000xi32, #tpu.memory_space<hbm>> -> memref<800xi32, #tpu.memory_space<hbm>>
    tpu.enqueue_dma source(%dma_start3A_17 : memref<800xi32, #tpu.memory_space<hbm>>) target(%arg11 : memref<800xi32, #tpu.memory_space<vmem>>) target_semaphore(%arg15 : memref<!tpu.dma_semaphore, #tpu.memory_space<semaphore_mem>>)
    %lt3A = arith.constant 15 : i32
    %lt3A_18 = arith.cmpi slt, %arg1, %lt3A : i32
    %convert_element_type3A = arith.extui %lt3A_18 : i1 to i32
    %cond3A = arith.constant 0 : i32
    %cond3A_19 = arith.cmpi ne, %convert_element_type3A, %cond3A : i32
    scf.if %cond3A_19 {
      "tpu.region"() ({
        %run_scoped3A = tpu.sem_alloc : memref<!tpu.dma_semaphore, #tpu.memory_space<semaphore_mem>>
        %dma_start3A_52 = arith.constant 0 : i32
        %dma_start3A_53 = tpu.memref_slice %arg13[%multiple_of3A, %dma_start3A_52] : memref<100000x16xf32, #tpu.memory_space<vmem_shared>> -> memref<6256x16xf32, #tpu.memory_space<vmem_shared>>
        tpu.enqueue_dma source(%arg5 : memref<6256x16xf32, #tpu.memory_space<hbm>>) target(%dma_start3A_53 : memref<6256x16xf32, #tpu.memory_space<vmem_shared>>) target_semaphore(%run_scoped3A : memref<!tpu.dma_semaphore, #tpu.memory_space<semaphore_mem>>)
        %dma_wait3A_54 = arith.constant 0 : i32
        %dma_wait3A_55 = tpu.memref_slice %arg13[%multiple_of3A, %dma_wait3A_54] : memref<100000x16xf32, #tpu.memory_space<vmem_shared>> -> memref<6256x16xf32, #tpu.memory_space<vmem_shared>>
        tpu.wait_dma2 semaphore(%run_scoped3A : memref<!tpu.dma_semaphore, #tpu.memory_space<semaphore_mem>>) src(%arg5 : memref<6256x16xf32, #tpu.memory_space<hbm>>) dst(%dma_wait3A_55 : memref<6256x16xf32, #tpu.memory_space<vmem_shared>>)
        tpu.yield
      }) : () -> ()
    } else {
    }
    %eq3A = arith.constant 15 : i32
    %eq3A_20 = arith.cmpi eq, %arg1, %eq3A : i32
    %convert_element_type3A_21 = arith.extui %eq3A_20 : i1 to i32
    %cond3A_22 = arith.constant 0 : i32
    %cond3A_23 = arith.cmpi ne, %convert_element_type3A_21, %cond3A_22 : i32
    scf.if %cond3A_23 {
      "tpu.region"() ({
        %run_scoped3A = tpu.sem_alloc : memref<!tpu.dma_semaphore, #tpu.memory_space<semaphore_mem>>
        %dma_start3A_52 = arith.constant 93840 : i32
        %dma_start3A_53 = arith.constant 0 : i32
        %dma_start3A_54 = tpu.memref_slice %arg13[%dma_start3A_52, %dma_start3A_53] : memref<100000x16xf32, #tpu.memory_space<vmem_shared>> -> memref<6160x16xf32, #tpu.memory_space<vmem_shared>>
        %dma_start3A_55 = arith.constant 0 : i32
        %dma_start3A_56 = arith.constant 0 : i32
        %dma_start3A_57 = tpu.memref_slice %arg5[%dma_start3A_55, %dma_start3A_56] : memref<6256x16xf32, #tpu.memory_space<hbm>> -> memref<6160x16xf32, #tpu.memory_space<hbm>>
        tpu.enqueue_dma source(%dma_start3A_57 : memref<6160x16xf32, #tpu.memory_space<hbm>>) target(%dma_start3A_54 : memref<6160x16xf32, #tpu.memory_space<vmem_shared>>) target_semaphore(%run_scoped3A : memref<!tpu.dma_semaphore, #tpu.memory_space<semaphore_mem>>)
        %dma_wait3A_58 = arith.constant 93840 : i32
        %dma_wait3A_59 = arith.constant 0 : i32
        %dma_wait3A_60 = tpu.memref_slice %arg13[%dma_wait3A_58, %dma_wait3A_59] : memref<100000x16xf32, #tpu.memory_space<vmem_shared>> -> memref<6160x16xf32, #tpu.memory_space<vmem_shared>>
        %dma_wait3A_61 = arith.constant 0 : i32
        %dma_wait3A_62 = arith.constant 0 : i32
        %dma_wait3A_63 = tpu.memref_slice %arg5[%dma_wait3A_61, %dma_wait3A_62] : memref<6256x16xf32, #tpu.memory_space<hbm>> -> memref<6160x16xf32, #tpu.memory_space<hbm>>
        tpu.wait_dma2 semaphore(%run_scoped3A : memref<!tpu.dma_semaphore, #tpu.memory_space<semaphore_mem>>) src(%dma_wait3A_63 : memref<6160x16xf32, #tpu.memory_space<hbm>>) dst(%dma_wait3A_60 : memref<6160x16xf32, #tpu.memory_space<vmem_shared>>)
        tpu.yield
      }) : () -> ()
    } else {
    }
    %dma_wait3A = arith.constant 0 : i32
    %dma_wait3A_24 = tpu.memref_slice %arg2[%dma_wait3A] : memref<3200000xi32, #tpu.memory_space<hbm>> -> memref<800xi32, #tpu.memory_space<hbm>>
    %dma_wait3A_25 = arith.constant 0 : i32
    %dma_wait3A_26 = tpu.memref_slice %arg2[%dma_wait3A_25] : memref<3200000xi32, #tpu.memory_space<hbm>> -> memref<800xi32, #tpu.memory_space<hbm>>
    tpu.wait_dma2 semaphore(%arg14 : memref<!tpu.dma_semaphore, #tpu.memory_space<semaphore_mem>>) src(%dma_wait3A_26 : memref<800xi32, #tpu.memory_space<hbm>>) dst(%arg7 : memref<800xi32, #tpu.memory_space<vmem>>)
    %dma_wait3A_27 = arith.constant 0 : i32
    %dma_wait3A_28 = tpu.memref_slice %arg3[%dma_wait3A_27] : memref<3200000xi32, #tpu.memory_space<hbm>> -> memref<800xi32, #tpu.memory_space<hbm>>
    %dma_wait3A_29 = arith.constant 0 : i32
    %dma_wait3A_30 = tpu.memref_slice %arg3[%dma_wait3A_29] : memref<3200000xi32, #tpu.memory_space<hbm>> -> memref<800xi32, #tpu.memory_space<hbm>>
    tpu.wait_dma2 semaphore(%arg14 : memref<!tpu.dma_semaphore, #tpu.memory_space<semaphore_mem>>) src(%dma_wait3A_30 : memref<800xi32, #tpu.memory_space<hbm>>) dst(%arg8 : memref<800xi32, #tpu.memory_space<vmem>>)
    %dma_start3A_31 = arith.constant 0 : i32
    %dma_start3A_32 = arith.constant 0 : i32
    %dma_start3A_33 = tpu.memref_slice %arg4[%dma_start3A_31, %dma_start3A_32] : memref<100000x16xf32, #tpu.memory_space<hbm>> -> memref<100000x16xf32, #tpu.memory_space<hbm>>
    tpu.enqueue_indirect_dma source(%dma_start3A_33 : memref<100000x16xf32, #tpu.memory_space<hbm>>) target(%arg9 : memref<800x16xf32, #tpu.memory_space<vmem>>) offsets(%arg7 : memref<800xi32, #tpu.memory_space<vmem>>) semaphore(%arg16 : memref<!tpu.dma_semaphore, #tpu.memory_space<semaphore_mem>>)
    %barrier3A = arith.constant 0 : index
    tpu.barrier barrier_id(%barrier3A)
    %scan3A = arith.constant 0 : i32
    %scan3A_34 = arith.constant 62 : i32
    %scan3A_35 = arith.addi %scan3A, %scan3A_34 : i32
    %scan3A_36 = arith.constant 1 : i32
    scf.for %scan3A_52 = %scan3A to %scan3A_35 step %scan3A_36  : i32 {
      %mul3A_53 = arith.constant 1 : i32
      %mul3A_54 = arith.muli %scan3A_52, %mul3A_53 : i32
      %add3A_55 = arith.constant 0 : i32
      %add3A_56 = arith.addi %add3A_55, %mul3A_54 : i32
      %dma_wait3A_57 = arith.constant 0 : i32
      %dma_wait3A_58 = arith.constant 0 : i32
      %dma_wait3A_59 = tpu.memref_slice %arg4[%dma_wait3A_57, %dma_wait3A_58] : memref<100000x16xf32, #tpu.memory_space<hbm>> -> memref<100000x16xf32, #tpu.memory_space<hbm>>
      tpu.wait_indirect_dma semaphore(%arg16 : memref<!tpu.dma_semaphore, #tpu.memory_space<semaphore_mem>>) src(%dma_wait3A_59 : memref<100000x16xf32, #tpu.memory_space<hbm>>) dst(%arg9 : memref<800x16xf32, #tpu.memory_space<vmem>>)
      %dma_wait3A_60 = arith.constant 0 : i32
      %dma_wait3A_61 = tpu.memref_slice %arg2[%dma_wait3A_60] : memref<3200000xi32, #tpu.memory_space<hbm>> -> memref<800xi32, #tpu.memory_space<hbm>>
      %dma_wait3A_62 = arith.constant 0 : i32
      %dma_wait3A_63 = tpu.memref_slice %arg2[%dma_wait3A_62] : memref<3200000xi32, #tpu.memory_space<hbm>> -> memref<800xi32, #tpu.memory_space<hbm>>
      tpu.wait_dma2 semaphore(%arg15 : memref<!tpu.dma_semaphore, #tpu.memory_space<semaphore_mem>>) src(%dma_wait3A_63 : memref<800xi32, #tpu.memory_space<hbm>>) dst(%arg10 : memref<800xi32, #tpu.memory_space<vmem>>)
      %dma_wait3A_64 = arith.constant 0 : i32
      %dma_wait3A_65 = tpu.memref_slice %arg3[%dma_wait3A_64] : memref<3200000xi32, #tpu.memory_space<hbm>> -> memref<800xi32, #tpu.memory_space<hbm>>
      %dma_wait3A_66 = arith.constant 0 : i32
      %dma_wait3A_67 = tpu.memref_slice %arg3[%dma_wait3A_66] : memref<3200000xi32, #tpu.memory_space<hbm>> -> memref<800xi32, #tpu.memory_space<hbm>>
      tpu.wait_dma2 semaphore(%arg15 : memref<!tpu.dma_semaphore, #tpu.memory_space<semaphore_mem>>) src(%dma_wait3A_67 : memref<800xi32, #tpu.memory_space<hbm>>) dst(%arg11 : memref<800xi32, #tpu.memory_space<vmem>>)
      %dma_start3A_68 = arith.constant 0 : i32
      %dma_start3A_69 = arith.constant 0 : i32
      %dma_start3A_70 = tpu.memref_slice %arg4[%dma_start3A_68, %dma_start3A_69] : memref<100000x16xf32, #tpu.memory_space<hbm>> -> memref<100000x16xf32, #tpu.memory_space<hbm>>
      tpu.enqueue_indirect_dma source(%dma_start3A_70 : memref<100000x16xf32, #tpu.memory_space<hbm>>) target(%arg12 : memref<800x16xf32, #tpu.memory_space<vmem>>) offsets(%arg10 : memref<800xi32, #tpu.memory_space<vmem>>) semaphore(%arg17 : memref<!tpu.dma_semaphore, #tpu.memory_space<semaphore_mem>>)
      "tpu.region"() ({
        %run_scoped3A = tpu.sem_alloc : memref<!tpu.dma_semaphore, #tpu.memory_space<semaphore_mem>>
        %dma_start3A_102 = arith.constant 0 : i32
        %dma_start3A_103 = arith.constant 0 : i32
        %dma_start3A_104 = tpu.memref_slice %arg13[%dma_start3A_102, %dma_start3A_103] : memref<100000x16xf32, #tpu.memory_space<vmem_shared>> -> memref<100000x16xf32, #tpu.memory_space<vmem_shared>>
        tpu.enqueue_indirect_dma source(%arg9 : memref<800x16xf32, #tpu.memory_space<vmem>>) target(%dma_start3A_104 : memref<100000x16xf32, #tpu.memory_space<vmem_shared>>) offsets(%arg8 : memref<800xi32, #tpu.memory_space<vmem>>) semaphore(%run_scoped3A : memref<!tpu.dma_semaphore, #tpu.memory_space<semaphore_mem>>) {add = true}
        %dma_wait3A_105 = arith.constant 0 : i32
        %dma_wait3A_106 = arith.constant 0 : i32
        %dma_wait3A_107 = tpu.memref_slice %arg13[%dma_wait3A_105, %dma_wait3A_106] : memref<100000x16xf32, #tpu.memory_space<vmem_shared>> -> memref<100000x16xf32, #tpu.memory_space<vmem_shared>>
        tpu.wait_indirect_dma semaphore(%run_scoped3A : memref<!tpu.dma_semaphore, #tpu.memory_space<semaphore_mem>>) src(%arg9 : memref<800x16xf32, #tpu.memory_space<vmem>>) dst(%dma_wait3A_107 : memref<100000x16xf32, #tpu.memory_space<vmem_shared>>)
        tpu.yield
      }) : () -> ()
      %mul3A_71 = arith.constant 2 : i32
      %mul3A_72 = arith.muli %mul3A_71, %add3A_56 : i32
      %add3A_73 = arith.constant 2 : i32
      %add3A_74 = arith.addi %mul3A_72, %add3A_73 : i32
      %mul3A_75 = arith.constant 800 : i32
      %mul3A_76 = arith.muli %add3A_74, %mul3A_75 : i32
      %add3A_77 = arith.addi %mul3A_4, %mul3A_76 : i32
      %multiple_of3A_78 = tpu.assume_multiple %add3A_77, 8 : i32
      %dma_start3A_79 = tpu.memref_slice %arg2[%multiple_of3A_78] : memref<3200000xi32, #tpu.memory_space<hbm>> -> memref<800xi32, #tpu.memory_space<hbm>>
      %dma_start3A_80 = tpu.memref_slice %arg2[%multiple_of3A_78] : memref<3200000xi32, #tpu.memory_space<hbm>> -> memref<800xi32, #tpu.memory_space<hbm>>
      tpu.enqueue_dma source(%dma_start3A_80 : memref<800xi32, #tpu.memory_space<hbm>>) target(%arg7 : memref<800xi32, #tpu.memory_space<vmem>>) target_semaphore(%arg14 : memref<!tpu.dma_semaphore, #tpu.memory_space<semaphore_mem>>)
      %dma_start3A_81 = tpu.memref_slice %arg3[%multiple_of3A_78] : memref<3200000xi32, #tpu.memory_space<hbm>> -> memref<800xi32, #tpu.memory_space<hbm>>
      %dma_start3A_82 = tpu.memref_slice %arg3[%multiple_of3A_78] : memref<3200000xi32, #tpu.memory_space<hbm>> -> memref<800xi32, #tpu.memory_space<hbm>>
      tpu.enqueue_dma source(%dma_start3A_82 : memref<800xi32, #tpu.memory_space<hbm>>) target(%arg8 : memref<800xi32, #tpu.memory_space<vmem>>) target_semaphore(%arg14 : memref<!tpu.dma_semaphore, #tpu.memory_space<semaphore_mem>>)
      %dma_wait3A_83 = arith.constant 0 : i32
      %dma_wait3A_84 = arith.constant 0 : i32
      %dma_wait3A_85 = tpu.memref_slice %arg4[%dma_wait3A_83, %dma_wait3A_84] : memref<100000x16xf32, #tpu.memory_space<hbm>> -> memref<100000x16xf32, #tpu.memory_space<hbm>>
      tpu.wait_indirect_dma semaphore(%arg17 : memref<!tpu.dma_semaphore, #tpu.memory_space<semaphore_mem>>) src(%dma_wait3A_85 : memref<100000x16xf32, #tpu.memory_space<hbm>>) dst(%arg12 : memref<800x16xf32, #tpu.memory_space<vmem>>)
      %dma_wait3A_86 = arith.constant 0 : i32
      %dma_wait3A_87 = tpu.memref_slice %arg2[%dma_wait3A_86] : memref<3200000xi32, #tpu.memory_space<hbm>> -> memref<800xi32, #tpu.memory_space<hbm>>
      %dma_wait3A_88 = arith.constant 0 : i32
      %dma_wait3A_89 = tpu.memref_slice %arg2[%dma_wait3A_88] : memref<3200000xi32, #tpu.memory_space<hbm>> -> memref<800xi32, #tpu.memory_space<hbm>>
      tpu.wait_dma2 semaphore(%arg14 : memref<!tpu.dma_semaphore, #tpu.memory_space<semaphore_mem>>) src(%dma_wait3A_89 : memref<800xi32, #tpu.memory_space<hbm>>) dst(%arg7 : memref<800xi32, #tpu.memory_space<vmem>>)
      %dma_wait3A_90 = arith.constant 0 : i32
      %dma_wait3A_91 = tpu.memref_slice %arg3[%dma_wait3A_90] : memref<3200000xi32, #tpu.memory_space<hbm>> -> memref<800xi32, #tpu.memory_space<hbm>>
      %dma_wait3A_92 = arith.constant 0 : i32
      %dma_wait3A_93 = tpu.memref_slice %arg3[%dma_wait3A_92] : memref<3200000xi32, #tpu.memory_space<hbm>> -> memref<800xi32, #tpu.memory_space<hbm>>
      tpu.wait_dma2 semaphore(%arg14 : memref<!tpu.dma_semaphore, #tpu.memory_space<semaphore_mem>>) src(%dma_wait3A_93 : memref<800xi32, #tpu.memory_space<hbm>>) dst(%arg8 : memref<800xi32, #tpu.memory_space<vmem>>)
      %dma_start3A_94 = arith.constant 0 : i32
      %dma_start3A_95 = arith.constant 0 : i32
      %dma_start3A_96 = tpu.memref_slice %arg4[%dma_start3A_94, %dma_start3A_95] : memref<100000x16xf32, #tpu.memory_space<hbm>> -> memref<100000x16xf32, #tpu.memory_space<hbm>>
      tpu.enqueue_indirect_dma source(%dma_start3A_96 : memref<100000x16xf32, #tpu.memory_space<hbm>>) target(%arg9 : memref<800x16xf32, #tpu.memory_space<vmem>>) offsets(%arg7 : memref<800xi32, #tpu.memory_space<vmem>>) semaphore(%arg16 : memref<!tpu.dma_semaphore, #tpu.memory_space<semaphore_mem>>)
      "tpu.region"() ({
        %run_scoped3A = tpu.sem_alloc : memref<!tpu.dma_semaphore, #tpu.memory_space<semaphore_mem>>
        %dma_start3A_102 = arith.constant 0 : i32
        %dma_start3A_103 = arith.constant 0 : i32
        %dma_start3A_104 = tpu.memref_slice %arg13[%dma_start3A_102, %dma_start3A_103] : memref<100000x16xf32, #tpu.memory_space<vmem_shared>> -> memref<100000x16xf32, #tpu.memory_space<vmem_shared>>
        tpu.enqueue_indirect_dma source(%arg12 : memref<800x16xf32, #tpu.memory_space<vmem>>) target(%dma_start3A_104 : memref<100000x16xf32, #tpu.memory_space<vmem_shared>>) offsets(%arg11 : memref<800xi32, #tpu.memory_space<vmem>>) semaphore(%run_scoped3A : memref<!tpu.dma_semaphore, #tpu.memory_space<semaphore_mem>>) {add = true}
        %dma_wait3A_105 = arith.constant 0 : i32
        %dma_wait3A_106 = arith.constant 0 : i32
        %dma_wait3A_107 = tpu.memref_slice %arg13[%dma_wait3A_105, %dma_wait3A_106] : memref<100000x16xf32, #tpu.memory_space<vmem_shared>> -> memref<100000x16xf32, #tpu.memory_space<vmem_shared>>
        tpu.wait_indirect_dma semaphore(%run_scoped3A : memref<!tpu.dma_semaphore, #tpu.memory_space<semaphore_mem>>) src(%arg12 : memref<800x16xf32, #tpu.memory_space<vmem>>) dst(%dma_wait3A_107 : memref<100000x16xf32, #tpu.memory_space<vmem_shared>>)
        tpu.yield
      }) : () -> ()
      %lt3A_97 = arith.constant 61 : i32
      %lt3A_98 = arith.cmpi slt, %add3A_56, %lt3A_97 : i32
      %convert_element_type3A_99 = arith.extui %lt3A_98 : i1 to i32
      %cond3A_100 = arith.constant 0 : i32
      %cond3A_101 = arith.cmpi ne, %convert_element_type3A_99, %cond3A_100 : i32
      scf.if %cond3A_101 {
        %mul3A_102 = arith.constant 2 : i32
        %mul3A_103 = arith.muli %mul3A_102, %add3A_56 : i32
        %add3A_104 = arith.constant 3 : i32
        %add3A_105 = arith.addi %mul3A_103, %add3A_104 : i32
        %mul3A_106 = arith.constant 800 : i32
        %mul3A_107 = arith.muli %add3A_105, %mul3A_106 : i32
        %add3A_108 = arith.addi %mul3A_4, %mul3A_107 : i32
        %multiple_of3A_109 = tpu.assume_multiple %add3A_108, 8 : i32
        %dma_start3A_110 = tpu.memref_slice %arg2[%multiple_of3A_109] : memref<3200000xi32, #tpu.memory_space<hbm>> -> memref<800xi32, #tpu.memory_space<hbm>>
        %dma_start3A_111 = tpu.memref_slice %arg2[%multiple_of3A_109] : memref<3200000xi32, #tpu.memory_space<hbm>> -> memref<800xi32, #tpu.memory_space<hbm>>
        tpu.enqueue_dma source(%dma_start3A_111 : memref<800xi32, #tpu.memory_space<hbm>>) target(%arg10 : memref<800xi32, #tpu.memory_space<vmem>>) target_semaphore(%arg15 : memref<!tpu.dma_semaphore, #tpu.memory_space<semaphore_mem>>)
        %dma_start3A_112 = tpu.memref_slice %arg3[%multiple_of3A_109] : memref<3200000xi32, #tpu.memory_space<hbm>> -> memref<800xi32, #tpu.memory_space<hbm>>
        %dma_start3A_113 = tpu.memref_slice %arg3[%multiple_of3A_109] : memref<3200000xi32, #tpu.memory_space<hbm>> -> memref<800xi32, #tpu.memory_space<hbm>>
        tpu.enqueue_dma source(%dma_start3A_113 : memref<800xi32, #tpu.memory_space<hbm>>) target(%arg11 : memref<800xi32, #tpu.memory_space<vmem>>) target_semaphore(%arg15 : memref<!tpu.dma_semaphore, #tpu.memory_space<semaphore_mem>>)
      } else {
      }
    }
    %scan3A_37 = arith.constant 62 : i32
    %dma_wait3A_38 = arith.constant 0 : i32
    %dma_wait3A_39 = arith.constant 0 : i32
    %dma_wait3A_40 = tpu.memref_slice %arg4[%dma_wait3A_38, %dma_wait3A_39] : memref<100000x16xf32, #tpu.memory_space<hbm>> -> memref<100000x16xf32, #tpu.memory_space<hbm>>
    tpu.wait_indirect_dma semaphore(%arg16 : memref<!tpu.dma_semaphore, #tpu.memory_space<semaphore_mem>>) src(%dma_wait3A_40 : memref<100000x16xf32, #tpu.memory_space<hbm>>) dst(%arg9 : memref<800x16xf32, #tpu.memory_space<vmem>>)
    "tpu.region"() ({
      %run_scoped3A = tpu.sem_alloc : memref<!tpu.dma_semaphore, #tpu.memory_space<semaphore_mem>>
      %dma_start3A_52 = arith.constant 0 : i32
      %dma_start3A_53 = arith.constant 0 : i32
      %dma_start3A_54 = tpu.memref_slice %arg13[%dma_start3A_52, %dma_start3A_53] : memref<100000x16xf32, #tpu.memory_space<vmem_shared>> -> memref<100000x16xf32, #tpu.memory_space<vmem_shared>>
      tpu.enqueue_indirect_dma source(%arg9 : memref<800x16xf32, #tpu.memory_space<vmem>>) target(%dma_start3A_54 : memref<100000x16xf32, #tpu.memory_space<vmem_shared>>) offsets(%arg8 : memref<800xi32, #tpu.memory_space<vmem>>) semaphore(%run_scoped3A : memref<!tpu.dma_semaphore, #tpu.memory_space<semaphore_mem>>) {add = true}
      %dma_wait3A_55 = arith.constant 0 : i32
      %dma_wait3A_56 = arith.constant 0 : i32
      %dma_wait3A_57 = tpu.memref_slice %arg13[%dma_wait3A_55, %dma_wait3A_56] : memref<100000x16xf32, #tpu.memory_space<vmem_shared>> -> memref<100000x16xf32, #tpu.memory_space<vmem_shared>>
      tpu.wait_indirect_dma semaphore(%run_scoped3A : memref<!tpu.dma_semaphore, #tpu.memory_space<semaphore_mem>>) src(%arg9 : memref<800x16xf32, #tpu.memory_space<vmem>>) dst(%dma_wait3A_57 : memref<100000x16xf32, #tpu.memory_space<vmem_shared>>)
      tpu.yield
    }) : () -> ()
    %barrier3A_41 = arith.constant 0 : index
    tpu.barrier barrier_id(%barrier3A_41)
    %lt3A_42 = arith.constant 15 : i32
    %lt3A_43 = arith.cmpi slt, %arg1, %lt3A_42 : i32
    %convert_element_type3A_44 = arith.extui %lt3A_43 : i1 to i32
    %cond3A_45 = arith.constant 0 : i32
    %cond3A_46 = arith.cmpi ne, %convert_element_type3A_44, %cond3A_45 : i32
    scf.if %cond3A_46 {
      "tpu.region"() ({
        %run_scoped3A = tpu.sem_alloc : memref<!tpu.dma_semaphore, #tpu.memory_space<semaphore_mem>>
        %dma_start3A_52 = arith.constant 0 : i32
        %dma_start3A_53 = tpu.memref_slice %arg6[%arg0, %multiple_of3A, %dma_start3A_52] : memref<2x100000x16xf32, #tpu.memory_space<hbm>> -> memref<1x6256x16xf32, #tpu.memory_space<hbm>>
        %dma_start3A_54 = tpu.memref_squeeze %dma_start3A_53 : memref<1x6256x16xf32, #tpu.memory_space<hbm>> -> memref<6256x16xf32, #tpu.memory_space<hbm>>
        %dma_start3A_55 = arith.constant 0 : i32
        %dma_start3A_56 = tpu.memref_slice %arg13[%multiple_of3A, %dma_start3A_55] : memref<100000x16xf32, #tpu.memory_space<vmem_shared>> -> memref<6256x16xf32, #tpu.memory_space<vmem_shared>>
        tpu.enqueue_dma source(%dma_start3A_56 : memref<6256x16xf32, #tpu.memory_space<vmem_shared>>) target(%dma_start3A_54 : memref<6256x16xf32, #tpu.memory_space<hbm>>) target_semaphore(%run_scoped3A : memref<!tpu.dma_semaphore, #tpu.memory_space<semaphore_mem>>)
        %dma_wait3A_57 = arith.constant 0 : i32
        %dma_wait3A_58 = tpu.memref_slice %arg6[%arg0, %multiple_of3A, %dma_wait3A_57] : memref<2x100000x16xf32, #tpu.memory_space<hbm>> -> memref<1x6256x16xf32, #tpu.memory_space<hbm>>
        %dma_wait3A_59 = tpu.memref_squeeze %dma_wait3A_58 : memref<1x6256x16xf32, #tpu.memory_space<hbm>> -> memref<6256x16xf32, #tpu.memory_space<hbm>>
        %dma_wait3A_60 = arith.constant 0 : i32
        %dma_wait3A_61 = tpu.memref_slice %arg13[%multiple_of3A, %dma_wait3A_60] : memref<100000x16xf32, #tpu.memory_space<vmem_shared>> -> memref<6256x16xf32, #tpu.memory_space<vmem_shared>>
        tpu.wait_dma2 semaphore(%run_scoped3A : memref<!tpu.dma_semaphore, #tpu.memory_space<semaphore_mem>>) src(%dma_wait3A_61 : memref<6256x16xf32, #tpu.memory_space<vmem_shared>>) dst(%dma_wait3A_59 : memref<6256x16xf32, #tpu.memory_space<hbm>>)
        tpu.yield
      }) : () -> ()
    } else {
    }
    %eq3A_47 = arith.constant 15 : i32
    %eq3A_48 = arith.cmpi eq, %arg1, %eq3A_47 : i32
    %convert_element_type3A_49 = arith.extui %eq3A_48 : i1 to i32
    %cond3A_50 = arith.constant 0 : i32
    %cond3A_51 = arith.cmpi ne, %convert_element_type3A_49, %cond3A_50 : i32
    scf.if %cond3A_51 {
      "tpu.region"() ({
        %run_scoped3A = tpu.sem_alloc : memref<!tpu.dma_semaphore, #tpu.memory_space<semaphore_mem>>
        %dma_start3A_52 = arith.constant 93840 : i32
        %dma_start3A_53 = arith.constant 0 : i32
        %dma_start3A_54 = tpu.memref_slice %arg6[%arg0, %dma_start3A_52, %dma_start3A_53] : memref<2x100000x16xf32, #tpu.memory_space<hbm>> -> memref<1x6160x16xf32, #tpu.memory_space<hbm>>
        %dma_start3A_55 = tpu.memref_squeeze %dma_start3A_54 : memref<1x6160x16xf32, #tpu.memory_space<hbm>> -> memref<6160x16xf32, #tpu.memory_space<hbm>>
        %dma_start3A_56 = arith.constant 93840 : i32
        %dma_start3A_57 = arith.constant 0 : i32
        %dma_start3A_58 = tpu.memref_slice %arg13[%dma_start3A_56, %dma_start3A_57] : memref<100000x16xf32, #tpu.memory_space<vmem_shared>> -> memref<6160x16xf32, #tpu.memory_space<vmem_shared>>
        tpu.enqueue_dma source(%dma_start3A_58 : memref<6160x16xf32, #tpu.memory_space<vmem_shared>>) target(%dma_start3A_55 : memref<6160x16xf32, #tpu.memory_space<hbm>>) target_semaphore(%run_scoped3A : memref<!tpu.dma_semaphore, #tpu.memory_space<semaphore_mem>>)
        %dma_wait3A_59 = arith.constant 93840 : i32
        %dma_wait3A_60 = arith.constant 0 : i32
        %dma_wait3A_61 = tpu.memref_slice %arg6[%arg0, %dma_wait3A_59, %dma_wait3A_60] : memref<2x100000x16xf32, #tpu.memory_space<hbm>> -> memref<1x6160x16xf32, #tpu.memory_space<hbm>>
        %dma_wait3A_62 = tpu.memref_squeeze %dma_wait3A_61 : memref<1x6160x16xf32, #tpu.memory_space<hbm>> -> memref<6160x16xf32, #tpu.memory_space<hbm>>
        %dma_wait3A_63 = arith.constant 93840 : i32
        %dma_wait3A_64 = arith.constant 0 : i32
        %dma_wait3A_65 = tpu.memref_slice %arg13[%dma_wait3A_63, %dma_wait3A_64] : memref<100000x16xf32, #tpu.memory_space<vmem_shared>> -> memref<6160x16xf32, #tpu.memory_space<vmem_shared>>
        tpu.wait_dma2 semaphore(%run_scoped3A : memref<!tpu.dma_semaphore, #tpu.memory_space<semaphore_mem>>) src(%dma_wait3A_65 : memref<6160x16xf32, #tpu.memory_space<vmem_shared>>) dst(%dma_wait3A_62 : memref<6160x16xf32, #tpu.memory_space<hbm>>)
        tpu.yield
      }) : () -> ()
    } else {
    }
    return
  }
}

#map = affine_map<(d0, d1) -> (0)>
#map1 = affine_map<(d0, d1) -> (0, 0)>
#map2 = affine_map<(d0, d1) -> (0, 0, 0)>
module attributes {stable_mosaic.version = 14 : i64} {
  func.func @_sc_body(%arg0: i32, %arg1: i32, %arg2: memref<3200000xi32, #tpu.memory_space<hbm>>, %arg3: memref<3200000xi32, #tpu.memory_space<hbm>>, %arg4: memref<100000x16xf32, #tpu.memory_space<hbm>>, %arg5: memref<6256x16xf32, #tpu.memory_space<hbm>>, %arg6: memref<2x100000x16xf32, #tpu.memory_space<hbm>>, %arg7: memref<800xi32, #tpu.memory_space<vmem>>, %arg8: memref<800xi32, #tpu.memory_space<vmem>>, %arg9: memref<800x16xf32, #tpu.memory_space<vmem>>, %arg10: memref<800xi32, #tpu.memory_space<vmem>>, %arg11: memref<800xi32, #tpu.memory_space<vmem>>, %arg12: memref<800x16xf32, #tpu.memory_space<vmem>>, %arg13: memref<100000x16xf32, #tpu.memory_space<vmem_shared>>, %arg14: memref<!tpu.dma_semaphore, #tpu.memory_space<semaphore_mem>>, %arg15: memref<!tpu.dma_semaphore, #tpu.memory_space<semaphore_mem>>, %arg16: memref<!tpu.dma_semaphore, #tpu.memory_space<semaphore_mem>>, %arg17: memref<!tpu.dma_semaphore, #tpu.memory_space<semaphore_mem>>) attributes {dimension_semantics = [#tpu.dimension_semantics<core_parallel>, #tpu.dimension_semantics<subcore_parallel>], iteration_bounds = array<i64: 2, 16>, scalar_prefetch = 0 : i64, scratch_operands = 11 : i64, tpu.core_type = #tpu.core_type<sc_vector_subcore>, window_params = [{transform_indices = #map}, {transform_indices = #map}, {transform_indices = #map1}, {transform_indices = #map1}, {transform_indices = #map2}]} {
    %mul3A = arith.constant 6256 : i32
    %mul3A_0 = arith.muli %arg1, %mul3A : i32
    %multiple_of3A = tpu.assume_multiple %mul3A_0, 8 : i32
    %mul3A_1 = arith.constant 16 : i32
    %mul3A_2 = arith.muli %arg0, %mul3A_1 : i32
    %add3A = arith.addi %mul3A_2, %arg1 : i32
    %mul3A_3 = arith.constant 100000 : i32
    %mul3A_4 = arith.muli %add3A, %mul3A_3 : i32
    %add3A_5 = arith.constant 0 : i32
    %add3A_6 = arith.addi %mul3A_4, %add3A_5 : i32
    %multiple_of3A_7 = tpu.assume_multiple %add3A_6, 8 : i32
    %dma_start3A = tpu.memref_slice %arg2[%multiple_of3A_7] : memref<3200000xi32, #tpu.memory_space<hbm>> -> memref<800xi32, #tpu.memory_space<hbm>>
    %dma_start3A_8 = tpu.memref_slice %arg2[%multiple_of3A_7] : memref<3200000xi32, #tpu.memory_space<hbm>> -> memref<800xi32, #tpu.memory_space<hbm>>
    tpu.enqueue_dma source(%dma_start3A_8 : memref<800xi32, #tpu.memory_space<hbm>>) target(%arg7 : memref<800xi32, #tpu.memory_space<vmem>>) target_semaphore(%arg14 : memref<!tpu.dma_semaphore, #tpu.memory_space<semaphore_mem>>)
    %dma_start3A_9 = tpu.memref_slice %arg3[%multiple_of3A_7] : memref<3200000xi32, #tpu.memory_space<hbm>> -> memref<800xi32, #tpu.memory_space<hbm>>
    %dma_start3A_10 = tpu.memref_slice %arg3[%multiple_of3A_7] : memref<3200000xi32, #tpu.memory_space<hbm>> -> memref<800xi32, #tpu.memory_space<hbm>>
    tpu.enqueue_dma source(%dma_start3A_10 : memref<800xi32, #tpu.memory_space<hbm>>) target(%arg8 : memref<800xi32, #tpu.memory_space<vmem>>) target_semaphore(%arg14 : memref<!tpu.dma_semaphore, #tpu.memory_space<semaphore_mem>>)
    %add3A_11 = arith.constant 800 : i32
    %add3A_12 = arith.addi %mul3A_4, %add3A_11 : i32
    %multiple_of3A_13 = tpu.assume_multiple %add3A_12, 8 : i32
    %dma_start3A_14 = tpu.memref_slice %arg2[%multiple_of3A_13] : memref<3200000xi32, #tpu.memory_space<hbm>> -> memref<800xi32, #tpu.memory_space<hbm>>
    %dma_start3A_15 = tpu.memref_slice %arg2[%multiple_of3A_13] : memref<3200000xi32, #tpu.memory_space<hbm>> -> memref<800xi32, #tpu.memory_space<hbm>>
    tpu.enqueue_dma source(%dma_start3A_15 : memref<800xi32, #tpu.memory_space<hbm>>) target(%arg10 : memref<800xi32, #tpu.memory_space<vmem>>) target_semaphore(%arg15 : memref<!tpu.dma_semaphore, #tpu.memory_space<semaphore_mem>>)
    %dma_start3A_16 = tpu.memref_slice %arg3[%multiple_of3A_13] : memref<3200000xi32, #tpu.memory_space<hbm>> -> memref<800xi32, #tpu.memory_space<hbm>>
    %dma_start3A_17 = tpu.memref_slice %arg3[%multiple_of3A_13] : memref<3200000xi32, #tpu.memory_space<hbm>> -> memref<800xi32, #tpu.memory_space<hbm>>
    tpu.enqueue_dma source(%dma_start3A_17 : memref<800xi32, #tpu.memory_space<hbm>>) target(%arg11 : memref<800xi32, #tpu.memory_space<vmem>>) target_semaphore(%arg15 : memref<!tpu.dma_semaphore, #tpu.memory_space<semaphore_mem>>)
    %lt3A = arith.constant 15 : i32
    %lt3A_18 = arith.cmpi slt, %arg1, %lt3A : i32
    %convert_element_type3A = arith.extui %lt3A_18 : i1 to i32
    %cond3A = arith.constant 0 : i32
    %cond3A_19 = arith.cmpi ne, %convert_element_type3A, %cond3A : i32
    scf.if %cond3A_19 {
      "tpu.region"() ({
        %run_scoped3A = tpu.sem_alloc : memref<!tpu.dma_semaphore, #tpu.memory_space<semaphore_mem>>
        %dma_start3A_52 = arith.constant 0 : i32
        %dma_start3A_53 = tpu.memref_slice %arg13[%multiple_of3A, %dma_start3A_52] : memref<100000x16xf32, #tpu.memory_space<vmem_shared>> -> memref<6256x16xf32, #tpu.memory_space<vmem_shared>>
        tpu.enqueue_dma source(%arg5 : memref<6256x16xf32, #tpu.memory_space<hbm>>) target(%dma_start3A_53 : memref<6256x16xf32, #tpu.memory_space<vmem_shared>>) target_semaphore(%run_scoped3A : memref<!tpu.dma_semaphore, #tpu.memory_space<semaphore_mem>>)
        %dma_wait3A_54 = arith.constant 0 : i32
        %dma_wait3A_55 = tpu.memref_slice %arg13[%multiple_of3A, %dma_wait3A_54] : memref<100000x16xf32, #tpu.memory_space<vmem_shared>> -> memref<6256x16xf32, #tpu.memory_space<vmem_shared>>
        tpu.wait_dma2 semaphore(%run_scoped3A : memref<!tpu.dma_semaphore, #tpu.memory_space<semaphore_mem>>) src(%arg5 : memref<6256x16xf32, #tpu.memory_space<hbm>>) dst(%dma_wait3A_55 : memref<6256x16xf32, #tpu.memory_space<vmem_shared>>)
        tpu.yield
      }) : () -> ()
    } else {
    }
    %eq3A = arith.constant 15 : i32
    %eq3A_20 = arith.cmpi eq, %arg1, %eq3A : i32
    %convert_element_type3A_21 = arith.extui %eq3A_20 : i1 to i32
    %cond3A_22 = arith.constant 0 : i32
    %cond3A_23 = arith.cmpi ne, %convert_element_type3A_21, %cond3A_22 : i32
    scf.if %cond3A_23 {
      "tpu.region"() ({
        %run_scoped3A = tpu.sem_alloc : memref<!tpu.dma_semaphore, #tpu.memory_space<semaphore_mem>>
        %dma_start3A_52 = arith.constant 93840 : i32
        %dma_start3A_53 = arith.constant 0 : i32
        %dma_start3A_54 = tpu.memref_slice %arg13[%dma_start3A_52, %dma_start3A_53] : memref<100000x16xf32, #tpu.memory_space<vmem_shared>> -> memref<6160x16xf32, #tpu.memory_space<vmem_shared>>
        %dma_start3A_55 = arith.constant 0 : i32
        %dma_start3A_56 = arith.constant 0 : i32
        %dma_start3A_57 = tpu.memref_slice %arg5[%dma_start3A_55, %dma_start3A_56] : memref<6256x16xf32, #tpu.memory_space<hbm>> -> memref<6160x16xf32, #tpu.memory_space<hbm>>
        tpu.enqueue_dma source(%dma_start3A_57 : memref<6160x16xf32, #tpu.memory_space<hbm>>) target(%dma_start3A_54 : memref<6160x16xf32, #tpu.memory_space<vmem_shared>>) target_semaphore(%run_scoped3A : memref<!tpu.dma_semaphore, #tpu.memory_space<semaphore_mem>>)
        %dma_wait3A_58 = arith.constant 93840 : i32
        %dma_wait3A_59 = arith.constant 0 : i32
        %dma_wait3A_60 = tpu.memref_slice %arg13[%dma_wait3A_58, %dma_wait3A_59] : memref<100000x16xf32, #tpu.memory_space<vmem_shared>> -> memref<6160x16xf32, #tpu.memory_space<vmem_shared>>
        %dma_wait3A_61 = arith.constant 0 : i32
        %dma_wait3A_62 = arith.constant 0 : i32
        %dma_wait3A_63 = tpu.memref_slice %arg5[%dma_wait3A_61, %dma_wait3A_62] : memref<6256x16xf32, #tpu.memory_space<hbm>> -> memref<6160x16xf32, #tpu.memory_space<hbm>>
        tpu.wait_dma2 semaphore(%run_scoped3A : memref<!tpu.dma_semaphore, #tpu.memory_space<semaphore_mem>>) src(%dma_wait3A_63 : memref<6160x16xf32, #tpu.memory_space<hbm>>) dst(%dma_wait3A_60 : memref<6160x16xf32, #tpu.memory_space<vmem_shared>>)
        tpu.yield
      }) : () -> ()
    } else {
    }
    %dma_wait3A = arith.constant 0 : i32
    %dma_wait3A_24 = tpu.memref_slice %arg2[%dma_wait3A] : memref<3200000xi32, #tpu.memory_space<hbm>> -> memref<800xi32, #tpu.memory_space<hbm>>
    %dma_wait3A_25 = arith.constant 0 : i32
    %dma_wait3A_26 = tpu.memref_slice %arg2[%dma_wait3A_25] : memref<3200000xi32, #tpu.memory_space<hbm>> -> memref<800xi32, #tpu.memory_space<hbm>>
    tpu.wait_dma2 semaphore(%arg14 : memref<!tpu.dma_semaphore, #tpu.memory_space<semaphore_mem>>) src(%dma_wait3A_26 : memref<800xi32, #tpu.memory_space<hbm>>) dst(%arg7 : memref<800xi32, #tpu.memory_space<vmem>>)
    %dma_wait3A_27 = arith.constant 0 : i32
    %dma_wait3A_28 = tpu.memref_slice %arg3[%dma_wait3A_27] : memref<3200000xi32, #tpu.memory_space<hbm>> -> memref<800xi32, #tpu.memory_space<hbm>>
    %dma_wait3A_29 = arith.constant 0 : i32
    %dma_wait3A_30 = tpu.memref_slice %arg3[%dma_wait3A_29] : memref<3200000xi32, #tpu.memory_space<hbm>> -> memref<800xi32, #tpu.memory_space<hbm>>
    tpu.wait_dma2 semaphore(%arg14 : memref<!tpu.dma_semaphore, #tpu.memory_space<semaphore_mem>>) src(%dma_wait3A_30 : memref<800xi32, #tpu.memory_space<hbm>>) dst(%arg8 : memref<800xi32, #tpu.memory_space<vmem>>)
    %dma_start3A_31 = arith.constant 0 : i32
    %dma_start3A_32 = arith.constant 0 : i32
    %dma_start3A_33 = tpu.memref_slice %arg4[%dma_start3A_31, %dma_start3A_32] : memref<100000x16xf32, #tpu.memory_space<hbm>> -> memref<100000x16xf32, #tpu.memory_space<hbm>>
    tpu.enqueue_indirect_dma source(%dma_start3A_33 : memref<100000x16xf32, #tpu.memory_space<hbm>>) target(%arg9 : memref<800x16xf32, #tpu.memory_space<vmem>>) offsets(%arg7 : memref<800xi32, #tpu.memory_space<vmem>>) semaphore(%arg16 : memref<!tpu.dma_semaphore, #tpu.memory_space<semaphore_mem>>)
    %barrier3A = arith.constant 0 : index
    tpu.barrier barrier_id(%barrier3A)
    %scan3A = arith.constant 0 : i32
    %scan3A_34 = arith.constant 62 : i32
    %scan3A_35 = arith.addi %scan3A, %scan3A_34 : i32
    %scan3A_36 = arith.constant 1 : i32
    scf.for %scan3A_52 = %scan3A to %scan3A_35 step %scan3A_36  : i32 {
      %mul3A_53 = arith.constant 1 : i32
      %mul3A_54 = arith.muli %scan3A_52, %mul3A_53 : i32
      %add3A_55 = arith.constant 0 : i32
      %add3A_56 = arith.addi %add3A_55, %mul3A_54 : i32
      %dma_wait3A_57 = arith.constant 0 : i32
      %dma_wait3A_58 = arith.constant 0 : i32
      %dma_wait3A_59 = tpu.memref_slice %arg4[%dma_wait3A_57, %dma_wait3A_58] : memref<100000x16xf32, #tpu.memory_space<hbm>> -> memref<100000x16xf32, #tpu.memory_space<hbm>>
      tpu.wait_indirect_dma semaphore(%arg16 : memref<!tpu.dma_semaphore, #tpu.memory_space<semaphore_mem>>) src(%dma_wait3A_59 : memref<100000x16xf32, #tpu.memory_space<hbm>>) dst(%arg9 : memref<800x16xf32, #tpu.memory_space<vmem>>)
      %dma_wait3A_60 = arith.constant 0 : i32
      %dma_wait3A_61 = tpu.memref_slice %arg2[%dma_wait3A_60] : memref<3200000xi32, #tpu.memory_space<hbm>> -> memref<800xi32, #tpu.memory_space<hbm>>
      %dma_wait3A_62 = arith.constant 0 : i32
      %dma_wait3A_63 = tpu.memref_slice %arg2[%dma_wait3A_62] : memref<3200000xi32, #tpu.memory_space<hbm>> -> memref<800xi32, #tpu.memory_space<hbm>>
      tpu.wait_dma2 semaphore(%arg15 : memref<!tpu.dma_semaphore, #tpu.memory_space<semaphore_mem>>) src(%dma_wait3A_63 : memref<800xi32, #tpu.memory_space<hbm>>) dst(%arg10 : memref<800xi32, #tpu.memory_space<vmem>>)
      %dma_wait3A_64 = arith.constant 0 : i32
      %dma_wait3A_65 = tpu.memref_slice %arg3[%dma_wait3A_64] : memref<3200000xi32, #tpu.memory_space<hbm>> -> memref<800xi32, #tpu.memory_space<hbm>>
      %dma_wait3A_66 = arith.constant 0 : i32
      %dma_wait3A_67 = tpu.memref_slice %arg3[%dma_wait3A_66] : memref<3200000xi32, #tpu.memory_space<hbm>> -> memref<800xi32, #tpu.memory_space<hbm>>
      tpu.wait_dma2 semaphore(%arg15 : memref<!tpu.dma_semaphore, #tpu.memory_space<semaphore_mem>>) src(%dma_wait3A_67 : memref<800xi32, #tpu.memory_space<hbm>>) dst(%arg11 : memref<800xi32, #tpu.memory_space<vmem>>)
      %dma_start3A_68 = arith.constant 0 : i32
      %dma_start3A_69 = arith.constant 0 : i32
      %dma_start3A_70 = tpu.memref_slice %arg4[%dma_start3A_68, %dma_start3A_69] : memref<100000x16xf32, #tpu.memory_space<hbm>> -> memref<100000x16xf32, #tpu.memory_space<hbm>>
      tpu.enqueue_indirect_dma source(%dma_start3A_70 : memref<100000x16xf32, #tpu.memory_space<hbm>>) target(%arg12 : memref<800x16xf32, #tpu.memory_space<vmem>>) offsets(%arg10 : memref<800xi32, #tpu.memory_space<vmem>>) semaphore(%arg17 : memref<!tpu.dma_semaphore, #tpu.memory_space<semaphore_mem>>)
      "tpu.region"() ({
        %run_scoped3A = tpu.sem_alloc : memref<!tpu.dma_semaphore, #tpu.memory_space<semaphore_mem>>
        %dma_start3A_102 = arith.constant 0 : i32
        %dma_start3A_103 = arith.constant 0 : i32
        %dma_start3A_104 = tpu.memref_slice %arg13[%dma_start3A_102, %dma_start3A_103] : memref<100000x16xf32, #tpu.memory_space<vmem_shared>> -> memref<100000x16xf32, #tpu.memory_space<vmem_shared>>
        tpu.enqueue_indirect_dma source(%arg9 : memref<800x16xf32, #tpu.memory_space<vmem>>) target(%dma_start3A_104 : memref<100000x16xf32, #tpu.memory_space<vmem_shared>>) offsets(%arg8 : memref<800xi32, #tpu.memory_space<vmem>>) semaphore(%run_scoped3A : memref<!tpu.dma_semaphore, #tpu.memory_space<semaphore_mem>>) {add = true}
        %dma_wait3A_105 = arith.constant 0 : i32
        %dma_wait3A_106 = arith.constant 0 : i32
        %dma_wait3A_107 = tpu.memref_slice %arg13[%dma_wait3A_105, %dma_wait3A_106] : memref<100000x16xf32, #tpu.memory_space<vmem_shared>> -> memref<100000x16xf32, #tpu.memory_space<vmem_shared>>
        tpu.wait_indirect_dma semaphore(%run_scoped3A : memref<!tpu.dma_semaphore, #tpu.memory_space<semaphore_mem>>) src(%arg9 : memref<800x16xf32, #tpu.memory_space<vmem>>) dst(%dma_wait3A_107 : memref<100000x16xf32, #tpu.memory_space<vmem_shared>>)
        tpu.yield
      }) : () -> ()
      %mul3A_71 = arith.constant 2 : i32
      %mul3A_72 = arith.muli %mul3A_71, %add3A_56 : i32
      %add3A_73 = arith.constant 2 : i32
      %add3A_74 = arith.addi %mul3A_72, %add3A_73 : i32
      %mul3A_75 = arith.constant 800 : i32
      %mul3A_76 = arith.muli %add3A_74, %mul3A_75 : i32
      %add3A_77 = arith.addi %mul3A_4, %mul3A_76 : i32
      %multiple_of3A_78 = tpu.assume_multiple %add3A_77, 8 : i32
      %dma_start3A_79 = tpu.memref_slice %arg2[%multiple_of3A_78] : memref<3200000xi32, #tpu.memory_space<hbm>> -> memref<800xi32, #tpu.memory_space<hbm>>
      %dma_start3A_80 = tpu.memref_slice %arg2[%multiple_of3A_78] : memref<3200000xi32, #tpu.memory_space<hbm>> -> memref<800xi32, #tpu.memory_space<hbm>>
      tpu.enqueue_dma source(%dma_start3A_80 : memref<800xi32, #tpu.memory_space<hbm>>) target(%arg7 : memref<800xi32, #tpu.memory_space<vmem>>) target_semaphore(%arg14 : memref<!tpu.dma_semaphore, #tpu.memory_space<semaphore_mem>>)
      %dma_start3A_81 = tpu.memref_slice %arg3[%multiple_of3A_78] : memref<3200000xi32, #tpu.memory_space<hbm>> -> memref<800xi32, #tpu.memory_space<hbm>>
      %dma_start3A_82 = tpu.memref_slice %arg3[%multiple_of3A_78] : memref<3200000xi32, #tpu.memory_space<hbm>> -> memref<800xi32, #tpu.memory_space<hbm>>
      tpu.enqueue_dma source(%dma_start3A_82 : memref<800xi32, #tpu.memory_space<hbm>>) target(%arg8 : memref<800xi32, #tpu.memory_space<vmem>>) target_semaphore(%arg14 : memref<!tpu.dma_semaphore, #tpu.memory_space<semaphore_mem>>)
      %dma_wait3A_83 = arith.constant 0 : i32
      %dma_wait3A_84 = arith.constant 0 : i32
      %dma_wait3A_85 = tpu.memref_slice %arg4[%dma_wait3A_83, %dma_wait3A_84] : memref<100000x16xf32, #tpu.memory_space<hbm>> -> memref<100000x16xf32, #tpu.memory_space<hbm>>
      tpu.wait_indirect_dma semaphore(%arg17 : memref<!tpu.dma_semaphore, #tpu.memory_space<semaphore_mem>>) src(%dma_wait3A_85 : memref<100000x16xf32, #tpu.memory_space<hbm>>) dst(%arg12 : memref<800x16xf32, #tpu.memory_space<vmem>>)
      %dma_wait3A_86 = arith.constant 0 : i32
      %dma_wait3A_87 = tpu.memref_slice %arg2[%dma_wait3A_86] : memref<3200000xi32, #tpu.memory_space<hbm>> -> memref<800xi32, #tpu.memory_space<hbm>>
      %dma_wait3A_88 = arith.constant 0 : i32
      %dma_wait3A_89 = tpu.memref_slice %arg2[%dma_wait3A_88] : memref<3200000xi32, #tpu.memory_space<hbm>> -> memref<800xi32, #tpu.memory_space<hbm>>
      tpu.wait_dma2 semaphore(%arg14 : memref<!tpu.dma_semaphore, #tpu.memory_space<semaphore_mem>>) src(%dma_wait3A_89 : memref<800xi32, #tpu.memory_space<hbm>>) dst(%arg7 : memref<800xi32, #tpu.memory_space<vmem>>)
      %dma_wait3A_90 = arith.constant 0 : i32
      %dma_wait3A_91 = tpu.memref_slice %arg3[%dma_wait3A_90] : memref<3200000xi32, #tpu.memory_space<hbm>> -> memref<800xi32, #tpu.memory_space<hbm>>
      %dma_wait3A_92 = arith.constant 0 : i32
      %dma_wait3A_93 = tpu.memref_slice %arg3[%dma_wait3A_92] : memref<3200000xi32, #tpu.memory_space<hbm>> -> memref<800xi32, #tpu.memory_space<hbm>>
      tpu.wait_dma2 semaphore(%arg14 : memref<!tpu.dma_semaphore, #tpu.memory_space<semaphore_mem>>) src(%dma_wait3A_93 : memref<800xi32, #tpu.memory_space<hbm>>) dst(%arg8 : memref<800xi32, #tpu.memory_space<vmem>>)
      %dma_start3A_94 = arith.constant 0 : i32
      %dma_start3A_95 = arith.constant 0 : i32
      %dma_start3A_96 = tpu.memref_slice %arg4[%dma_start3A_94, %dma_start3A_95] : memref<100000x16xf32, #tpu.memory_space<hbm>> -> memref<100000x16xf32, #tpu.memory_space<hbm>>
      tpu.enqueue_indirect_dma source(%dma_start3A_96 : memref<100000x16xf32, #tpu.memory_space<hbm>>) target(%arg9 : memref<800x16xf32, #tpu.memory_space<vmem>>) offsets(%arg7 : memref<800xi32, #tpu.memory_space<vmem>>) semaphore(%arg16 : memref<!tpu.dma_semaphore, #tpu.memory_space<semaphore_mem>>)
      "tpu.region"() ({
        %run_scoped3A = tpu.sem_alloc : memref<!tpu.dma_semaphore, #tpu.memory_space<semaphore_mem>>
        %dma_start3A_102 = arith.constant 0 : i32
        %dma_start3A_103 = arith.constant 0 : i32
        %dma_start3A_104 = tpu.memref_slice %arg13[%dma_start3A_102, %dma_start3A_103] : memref<100000x16xf32, #tpu.memory_space<vmem_shared>> -> memref<100000x16xf32, #tpu.memory_space<vmem_shared>>
        tpu.enqueue_indirect_dma source(%arg12 : memref<800x16xf32, #tpu.memory_space<vmem>>) target(%dma_start3A_104 : memref<100000x16xf32, #tpu.memory_space<vmem_shared>>) offsets(%arg11 : memref<800xi32, #tpu.memory_space<vmem>>) semaphore(%run_scoped3A : memref<!tpu.dma_semaphore, #tpu.memory_space<semaphore_mem>>) {add = true}
        %dma_wait3A_105 = arith.constant 0 : i32
        %dma_wait3A_106 = arith.constant 0 : i32
        %dma_wait3A_107 = tpu.memref_slice %arg13[%dma_wait3A_105, %dma_wait3A_106] : memref<100000x16xf32, #tpu.memory_space<vmem_shared>> -> memref<100000x16xf32, #tpu.memory_space<vmem_shared>>
        tpu.wait_indirect_dma semaphore(%run_scoped3A : memref<!tpu.dma_semaphore, #tpu.memory_space<semaphore_mem>>) src(%arg12 : memref<800x16xf32, #tpu.memory_space<vmem>>) dst(%dma_wait3A_107 : memref<100000x16xf32, #tpu.memory_space<vmem_shared>>)
        tpu.yield
      }) : () -> ()
      %lt3A_97 = arith.constant 61 : i32
      %lt3A_98 = arith.cmpi slt, %add3A_56, %lt3A_97 : i32
      %convert_element_type3A_99 = arith.extui %lt3A_98 : i1 to i32
      %cond3A_100 = arith.constant 0 : i32
      %cond3A_101 = arith.cmpi ne, %convert_element_type3A_99, %cond3A_100 : i32
      scf.if %cond3A_101 {
        %mul3A_102 = arith.constant 2 : i32
        %mul3A_103 = arith.muli %mul3A_102, %add3A_56 : i32
        %add3A_104 = arith.constant 3 : i32
        %add3A_105 = arith.addi %mul3A_103, %add3A_104 : i32
        %mul3A_106 = arith.constant 800 : i32
        %mul3A_107 = arith.muli %add3A_105, %mul3A_106 : i32
        %add3A_108 = arith.addi %mul3A_4, %mul3A_107 : i32
        %multiple_of3A_109 = tpu.assume_multiple %add3A_108, 8 : i32
        %dma_start3A_110 = tpu.memref_slice %arg2[%multiple_of3A_109] : memref<3200000xi32, #tpu.memory_space<hbm>> -> memref<800xi32, #tpu.memory_space<hbm>>
        %dma_start3A_111 = tpu.memref_slice %arg2[%multiple_of3A_109] : memref<3200000xi32, #tpu.memory_space<hbm>> -> memref<800xi32, #tpu.memory_space<hbm>>
        tpu.enqueue_dma source(%dma_start3A_111 : memref<800xi32, #tpu.memory_space<hbm>>) target(%arg10 : memref<800xi32, #tpu.memory_space<vmem>>) target_semaphore(%arg15 : memref<!tpu.dma_semaphore, #tpu.memory_space<semaphore_mem>>)
        %dma_start3A_112 = tpu.memref_slice %arg3[%multiple_of3A_109] : memref<3200000xi32, #tpu.memory_space<hbm>> -> memref<800xi32, #tpu.memory_space<hbm>>
        %dma_start3A_113 = tpu.memref_slice %arg3[%multiple_of3A_109] : memref<3200000xi32, #tpu.memory_space<hbm>> -> memref<800xi32, #tpu.memory_space<hbm>>
        tpu.enqueue_dma source(%dma_start3A_113 : memref<800xi32, #tpu.memory_space<hbm>>) target(%arg11 : memref<800xi32, #tpu.memory_space<vmem>>) target_semaphore(%arg15 : memref<!tpu.dma_semaphore, #tpu.memory_space<semaphore_mem>>)
      } else {
      }
    }
    %scan3A_37 = arith.constant 62 : i32
    %dma_wait3A_38 = arith.constant 0 : i32
    %dma_wait3A_39 = arith.constant 0 : i32
    %dma_wait3A_40 = tpu.memref_slice %arg4[%dma_wait3A_38, %dma_wait3A_39] : memref<100000x16xf32, #tpu.memory_space<hbm>> -> memref<100000x16xf32, #tpu.memory_space<hbm>>
    tpu.wait_indirect_dma semaphore(%arg16 : memref<!tpu.dma_semaphore, #tpu.memory_space<semaphore_mem>>) src(%dma_wait3A_40 : memref<100000x16xf32, #tpu.memory_space<hbm>>) dst(%arg9 : memref<800x16xf32, #tpu.memory_space<vmem>>)
    "tpu.region"() ({
      %run_scoped3A = tpu.sem_alloc : memref<!tpu.dma_semaphore, #tpu.memory_space<semaphore_mem>>
      %dma_start3A_52 = arith.constant 0 : i32
      %dma_start3A_53 = arith.constant 0 : i32
      %dma_start3A_54 = tpu.memref_slice %arg13[%dma_start3A_52, %dma_start3A_53] : memref<100000x16xf32, #tpu.memory_space<vmem_shared>> -> memref<100000x16xf32, #tpu.memory_space<vmem_shared>>
      tpu.enqueue_indirect_dma source(%arg9 : memref<800x16xf32, #tpu.memory_space<vmem>>) target(%dma_start3A_54 : memref<100000x16xf32, #tpu.memory_space<vmem_shared>>) offsets(%arg8 : memref<800xi32, #tpu.memory_space<vmem>>) semaphore(%run_scoped3A : memref<!tpu.dma_semaphore, #tpu.memory_space<semaphore_mem>>) {add = true}
      %dma_wait3A_55 = arith.constant 0 : i32
      %dma_wait3A_56 = arith.constant 0 : i32
      %dma_wait3A_57 = tpu.memref_slice %arg13[%dma_wait3A_55, %dma_wait3A_56] : memref<100000x16xf32, #tpu.memory_space<vmem_shared>> -> memref<100000x16xf32, #tpu.memory_space<vmem_shared>>
      tpu.wait_indirect_dma semaphore(%run_scoped3A : memref<!tpu.dma_semaphore, #tpu.memory_space<semaphore_mem>>) src(%arg9 : memref<800x16xf32, #tpu.memory_space<vmem>>) dst(%dma_wait3A_57 : memref<100000x16xf32, #tpu.memory_space<vmem_shared>>)
      tpu.yield
    }) : () -> ()
    %barrier3A_41 = arith.constant 0 : index
    tpu.barrier barrier_id(%barrier3A_41)
    %lt3A_42 = arith.constant 15 : i32
    %lt3A_43 = arith.cmpi slt, %arg1, %lt3A_42 : i32
    %convert_element_type3A_44 = arith.extui %lt3A_43 : i1 to i32
    %cond3A_45 = arith.constant 0 : i32
    %cond3A_46 = arith.cmpi ne, %convert_element_type3A_44, %cond3A_45 : i32
    scf.if %cond3A_46 {
      "tpu.region"() ({
        %run_scoped3A = tpu.sem_alloc : memref<!tpu.dma_semaphore, #tpu.memory_space<semaphore_mem>>
        %dma_start3A_52 = arith.constant 0 : i32
        %dma_start3A_53 = tpu.memref_slice %arg6[%arg0, %multiple_of3A, %dma_start3A_52] : memref<2x100000x16xf32, #tpu.memory_space<hbm>> -> memref<1x6256x16xf32, #tpu.memory_space<hbm>>
        %dma_start3A_54 = tpu.memref_squeeze %dma_start3A_53 : memref<1x6256x16xf32, #tpu.memory_space<hbm>> -> memref<6256x16xf32, #tpu.memory_space<hbm>>
        %dma_start3A_55 = arith.constant 0 : i32
        %dma_start3A_56 = tpu.memref_slice %arg13[%multiple_of3A, %dma_start3A_55] : memref<100000x16xf32, #tpu.memory_space<vmem_shared>> -> memref<6256x16xf32, #tpu.memory_space<vmem_shared>>
        tpu.enqueue_dma source(%dma_start3A_56 : memref<6256x16xf32, #tpu.memory_space<vmem_shared>>) target(%dma_start3A_54 : memref<6256x16xf32, #tpu.memory_space<hbm>>) target_semaphore(%run_scoped3A : memref<!tpu.dma_semaphore, #tpu.memory_space<semaphore_mem>>)
        %dma_wait3A_57 = arith.constant 0 : i32
        %dma_wait3A_58 = tpu.memref_slice %arg6[%arg0, %multiple_of3A, %dma_wait3A_57] : memref<2x100000x16xf32, #tpu.memory_space<hbm>> -> memref<1x6256x16xf32, #tpu.memory_space<hbm>>
        %dma_wait3A_59 = tpu.memref_squeeze %dma_wait3A_58 : memref<1x6256x16xf32, #tpu.memory_space<hbm>> -> memref<6256x16xf32, #tpu.memory_space<hbm>>
        %dma_wait3A_60 = arith.constant 0 : i32
        %dma_wait3A_61 = tpu.memref_slice %arg13[%multiple_of3A, %dma_wait3A_60] : memref<100000x16xf32, #tpu.memory_space<vmem_shared>> -> memref<6256x16xf32, #tpu.memory_space<vmem_shared>>
        tpu.wait_dma2 semaphore(%run_scoped3A : memref<!tpu.dma_semaphore, #tpu.memory_space<semaphore_mem>>) src(%dma_wait3A_61 : memref<6256x16xf32, #tpu.memory_space<vmem_shared>>) dst(%dma_wait3A_59 : memref<6256x16xf32, #tpu.memory_space<hbm>>)
        tpu.yield
      }) : () -> ()
    } else {
    }
    %eq3A_47 = arith.constant 15 : i32
    %eq3A_48 = arith.cmpi eq, %arg1, %eq3A_47 : i32
    %convert_element_type3A_49 = arith.extui %eq3A_48 : i1 to i32
    %cond3A_50 = arith.constant 0 : i32
    %cond3A_51 = arith.cmpi ne, %convert_element_type3A_49, %cond3A_50 : i32
    scf.if %cond3A_51 {
      "tpu.region"() ({
        %run_scoped3A = tpu.sem_alloc : memref<!tpu.dma_semaphore, #tpu.memory_space<semaphore_mem>>
        %dma_start3A_52 = arith.constant 93840 : i32
        %dma_start3A_53 = arith.constant 0 : i32
        %dma_start3A_54 = tpu.memref_slice %arg6[%arg0, %dma_start3A_52, %dma_start3A_53] : memref<2x100000x16xf32, #tpu.memory_space<hbm>> -> memref<1x6160x16xf32, #tpu.memory_space<hbm>>
        %dma_start3A_55 = tpu.memref_squeeze %dma_start3A_54 : memref<1x6160x16xf32, #tpu.memory_space<hbm>> -> memref<6160x16xf32, #tpu.memory_space<hbm>>
        %dma_start3A_56 = arith.constant 93840 : i32
        %dma_start3A_57 = arith.constant 0 : i32
        %dma_start3A_58 = tpu.memref_slice %arg13[%dma_start3A_56, %dma_start3A_57] : memref<100000x16xf32, #tpu.memory_space<vmem_shared>> -> memref<6160x16xf32, #tpu.memory_space<vmem_shared>>
        tpu.enqueue_dma source(%dma_start3A_58 : memref<6160x16xf32, #tpu.memory_space<vmem_shared>>) target(%dma_start3A_55 : memref<6160x16xf32, #tpu.memory_space<hbm>>) target_semaphore(%run_scoped3A : memref<!tpu.dma_semaphore, #tpu.memory_space<semaphore_mem>>)
        %dma_wait3A_59 = arith.constant 93840 : i32
        %dma_wait3A_60 = arith.constant 0 : i32
        %dma_wait3A_61 = tpu.memref_slice %arg6[%arg0, %dma_wait3A_59, %dma_wait3A_60] : memref<2x100000x16xf32, #tpu.memory_space<hbm>> -> memref<1x6160x16xf32, #tpu.memory_space<hbm>>
        %dma_wait3A_62 = tpu.memref_squeeze %dma_wait3A_61 : memref<1x6160x16xf32, #tpu.memory_space<hbm>> -> memref<6160x16xf32, #tpu.memory_space<hbm>>
        %dma_wait3A_63 = arith.constant 93840 : i32
        %dma_wait3A_64 = arith.constant 0 : i32
        %dma_wait3A_65 = tpu.memref_slice %arg13[%dma_wait3A_63, %dma_wait3A_64] : memref<100000x16xf32, #tpu.memory_space<vmem_shared>> -> memref<6160x16xf32, #tpu.memory_space<vmem_shared>>
        tpu.wait_dma2 semaphore(%run_scoped3A : memref<!tpu.dma_semaphore, #tpu.memory_space<semaphore_mem>>) src(%dma_wait3A_65 : memref<6160x16xf32, #tpu.memory_space<vmem_shared>>) dst(%dma_wait3A_62 : memref<6160x16xf32, #tpu.memory_space<hbm>>)
        tpu.yield
      }) : () -> ()
    } else {
    }
    return
  }
}

module attributes {stable_mosaic.version = 14 : i64} {
  func.func @_proj1_body(%arg0: i32, %arg1: memref<2000x3xf32, #tpu.memory_space<vmem>>, %arg2: memref<3x16xf32, #tpu.memory_space<vmem>>, %arg3: memref<2000x16xf32, #tpu.memory_space<vmem>>) attributes {dimension_semantics = [#tpu.dimension_semantics<arbitrary>], iteration_bounds = array<i64: 50>, scalar_prefetch = 0 : i64, scratch_operands = 0 : i64, tpu.core_type = #tpu.core_type<tc>, window_params = [{transform_indices = @transform_0, window_bounds = array<i64: 2000, 3>}, {pipeline_mode = #tpu.pipeline_mode<synchronous>, transform_indices = @transform_1, window_bounds = array<i64: 3, 16>}, {transform_indices = @transform_2, window_bounds = array<i64: 2000, 16>}]} {
    %get3A = arith.constant 0 : index
    %get3A_0 = arith.constant 0 : index
    %get3A_1 = vector.load %arg1[%get3A, %get3A_0] : memref<2000x3xf32, #tpu.memory_space<vmem>>, vector<2000x3xf32>
    %get3A_2 = arith.constant 0 : index
    %get3A_3 = arith.constant 0 : index
    %get3A_4 = vector.load %arg2[%get3A_2, %get3A_3] : memref<3x16xf32, #tpu.memory_space<vmem>>, vector<3x16xf32>
    %dot_general3A = arith.constant dense<0.000000e+00> : vector<2000x16xf32>
    %dot_general3A_5 = tpu.matmul %get3A_1, %get3A_4, %dot_general3A {dimension_numbers = #tpu.dot_dimension_numbers<[1], [0], [0], [1], [0, 0, 1, 1], [], []>, transpose_lhs_hint = false} : vector<2000x3xf32>, vector<3x16xf32>, vector<2000x16xf32> -> vector<2000x16xf32>
    %iota3A = tpu.iota {dimensions = array<i32: 1>} : vector<2000x16xi32>
    %eq3A = arith.constant 10 : i32
    %eq3A_6 = vector.broadcast %eq3A : i32 to vector<2000x16xi32>
    %eq3A_7 = arith.cmpi eq, %iota3A, %eq3A_6 : vector<2000x16xi32>
    %jit3A = arith.constant 1.000000e+00 : f32
    %broadcast_in_dim3A = vector.broadcast %jit3A : f32 to vector<2000x16xf32>
    %select_n3A = arith.select %eq3A_7, %broadcast_in_dim3A, %dot_general3A_5 : vector<2000x16xi1>, vector<2000x16xf32>
    %swap3A = arith.constant 0 : index
    %swap3A_8 = arith.constant 0 : index
    %swap3A_9 = vector.load %arg3[%swap3A, %swap3A_8] : memref<2000x16xf32, #tpu.memory_space<vmem>>, vector<2000x16xf32>
    tpu.vector_store %arg3[%swap3A, %swap3A_8], %select_n3A {strides = array<i32>} : memref<2000x16xf32, #tpu.memory_space<vmem>>, vector<2000x16xf32>,
    return
  }
  func.func @transform_0(%arg0: i32) -> (i32, i32) {
    %c0_i32 = arith.constant 0 : i32
    %c0_i32_0 = arith.constant 0 : i32
    return %arg0, %c0_i32 : i32, i32
  }
  func.func @transform_1(%arg0: i32) -> (i32, i32) {
    %c0_i32 = arith.constant 0 : i32
    %c0_i32_0 = arith.constant 0 : i32
    %c0_i32_1 = arith.constant 0 : i32
    return %c0_i32, %c0_i32_0 : i32, i32
  }
  func.func @transform_2(%arg0: i32) -> (i32, i32) {
    %c0_i32 = arith.constant 0 : i32
    %c0_i32_0 = arith.constant 0 : i32
    return %arg0, %c0_i32 : i32, i32
  }
}

module attributes {stable_mosaic.version = 14 : i64} {
  func.func @_scale_body(%arg0: i32, %arg1: memref<1x2000x16xf32, #tpu.memory_space<vmem>>, %arg2: memref<1x2000x16xf32, #tpu.memory_space<vmem>>, %arg3: memref<2000x16xf32, #tpu.memory_space<vmem>>) attributes {dimension_semantics = [#tpu.dimension_semantics<arbitrary>], iteration_bounds = array<i64: 50>, scalar_prefetch = 0 : i64, scratch_operands = 0 : i64, tpu.core_type = #tpu.core_type<tc>, window_params = [{transform_indices = @transform_0, window_bounds = array<i64: 1, 2000, 16>}, {transform_indices = @transform_1, window_bounds = array<i64: 1, 2000, 16>}, {transform_indices = @transform_2, window_bounds = array<i64: 2000, 16>}]} {
    %get3A = arith.constant 0 : index
    %get3A_0 = arith.constant 0 : index
    %get3A_1 = arith.constant 0 : index
    %get3A_2 = vector.load %arg1[%get3A, %get3A_0, %get3A_1] : memref<1x2000x16xf32, #tpu.memory_space<vmem>>, vector<1x2000x16xf32>
    %get3A_3 = vector.shape_cast %get3A_2 : vector<1x2000x16xf32> to vector<2000x16xf32>
    %get3A_4 = arith.constant 0 : index
    %get3A_5 = arith.constant 0 : index
    %get3A_6 = arith.constant 0 : index
    %get3A_7 = vector.load %arg2[%get3A_4, %get3A_5, %get3A_6] : memref<1x2000x16xf32, #tpu.memory_space<vmem>>, vector<1x2000x16xf32>
    %get3A_8 = vector.shape_cast %get3A_7 : vector<1x2000x16xf32> to vector<2000x16xf32>
    %add3A = arith.addf %get3A_3, %get3A_8 : vector<2000x16xf32>
    %slice3A = vector.extract_strided_slice %add3A {offsets = [0, 10], sizes = [2000, 1], strides = [1, 1]} : vector<2000x16xf32> to vector<2000x1xf32>
    %gt3A = arith.constant 0.000000e+00 : f32
    %gt3A_9 = vector.broadcast %gt3A : f32 to vector<2000x1xf32>
    %gt3A_10 = arith.cmpf ogt, %slice3A, %gt3A_9 : vector<2000x1xf32>
    %div3A = arith.constant 1.000000e+00 : f32
    %div3A_11 = vector.broadcast %div3A : f32 to vector<2000x1xf32>
    %div3A_12 = arith.divf %div3A_11, %slice3A : vector<2000x1xf32>
    %jit3A = arith.constant 0.000000e+00 : f32
    %broadcast_in_dim3A = vector.broadcast %jit3A : f32 to vector<2000x1xf32>
    %select_n3A = arith.select %gt3A_10, %div3A_12, %broadcast_in_dim3A : vector<2000x1xi1>, vector<2000x1xf32>
    %mul3A = vector.broadcast %select_n3A : vector<2000x1xf32> to vector<2000x16xf32>
    %mul3A_13 = arith.mulf %add3A, %mul3A : vector<2000x16xf32>
    %iota3A = tpu.iota {dimensions = array<i32: 1>} : vector<2000x16xi32>
    %eq3A = arith.constant 10 : i32
    %eq3A_14 = vector.broadcast %eq3A : i32 to vector<2000x16xi32>
    %eq3A_15 = arith.cmpi eq, %iota3A, %eq3A_14 : vector<2000x16xi32>
    %jit3A_16 = arith.constant 1.000000e+00 : f32
    %broadcast_in_dim3A_17 = vector.broadcast %jit3A_16 : f32 to vector<2000x16xf32>
    %select_n3A_18 = arith.select %eq3A_15, %broadcast_in_dim3A_17, %mul3A_13 : vector<2000x16xi1>, vector<2000x16xf32>
    %swap3A = arith.constant 0 : index
    %swap3A_19 = arith.constant 0 : index
    %swap3A_20 = vector.load %arg3[%swap3A, %swap3A_19] : memref<2000x16xf32, #tpu.memory_space<vmem>>, vector<2000x16xf32>
    tpu.vector_store %arg3[%swap3A, %swap3A_19], %select_n3A_18 {strides = array<i32>} : memref<2000x16xf32, #tpu.memory_space<vmem>>, vector<2000x16xf32>,
    return
  }
  func.func @transform_0(%arg0: i32) -> (i32, i32, i32) {
    %c0_i32 = arith.constant 0 : i32
    %c0_i32_0 = arith.constant 0 : i32
    %c0_i32_1 = arith.constant 0 : i32
    return %c0_i32, %arg0, %c0_i32_0 : i32, i32, i32
  }
  func.func @transform_1(%arg0: i32) -> (i32, i32, i32) {
    %c1_i32 = arith.constant 1 : i32
    %c0_i32 = arith.constant 0 : i32
    %c0_i32_0 = arith.constant 0 : i32
    return %c1_i32, %arg0, %c0_i32 : i32, i32, i32
  }
  func.func @transform_2(%arg0: i32) -> (i32, i32) {
    %c0_i32 = arith.constant 0 : i32
    %c0_i32_0 = arith.constant 0 : i32
    return %arg0, %c0_i32 : i32, i32
  }
}

module attributes {stable_mosaic.version = 14 : i64} {
  func.func @_layer2_body(%arg0: i32, %arg1: memref<1x2000x16xf32, #tpu.memory_space<vmem>>, %arg2: memref<1x2000x16xf32, #tpu.memory_space<vmem>>, %arg3: memref<16x16xf32, #tpu.memory_space<vmem>>, %arg4: memref<1x16xf32, #tpu.memory_space<vmem>>, %arg5: memref<2000x16xf32, #tpu.memory_space<vmem>>) attributes {dimension_semantics = [#tpu.dimension_semantics<arbitrary>], iteration_bounds = array<i64: 50>, scalar_prefetch = 0 : i64, scratch_operands = 0 : i64, tpu.core_type = #tpu.core_type<tc>, window_params = [{transform_indices = @transform_0, window_bounds = array<i64: 1, 2000, 16>}, {transform_indices = @transform_1, window_bounds = array<i64: 1, 2000, 16>}, {pipeline_mode = #tpu.pipeline_mode<synchronous>, transform_indices = @transform_2, window_bounds = array<i64: 16, 16>}, {pipeline_mode = #tpu.pipeline_mode<synchronous>, transform_indices = @transform_3, window_bounds = array<i64: 1, 16>}, {transform_indices = @transform_4, window_bounds = array<i64: 2000, 16>}]} {
    %get3A = arith.constant 0 : index
    %get3A_0 = arith.constant 0 : index
    %get3A_1 = arith.constant 0 : index
    %get3A_2 = vector.load %arg1[%get3A, %get3A_0, %get3A_1] : memref<1x2000x16xf32, #tpu.memory_space<vmem>>, vector<1x2000x16xf32>
    %get3A_3 = vector.shape_cast %get3A_2 : vector<1x2000x16xf32> to vector<2000x16xf32>
    %get3A_4 = arith.constant 0 : index
    %get3A_5 = arith.constant 0 : index
    %get3A_6 = arith.constant 0 : index
    %get3A_7 = vector.load %arg2[%get3A_4, %get3A_5, %get3A_6] : memref<1x2000x16xf32, #tpu.memory_space<vmem>>, vector<1x2000x16xf32>
    %get3A_8 = vector.shape_cast %get3A_7 : vector<1x2000x16xf32> to vector<2000x16xf32>
    %add3A = arith.addf %get3A_3, %get3A_8 : vector<2000x16xf32>
    %slice3A = vector.extract_strided_slice %add3A {offsets = [0, 10], sizes = [2000, 1], strides = [1, 1]} : vector<2000x16xf32> to vector<2000x1xf32>
    %gt3A = arith.constant 0.000000e+00 : f32
    %gt3A_9 = vector.broadcast %gt3A : f32 to vector<2000x1xf32>
    %gt3A_10 = arith.cmpf ogt, %slice3A, %gt3A_9 : vector<2000x1xf32>
    %div3A = arith.constant 1.000000e+00 : f32
    %div3A_11 = vector.broadcast %div3A : f32 to vector<2000x1xf32>
    %div3A_12 = arith.divf %div3A_11, %slice3A : vector<2000x1xf32>
    %jit3A = arith.constant 0.000000e+00 : f32
    %broadcast_in_dim3A = vector.broadcast %jit3A : f32 to vector<2000x1xf32>
    %select_n3A = arith.select %gt3A_10, %div3A_12, %broadcast_in_dim3A : vector<2000x1xi1>, vector<2000x1xf32>
    %mul3A = vector.broadcast %select_n3A : vector<2000x1xf32> to vector<2000x16xf32>
    %mul3A_13 = arith.mulf %add3A, %mul3A : vector<2000x16xf32>
    %get3A_14 = arith.constant 0 : index
    %get3A_15 = arith.constant 0 : index
    %get3A_16 = vector.load %arg4[%get3A_14, %get3A_15] : memref<1x16xf32, #tpu.memory_space<vmem>>, vector<1x16xf32>
    %add3A_17 = vector.broadcast %get3A_16 : vector<1x16xf32> to vector<2000x16xf32>
    %add3A_18 = arith.addf %mul3A_13, %add3A_17 : vector<2000x16xf32>
    %max3A = arith.constant 0.000000e+00 : f32
    %max3A_19 = vector.broadcast %max3A : f32 to vector<2000x16xf32>
    %max3A_20 = arith.maximumf %add3A_18, %max3A_19 : vector<2000x16xf32>
    %get3A_21 = arith.constant 0 : index
    %get3A_22 = arith.constant 0 : index
    %get3A_23 = vector.load %arg3[%get3A_21, %get3A_22] : memref<16x16xf32, #tpu.memory_space<vmem>>, vector<16x16xf32>
    %dot_general3A = arith.constant dense<0.000000e+00> : vector<2000x16xf32>
    %dot_general3A_24 = tpu.matmul %max3A_20, %get3A_23, %dot_general3A {dimension_numbers = #tpu.dot_dimension_numbers<[1], [0], [0], [1], [0, 0, 1, 1], [], []>, transpose_lhs_hint = false} : vector<2000x16xf32>, vector<16x16xf32>, vector<2000x16xf32> -> vector<2000x16xf32>
    %iota3A = tpu.iota {dimensions = array<i32: 1>} : vector<2000x16xi32>
    %eq3A = arith.constant 10 : i32
    %eq3A_25 = vector.broadcast %eq3A : i32 to vector<2000x16xi32>
    %eq3A_26 = arith.cmpi eq, %iota3A, %eq3A_25 : vector<2000x16xi32>
    %jit3A_27 = arith.constant 1.000000e+00 : f32
    %broadcast_in_dim3A_28 = vector.broadcast %jit3A_27 : f32 to vector<2000x16xf32>
    %select_n3A_29 = arith.select %eq3A_26, %broadcast_in_dim3A_28, %dot_general3A_24 : vector<2000x16xi1>, vector<2000x16xf32>
    %swap3A = arith.constant 0 : index
    %swap3A_30 = arith.constant 0 : index
    %swap3A_31 = vector.load %arg5[%swap3A, %swap3A_30] : memref<2000x16xf32, #tpu.memory_space<vmem>>, vector<2000x16xf32>
    tpu.vector_store %arg5[%swap3A, %swap3A_30], %select_n3A_29 {strides = array<i32>} : memref<2000x16xf32, #tpu.memory_space<vmem>>, vector<2000x16xf32>,
    return
  }
  func.func @transform_0(%arg0: i32) -> (i32, i32, i32) {
    %c0_i32 = arith.constant 0 : i32
    %c0_i32_0 = arith.constant 0 : i32
    %c0_i32_1 = arith.constant 0 : i32
    return %c0_i32, %arg0, %c0_i32_0 : i32, i32, i32
  }
  func.func @transform_1(%arg0: i32) -> (i32, i32, i32) {
    %c1_i32 = arith.constant 1 : i32
    %c0_i32 = arith.constant 0 : i32
    %c0_i32_0 = arith.constant 0 : i32
    return %c1_i32, %arg0, %c0_i32 : i32, i32, i32
  }
  func.func @transform_2(%arg0: i32) -> (i32, i32) {
    %c0_i32 = arith.constant 0 : i32
    %c0_i32_0 = arith.constant 0 : i32
    %c0_i32_1 = arith.constant 0 : i32
    return %c0_i32, %c0_i32_0 : i32, i32
  }
  func.func @transform_3(%arg0: i32) -> (i32, i32) {
    %c0_i32 = arith.constant 0 : i32
    %c0_i32_0 = arith.constant 0 : i32
    %c0_i32_1 = arith.constant 0 : i32
    return %c0_i32, %c0_i32_0 : i32, i32
  }
  func.func @transform_4(%arg0: i32) -> (i32, i32) {
    %c0_i32 = arith.constant 0 : i32
    %c0_i32_0 = arith.constant 0 : i32
    return %arg0, %c0_i32 : i32, i32
  }
}

module attributes {stable_mosaic.version = 14 : i64} {
  func.func @_final_body(%arg0: i32, %arg1: memref<1x2000x16xf32, #tpu.memory_space<vmem>>, %arg2: memref<1x2000x16xf32, #tpu.memory_space<vmem>>, %arg3: memref<1x10xf32, #tpu.memory_space<vmem>>, %arg4: memref<2000x10xf32, #tpu.memory_space<vmem>>) attributes {dimension_semantics = [#tpu.dimension_semantics<arbitrary>], iteration_bounds = array<i64: 50>, scalar_prefetch = 0 : i64, scratch_operands = 0 : i64, tpu.core_type = #tpu.core_type<tc>, window_params = [{transform_indices = @transform_0, window_bounds = array<i64: 1, 2000, 16>}, {transform_indices = @transform_1, window_bounds = array<i64: 1, 2000, 16>}, {pipeline_mode = #tpu.pipeline_mode<synchronous>, transform_indices = @transform_2, window_bounds = array<i64: 1, 10>}, {transform_indices = @transform_3, window_bounds = array<i64: 2000, 10>}]} {
    %get3A = arith.constant 0 : index
    %get3A_0 = arith.constant 0 : index
    %get3A_1 = arith.constant 0 : index
    %get3A_2 = vector.load %arg1[%get3A, %get3A_0, %get3A_1] : memref<1x2000x16xf32, #tpu.memory_space<vmem>>, vector<1x2000x16xf32>
    %get3A_3 = vector.shape_cast %get3A_2 : vector<1x2000x16xf32> to vector<2000x16xf32>
    %get3A_4 = arith.constant 0 : index
    %get3A_5 = arith.constant 0 : index
    %get3A_6 = arith.constant 0 : index
    %get3A_7 = vector.load %arg2[%get3A_4, %get3A_5, %get3A_6] : memref<1x2000x16xf32, #tpu.memory_space<vmem>>, vector<1x2000x16xf32>
    %get3A_8 = vector.shape_cast %get3A_7 : vector<1x2000x16xf32> to vector<2000x16xf32>
    %add3A = arith.addf %get3A_3, %get3A_8 : vector<2000x16xf32>
    %slice3A = vector.extract_strided_slice %add3A {offsets = [0, 10], sizes = [2000, 1], strides = [1, 1]} : vector<2000x16xf32> to vector<2000x1xf32>
    %gt3A = arith.constant 0.000000e+00 : f32
    %gt3A_9 = vector.broadcast %gt3A : f32 to vector<2000x1xf32>
    %gt3A_10 = arith.cmpf ogt, %slice3A, %gt3A_9 : vector<2000x1xf32>
    %div3A = arith.constant 1.000000e+00 : f32
    %div3A_11 = vector.broadcast %div3A : f32 to vector<2000x1xf32>
    %div3A_12 = arith.divf %div3A_11, %slice3A : vector<2000x1xf32>
    %jit3A = arith.constant 0.000000e+00 : f32
    %broadcast_in_dim3A = vector.broadcast %jit3A : f32 to vector<2000x1xf32>
    %select_n3A = arith.select %gt3A_10, %div3A_12, %broadcast_in_dim3A : vector<2000x1xi1>, vector<2000x1xf32>
    %mul3A = vector.broadcast %select_n3A : vector<2000x1xf32> to vector<2000x16xf32>
    %mul3A_13 = arith.mulf %add3A, %mul3A : vector<2000x16xf32>
    %slice3A_14 = vector.extract_strided_slice %mul3A_13 {offsets = [0, 0], sizes = [2000, 10], strides = [1, 1]} : vector<2000x16xf32> to vector<2000x10xf32>
    %get3A_15 = arith.constant 0 : index
    %get3A_16 = arith.constant 0 : index
    %get3A_17 = vector.load %arg3[%get3A_15, %get3A_16] : memref<1x10xf32, #tpu.memory_space<vmem>>, vector<1x10xf32>
    %add3A_18 = vector.broadcast %get3A_17 : vector<1x10xf32> to vector<2000x10xf32>
    %add3A_19 = arith.addf %slice3A_14, %add3A_18 : vector<2000x10xf32>
    %max3A = arith.constant 0.000000e+00 : f32
    %max3A_20 = vector.broadcast %max3A : f32 to vector<2000x10xf32>
    %max3A_21 = arith.maximumf %add3A_19, %max3A_20 : vector<2000x10xf32>
    %swap3A = arith.constant 0 : index
    %swap3A_22 = arith.constant 0 : index
    %swap3A_23 = vector.load %arg4[%swap3A, %swap3A_22] : memref<2000x10xf32, #tpu.memory_space<vmem>>, vector<2000x10xf32>
    tpu.vector_store %arg4[%swap3A, %swap3A_22], %max3A_21 {strides = array<i32>} : memref<2000x10xf32, #tpu.memory_space<vmem>>, vector<2000x10xf32>,
    return
  }
  func.func @transform_0(%arg0: i32) -> (i32, i32, i32) {
    %c0_i32 = arith.constant 0 : i32
    %c0_i32_0 = arith.constant 0 : i32
    %c0_i32_1 = arith.constant 0 : i32
    return %c0_i32, %arg0, %c0_i32_0 : i32, i32, i32
  }
  func.func @transform_1(%arg0: i32) -> (i32, i32, i32) {
    %c1_i32 = arith.constant 1 : i32
    %c0_i32 = arith.constant 0 : i32
    %c0_i32_0 = arith.constant 0 : i32
    return %c1_i32, %arg0, %c0_i32 : i32, i32, i32
  }
  func.func @transform_2(%arg0: i32) -> (i32, i32) {
    %c0_i32 = arith.constant 0 : i32
    %c0_i32_0 = arith.constant 0 : i32
    %c0_i32_1 = arith.constant 0 : i32
    return %c0_i32, %c0_i32_0 : i32, i32
  }
  func.func @transform_3(%arg0: i32) -> (i32, i32) {
    %c0_i32 = arith.constant 0 : i32
    %c0_i32_0 = arith.constant 0 : i32
    return %arg0, %c0_i32 : i32, i32
  }
}

</mosaic_0001>

<sc_bundles>
// kernel: kernel.11.cloned.1.call-start
scs
__scs_entry_jumppad:
0x0: {  	(pc) =	sbr.rel $0x88, $3  }
0x1: {  	(tag) =	ssettag $0x0;
	lr =	simm.s32 $0x1  }
0x2: {  	[smem:$0x3F9B] =	sst lr;
	_ =	strace $0xD0000000  }
0x3: {  	_ = 	snop  }
0x4: {  	_ = 	snop  }
0x5: {  	_ = 	snop  }
0x6: {  	_ = 	snop  }
0x7: {  	_ = 	snop  }
__scs_overlays_trampoline_lowered:
0x8: {  	[smem:$0x3FAA] =	sst s0  }
0x9: {  	[smem:$0x3FAB] =	sst s1  }
0xa: {  	[smem:$0x3FAC] =	sst s2  }
0xb: {  	[smem:$0x3FAD] =	sst s3  }
0xc: {  	[smem:$0x3FAE] =	sst s4  }
0xd: {  	[smem:$0x3FAF] =	sst s5  }
0xe: {  	[smem:$0x3FB0] =	sst s6  }
0xf: {  	[smem:$0x3FB1] =	sst s7  }
0x10: {  	[smem:$0x3FB2] =	sst s8  }
0x11: {  	[smem:$0x3FB3] =	sst s9;
	s0 =	simm.s32 @!p0 $0x0  }
0x12: {  	s1 =	sld [smem:$0x3F99];
	s0 =	simm.s32 @p0 $0x1  }
0x13: {  	[smem:$0x3FB4] =	sst s0;
	s0 =	simm.s32 @!p1 $0x0  }
0x14: {  	s2 =	sld [smem:$0x3F98];
	s0 =	simm.s32 @p1 $0x1  }
0x15: {  	[smem:$0x3FB5] =	sst s0;
	s0 =	simm.s32 @!p2 $0x0  }
0x16: {  	s3 =	sld [smem:$0x3FDB];
	s0 =	simm.s32 @p2 $0x1  }
0x17: {  	s4 =	simm.s32 $0x1BF5;
	[smem:$0x3FB7] =	sst s0  }
0x18: {  	s0 =	sld [smem:$0x3F9A];
	_ =	swait.ge [sflag:s4], $0x0  }
0x19: {  	s7 =	sld [smem:$0x3F9B]  }
0x1a: {  	s8 =	sadd.s32 $0xFFFFE003, lr  }
0x1b: {  	s9 =	sadd.s32 $0xFFFFFEF7, lr;
	s5 =	simm.s32 $0xFFFFFFFF;
	p2 =	slt.u32 s8, $0xFFFFF086  }
0x1c: {  	p1 =	slt.u32 s9, $0xF7A;
	s5 =	simm.s32 @!p2 $0x0  }
0x1d: {  	s5 =	simm.s32 @p1 $0x1;
	p0 =	seq.s32 s7, s2  }
0x1e: {  	s7 =	smul.u32 @!p0 $0xF7A, s2;
	p2 =	seq.s32 @!p0 s5, $0x0  }
0x1f: {  	s9 =	smul.u32 $0xF7A, s1;
	s8 =	simm.s32 @!p0 $0x1BF5;
	p2 =	por !p2, p0  }
0x20: {  	[sflag:s8] =	ssyncset.s32 @!p0 $0xFFFFF086;
	s6 =	sadd.s32 @!p0 s3, s7;
	s7 =	simm.s32 @!p0 $0x108  }
0x21: {  	s3 =	sadd.s32 s3, s9;
	s6 =	sadd.s32 @!p0 $0x88, s6;
	s7 =	simm.s32 @p2 $0x1082  }
0x22: {  	[simem:s7], [sflag:s8] =	dma.local @!p0 [hbm:s6], $0xF7A  }
0x23: {  	s9 =	sor.u32 $0xD0000000, s2;
	s6 =	simm.s32 $0x108;
	_ =	swait.ge @!p0 [sflag:s8], $0x0  }
0x24: {  	s3 =	sadd.s32 $0x88, s3;
	s6 =	simm.s32 @!p1 $0x1082;
	[sflag:s4] =	ssyncset.s32 $0xFFFFF086  }
0x25: {  	[simem:s6], [sflag:s4] =	dma.local [hbm:s3], $0xF7A  }
0x26: {  	[smem:$0x3F9B] =	sst s1;
	(tag) =	ssettag s2;
	_ =	strace s9  }
0x27: {  	s1 =	sld [smem:$0x3FAB]  }
0x28: {  	s2 =	sld [smem:$0x3FAC]  }
0x29: {  	s4 =	sld [smem:$0x3FAE]  }
0x2a: {  	p0 =	seq.s32 s5, $0x0;
	s5 =	sld [smem:$0x3FAF]  }
0x2b: {  	s6 =	sld [smem:$0x3FB0]  }
0x2c: {  	s7 =	sld [smem:$0x3FB1]  }
0x2d: {  	s3 =	simm.s32 $0x108;
	s8 =	sld [smem:$0x3FB2]  }
0x2e: {  	s3 =	simm.s32 @!p0 $0x1082;
	s9 =	sld [smem:$0x3FB3]  }
0x2f: {  	lr =	sadd.s32 s0, s3;
	s0 =	sld [smem:$0x3FAA]  }
0x30: {  	s3 =	sld [smem:$0x3FAD]  }
0x31: {  	[smem:$0x3FB6] =	sst s10  }
0x32: {  	s10 =	sld [smem:$0x3FB4];
	_ =	sdelay $0x3  }
0x33: {  	p0 =	seq.s32 s10, $0x1;
	s10 =	sld [smem:$0x3FB6];
	_ =	sdelay $0x3  }
0x34: {  	[smem:$0x3FB6] =	sst s10  }
0x35: {  	s10 =	sld [smem:$0x3FB5];
	_ =	sdelay $0x3  }
0x36: {  	p1 =	seq.s32 s10, $0x1;
	s10 =	sld [smem:$0x3FB6];
	_ =	sdelay $0x3  }
0x37: {  	[smem:$0x3FB6] =	sst s10  }
0x38: {  	s10 =	sld [smem:$0x3FB7]  }
0x39: {  	_ = 	snop;
	(pc) =	sbr.ind lr, $3  }
0x3a: {  	_ = 	snop  }
0x3b: {  	_ = 	snop  }
0x3c: {  	p2 =	seq.s32 s10, $0x1;
	s10 =	sld [smem:$0x3FB6]  }
0x3d: {  	_ =	shalt  }
0x3e: {  	_ =	shalt  }
0x3f: {  	_ =	shalt  }
0x40: {  	_ =	shalt  }
0x41: {  	_ =	shalt  }
0x42: {  	_ =	shalt  }
0x43: {  	_ =	shalt  }
0x44: {  	_ =	shalt  }
0x45: {  	_ =	shalt  }
0x46: {  	_ =	shalt  }
0x47: {  	_ =	shalt  }
0x48: {  	_ =	shalt  }
0x49: {  	_ =	shalt  }
0x4a: {  	_ =	shalt  }
0x4b: {  	_ =	shalt  }
0x4c: {  	_ =	shalt  }
0x4d: {  	_ =	shalt  }
0x4e: {  	_ =	shalt  }
0x4f: {  	_ =	shalt  }
0x50: {  	_ =	shalt  }
0x51: {  	_ =	shalt  }
0x52: {  	_ =	shalt  }
0x53: {  	_ =	shalt  }
0x54: {  	_ =	shalt  }
0x55: {  	_ =	shalt  }
0x56: {  	_ =	shalt  }
0x57: {  	_ =	shalt  }
0x58: {  	_ =	shalt  }
0x59: {  	_ =	shalt  }
0x5a: {  	_ =	shalt  }
0x5b: {  	_ =	shalt  }
0x5c: {  	_ =	shalt  }
0x5d: {  	_ =	shalt  }
0x5e: {  	_ =	shalt  }
0x5f: {  	_ =	shalt  }
0x60: {  	_ =	shalt  }
0x61: {  	_ =	shalt  }
0x62: {  	_ =	shalt  }
0x63: {  	_ =	shalt  }
0x64: {  	_ =	shalt  }
0x65: {  	_ =	shalt  }
0x66: {  	_ =	shalt  }
0x67: {  	_ =	shalt  }
0x68: {  	_ =	shalt  }
0x69: {  	_ =	shalt  }
0x6a: {  	_ =	shalt  }
0x6b: {  	_ =	shalt  }
0x6c: {  	_ =	shalt  }
0x6d: {  	_ =	shalt  }
0x6e: {  	_ =	shalt  }
0x6f: {  	_ =	shalt  }
0x70: {  	_ =	shalt  }
0x71: {  	_ =	shalt  }
0x72: {  	_ =	shalt  }
0x73: {  	_ =	shalt  }
0x74: {  	_ =	shalt  }
0x75: {  	_ =	shalt  }
0x76: {  	_ =	shalt  }
0x77: {  	_ =	shalt  }
0x78: {  	_ =	shalt  }
0x79: {  	_ =	shalt  }
0x7a: {  	_ =	shalt  }
0x7b: {  	_ =	shalt  }
0x7c: {  	_ =	shalt  }
0x7d: {  	_ =	shalt  }
0x7e: {  	_ =	shalt  }
0x7f: {  	_ =	shalt  }
0x80: {  	_ =	shalt  }
0x81: {  	_ =	shalt  }
0x82: {  	_ =	shalt  }
0x83: {  	_ =	shalt  }
0x84: {  	_ =	shalt  }
0x85: {  	_ =	shalt  }
0x86: {  	_ =	shalt  }
0x87: {  	_ =	shalt  }
.Lfunc_end0:
.L_simem_size_0:
called_computation_lowered:
.L_overlay_start_0:
0x88: {  	s2 =	sld [smem:$0x3FD9]  }
0x89: {  	s3 =	sld [smem:$0x3FFE];
	_ =	sdelay $0x1  }
0x8a: {  	s1 =	srdreg.scid  }
0x8b: {  	s0 =	sand.u32 $0x1, s1  }
0x8c: {  	s17 =	sshll.u32 s0, $0xA;
	s2 =	sadd.s32 s3, s2  }
0x8d: {  	s2 =	sadd.s32 s2, s17  }
0x8e: {  	[smem:$0x3FC2] =	sst s2  }
0x8f: {  	_ = 	snop  }
0x90: {  	s2 =	sld [smem:$0x3FD0];
	(tm) =	ssettm $0x1  }
0x91: {  	s18 =	sld [smem:$0x3FFB];
	_ =	sdelay $0x3  }
0x92: {  	_ =	strace s18  }
0x93: {  	s3 =	sld [smem:$0x3FFC];
	_ =	sdelay $0x3  }
0x94: {  	_ =	strace s3  }
0x95: {  	s3 =	sld [smem:$0x3FFD];
	_ =	sdelay $0x3  }
0x96: {  	_ =	strace s3  }
0x97: {  	_ =	strace $0x8FFFFFFF  }
0x98: {  	s19 =	sld [smem:$0x3FDB];
	_ =	sdelay $0x1  }
0x99: {  	s4 =	simm.s32 $_scs_section_size  }
0x9a: {  	s5 =	simm.s32 $_size__tile_overlayer_lowered;
	s6 =	simm.s32 $_tile_overlayer_lowered  }
0x9b: {  	s22 =	simm.s32 $0x1BFF;
	s21 =	sshll.u32 s6, $0x1;
	s3 =	sadd.s32 s4, s19  }
0x9c: {  	s7 =	simm.s32 $0x0;
	s20 =	sshll.u32 s5, $0x1;
	s5 =	sadd.s32 s21, s3  }
0x9d: {  	[timem:s7], [sflag:s22] =	dma.local [hbm:s5], s20  }
0x9e: {  	_ =	swait.ge [sflag:s22], s20  }
0x9f: {  	s4 =	ssub.s32 $0x0, s20;
	[sflag:s22] =	ssyncset.done $0x0  }
0xa0: {  	[sflag:s22] =	ssyncadd.s32 s4;
	_ =	sdelay $0x1  }
0xa1: {  	s23 =	simm.s32 $0x1B8B  }
0xa2: {  	_ =	swait.ge [sflag:s23], $0x1  }
0xa3: {  	[sflag:s23] =	ssyncset.done $0x0  }
0xa4: {  	s25 =	simm.s32 $0x1B8E;
	s24 =	sld [smem:$0x3FFE];
	[sflag:s23] =	ssyncadd.s32 $0xFFFFFFFF  }
0xa5: {  	s26 =	simm.s32 $execute0_lowered;
	[smem:$0x3FD2] =	sst s25  }
0xa6: {  	s5 =	sshll.u32 s26, $0x1;
	_ =	strace $0x80000046;
	[dreg:$0x1] =	wrdreg $0xFFFFFFFF  }
0xa7: {  	s28 =	simm.s32 $_size_execute0_lowered;
	s3 =	sadd.s32 s3, s5;
	[dreg:$0x0] =	wrdreg $0x0  }
0xa8: {  	s5 =	sshll.u32 s28, $0x1;
	[dreg:$0x2] =	wrdreg s3  }
0xa9: {  	[dreg:$0x3] =	wrdreg s5  }
0xaa: {  	[dreg:$0x4] =	wrdreg $0xC0  }
0xab: {  	_ =	task [dreg:s7], $0x5FFFF  }
0xac: {  	[dreg:$0x1] =	wrdreg $0xFFFFFFFF  }
0xad: {  	[dreg:$0x0] =	wrdreg $0x60  }
0xae: {  	[dreg:$0x2] =	wrdreg s24  }
0xaf: {  	[dreg:$0x3] =	wrdreg s2  }
0xb0: {  	[dreg:$0x4] =	wrdreg $0x70800  }
0xb1: {  	[dreg:$0x5] =	wrdreg $0x9  }
0xb2: {  	_ =	task.clear_ibuf [dreg:s7], $0x6FFFF;
	_ =	strace $0x90000046  }
0xb3: {  	s29 =	simm.s32 $0x9;
	_ =	strace $0x80000048  }
0xb4: {  	_ =	swait.ge [sflag:s29], $0x1  }
0xb5: {  	[sflag:s29] =	ssyncadd.s32 $0xFFFFFFFF  }
0xb6: {  	_ =	strace $0x90000048  }
0xb7: {  	_ =	sfence  }
0xb8: {  	s30 =	sld [smem:$0x0];
	_ =	sdelay $0x2  }
0xb9: {  	s31 =	sshll.u32 s1, $0xD;
	s1 =	sshrl.u32 s1, $0x2  }
0xba: {  	s3 =	sand.u32 $0x4000, s31;
	s1 =	sadd.s32 s1, s30  }
0xbb: {  	s0 =	sor.u32 s3, s0;
	s1 =	sshll.u32 s1, $0x11  }
0xbc: {  	s0 =	sor.u32 s1, s0  }
0xbd: {  	s0 =	sadd.s32 $0x8F2B, s0  }
0xbe: {  	[sflag:s0] =	ssyncadd.remote.s32 $0x1  }
0xbf: {  	_ =	sfence.sel $0xFFFF  }
0xc0: {  	[dreg:$0x0] =	wrdreg $0xFFFFFFFF;
	(pc) =	sbr.abs _section_cstart, $3  }
0xc1: {  	[dreg:$0x1] =	wrdreg $0xFFFFFFFF  }
0xc2: {  	_ =	task.clear_ibuf [dreg:s7], $0x2FFFF;
	_ =	strace $0x9FFFFFFF  }
0xc3: {  	(tm) =	ssettm $0x7FFFFFFF  }
tec
execute0_lowered:
.L_overlay_start_1:
0x0: {  	(tag) =	ssettag $0x1  }
0x1: {  	s0 =	rddreg [dreg:$0x0]  }
0x2: {  	s1 =	rddreg [dreg:$0x1]  }
0x3: {  	s2 =	rddreg [dreg:$0x2];
	s3 =	srdreg.scid;
	s4 =	simm.s32 $0x0  }
0x4: {  	s14 =	stileid.u32;
	s28 =	simm.s32 $0x640;
	s29 =	simm.s32 $0x3  }
0x5: {  	s30 =	simm.s32 $0x2;
	s31 =	simm.s32 $0x3E80;
	s10 =	smul.u32 $0x61C00, s14  }
0x6: {  	s3 =	sand.u32 $0x1, s3;
	[smem:$0x7FF] =	sst s4;
	s12 =	smul.u32 $0x18700, s14  }
0x7: {  	s5 =	sadd.s32 $0x1A00, s0;
	s7 =	sadd.s32 $0xC5200, s0;
	s23 =	smul.u32 $0x186A0, s14  }
0x8: {  	s15 =	sadd.s32 $0x16E900, s2;
	p0 =	seq.s32 s14, $0xF;
	s6 =	sshll.u32 s3, $0x4  }
0x9: {  	_ =	strace $0x80000047;
	s9 =	ssub.s32 $0x2, s3;
	s3 =	smul.u32 $0x186A00, s3  }
0xa: {  	[dreg:$0x8] =	wrdreg s15;
	s8 =	sor.u32 s14, s6;
	s6 =	sadd.s32 $0x63600, s0  }
0xb: {  	s0 =	sadd.s32 $0xC8400, s0;
	s11 =	sshrl.u32 s9, $0x1;
	s10 =	sshrl.u32 s10, $0x2  }
0xc: {  	s8 =	smul.u32 $0x186A0, s8;
	s9 =	ssub.s32 s9, s11;
	s22 =	sadd.s32 s12, s3  }
0xd: {  	s10 =	sadd.s32 s10, s2;
	s24 =	sshrl.u32 s3, $0x3;
	s12 =	sadd.s32 s12, s2  }
0xe: {  	s3 =	sadd.s32 s23, s3;
	s23 =	simm.s32 $0x3B60;
	s9 =	smax.u32 s9, $0x1  }
0xf: {  	s26 =	sadd.s32 $0x960, s3;
	s8 =	sshrl.u32 s8, $0x3;
	[dreg:$0xb] =	wrdreg s9  }
0x10: {  	s19 =	sadd.s32 $0x64, s8;
	s13 =	sadd.s32 s5, s8;
	s20 =	sadd.s32 s6, s8  }
0x11: {  	s25 =	sadd.s32 $0x3070, s8;
	s8 =	sshrl.u32 s26, $0x3;
	[dreg:$0x4] =	wrdreg s13  }
0x12: {  	s26 =	simm.s32 $0x1;
	[dreg:$0x5] =	wrdreg s20;
	s21 =	sadd.s32 s5, s19  }
0x13: {  	s11 =	sadd.s32 s6, s19;
	s16 =	sadd.s32 s5, s25;
	s17 =	sadd.s32 s6, s25  }
0x14: {  	s18 =	sadd.s32 s8, s6;
	s19 =	sadd.s32 s8, s5;
	s20 =	sadd.s32 $0x640, s3  }
0x15: {  	s25 =	sshrl.u32 @!p0 s12, $0x3;
	s3 =	simm.s32 $0x4;
	[dreg:$0x6] =	wrdreg s21  }
0x16: {  	s8 =	simm.s32 $0x0;
	[dreg:$0x7] =	wrdreg s11;
	s11 =	sshrl.u32 s22, $0x3  }
0x17: {  	s21 =	simm.s32 $0x320;
	s11 =	sadd.s32 s0, s11;
	s0 =	sadd.s32 s0, s24  }
0x18: {  	s22 =	simm.s32 $0x3840;
	[dreg:$0x9] =	wrdreg s11;
	s0 =	sadd.s32 $0x2DD20, s0  }
0x19: {  	s24 =	sshrl.u32 @!p0 s10, $0x3;
	[dreg:$0xa] =	wrdreg s0;
	s0 =	simm.s32 $0x5  }
.LBB2_1:
0x1a: {  	s9 =	rddreg [dreg:$0x4]  }
0x1b: {  	s11 =	rddreg [dreg:$0x5]  }
0x1c: {  	[tilespmem:s4], [sflag:$0x1] =	stream.linear.gather [hbm4b:s9+s4], $0x320, $0x38;
	[tilespmem:$0x1F720] =	vst v63  }
0x1d: {  	s12 =	rddreg [dreg:$0x6]  }
0x1e: {  	[tilespmem:s21], [sflag:$0x1] =	stream.linear.gather [hbm4b:s11+s4], $0x320, $0x38;
	[tilespmem:$0x1F720] =	vst v63  }
0x1f: {  	s9 =	rddreg [dreg:$0x8]  }
0x20: {  	[tilespmem:s22], [sflag:$0x2] =	stream.linear.gather [hbm4b:s12+s4], $0x320, $0x38;
	[tilespmem:$0x1F720] =	vst v63  }
0x21: {  	s13 =	rddreg [dreg:$0x7];
	s10 =	simm.s32 @p0 $0x1FC5;
	s9 =	sshrl.u32 @p0 s9, $0x3  }
0x22: {  	[tilespmem:s23], [sflag:$0x2] =	stream.linear.gather [hbm4b:s13+s4], $0x320, $0x38;
	[tilespmem:$0x1F720] =	vst v63  }
0x23: {  	[spmem:s9], [sflag:s10] =	dma.local @p0 [hbm:s7], $0x3020  }
0x24: {  	s10 =	simm.s32 @p0 $0x5  }
0x25: {  	s11 =	stileid.u32;
	_ =	swait.ge @p0 [sflag:s10], $0x3020  }
0x26: {  	s11 =	sshll.u32 @!p0 s11, $0x6;
	[sflag:s10] =	ssyncset.done @p0 $0x0  }
0x27: {  	[sflag:s10] =	ssyncadd.s32 @p0 $0xFFFFCFE0;
	s10 =	sor.u32 @!p0 $0x1C05, s11;
	s11 =	simm.s32 @!p0 $0x5  }
0x28: {  	[spmem:s24], [sflag:s10] =	dma.local @!p0 [hbm:s7], $0x30E0  }
0x29: {  	_ =	swait.ge @!p0 [sflag:s11], $0x30E0  }
0x2a: {  	[sflag:s11] =	ssyncset.done @!p0 $0x0  }
0x2b: {  	[sflag:s11] =	ssyncadd.s32 @!p0 $0xFFFFCF20  }
0x2c: {  	_ =	swait.ge [sflag:s26], $0x320  }
0x2d: {  	[sflag:s26] =	ssyncset.done $0x0  }
0x2e: {  	[sflag:s26] =	ssyncadd.s32 $0xFFFFFCE0  }
0x2f: {  	_ =	swait.ge [sflag:s26], $0x320  }
0x30: {  	[sflag:s26] =	ssyncset.done $0x0  }
0x31: {  	[sflag:s26] =	ssyncadd.s32 $0xFFFFFCE0  }
0x32: {  	[tilespmem:s28], [sflag:$0x3] =	stream.indirect.gather [hbm4b:s1+s21], $0x10, s4, s21, $0xb8;
	[tilespmem:$0x1F720] =	vst v63  }
0x33: {  	[bflag:$0x0] =	sbarrier.arrive $0xFFFF  }
0x34: {  	_ =	swait.ge [sflag:s29], $0x3200  }
0x35: {  	[sflag:s29] =	ssyncset.done $0x0  }
0x36: {  	[sflag:s29] =	ssyncadd.s32 $0xFFFFCE00  }
0x37: {  	_ =	swait.ge [sflag:s30], $0x320  }
0x38: {  	[sflag:s30] =	ssyncset.done $0x0  }
0x39: {  	[sflag:s30] =	ssyncadd.s32 $0xFFFFFCE0  }
0x3a: {  	_ =	swait.ge [sflag:s30], $0x320  }
0x3b: {  	[sflag:s30] =	ssyncset.done $0x0  }
0x3c: {  	[sflag:s30] =	ssyncadd.s32 $0xFFFFFCE0  }
0x3d: {  	[tilespmem:s31], [sflag:$0x4] =	stream.indirect.gather [hbm4b:s1+s21], $0x10, s22, s21, $0xb8;
	[tilespmem:$0x1F720] =	vst v63  }
0x3e: {  	_ = 	snop  }
0x3f: {  	[spmem:s2] =	stream.indirect.scatter.add.f32 [tilespmem:s28], [sflag:$0x5], $0x10, s21, s21, $0xb8;
	[tilespmem:$0x1F720] =	vst v63  }
0x40: {  	_ =	swait.ge [sflag:s0], $0x3200  }
0x41: {  	s14 =	sshrl.u32 s20, $0x3;
	[sflag:s0] =	ssyncset.done $0x0  }
0x42: {  	s12 =	sadd.s32 s5, s14;
	[sflag:s0] =	ssyncadd.s32 $0xFFFFCE00  }
0x43: {  	[tilespmem:s4], [sflag:$0x1] =	stream.linear.gather [hbm4b:s12+s4], $0x320, $0x38;
	[tilespmem:$0x1F720] =	vst v63  }
0x44: {  	s11 =	sadd.s32 s6, s14  }
0x45: {  	[tilespmem:s21], [sflag:$0x1] =	stream.linear.gather [hbm4b:s11+s4], $0x320, $0x38;
	[tilespmem:$0x1F720] =	vst v63  }
0x46: {  	_ =	swait.ge [sflag:s3], $0x3200  }
0x47: {  	[sflag:s3] =	ssyncset.done $0x0  }
0x48: {  	[sflag:s3] =	ssyncadd.s32 $0xFFFFCE00  }
0x49: {  	_ =	swait.ge [sflag:s26], $0x320  }
0x4a: {  	[sflag:s26] =	ssyncset.done $0x0  }
0x4b: {  	[sflag:s26] =	ssyncadd.s32 $0xFFFFFCE0  }
0x4c: {  	_ =	swait.ge [sflag:s26], $0x320  }
0x4d: {  	[sflag:s26] =	ssyncset.done $0x0  }
0x4e: {  	[sflag:s26] =	ssyncadd.s32 $0xFFFFFCE0  }
0x4f: {  	[tilespmem:s28], [sflag:$0x3] =	stream.indirect.gather [hbm4b:s1+s21], $0x10, s4, s21, $0xb8;
	[tilespmem:$0x1F720] =	vst v63  }
0x50: {  	_ = 	snop  }
0x51: {  	[spmem:s2] =	stream.indirect.scatter.add.f32 [tilespmem:s31], [sflag:$0x5], $0x10, s23, s21, $0xb8;
	[tilespmem:$0x1F720] =	vst v63  }
0x52: {  	_ =	swait.ge [sflag:s0], $0x3200  }
0x53: {  	s15 =	sadd.s32 $0x0, s19;
	s13 =	sadd.s32 $0x0, s18;
	[sflag:s0] =	ssyncset.done $0x0  }
0x54: {  	s12 =	sadd.s32 $0x640, s20;
	s11 =	simm.s32 $0xC8;
	[sflag:s0] =	ssyncadd.s32 $0xFFFFCE00  }
0x55: {  	[tilespmem:s22], [sflag:$0x2] =	stream.linear.gather [hbm4b:s15+s4], $0x320, $0x38;
	[tilespmem:$0x1F720] =	vst v63  }
.LBB2_2:
0x56: {  	[tilespmem:s23], [sflag:$0x2] =	stream.linear.gather [hbm4b:s13+s4], $0x320, $0x38;
	[tilespmem:$0x1F720] =	vst v63  }
0x57: {  	s13 =	smov.u32 s11  }
0x58: {  	p1 =	sne.s32 s11, $0x2EE0;
	s11 =	sadd.s32 $0xC8, s11;
	_ =	swait.ge [sflag:s29], $0x3200  }
0x59: {  	[sflag:s29] =	ssyncset.done $0x0  }
0x5a: {  	[sflag:s29] =	ssyncadd.s32 $0xFFFFCE00  }
0x5b: {  	_ =	swait.ge [sflag:s30], $0x320  }
0x5c: {  	[sflag:s30] =	ssyncset.done $0x0  }
0x5d: {  	[sflag:s30] =	ssyncadd.s32 $0xFFFFFCE0  }
0x5e: {  	_ =	swait.ge [sflag:s30], $0x320  }
0x5f: {  	[sflag:s30] =	ssyncset.done $0x0  }
0x60: {  	[sflag:s30] =	ssyncadd.s32 $0xFFFFFCE0  }
0x61: {  	[tilespmem:s31], [sflag:$0x4] =	stream.indirect.gather [hbm4b:s1+s21], $0x10, s22, s21, $0xb8;
	[tilespmem:$0x1F720] =	vst v63  }
0x62: {  	_ = 	snop  }
0x63: {  	[spmem:s2] =	stream.indirect.scatter.add.f32 [tilespmem:s28], [sflag:$0x5], $0x10, s21, s21, $0xb8;
	[tilespmem:$0x1F720] =	vst v63  }
0x64: {  	_ =	swait.ge [sflag:s0], $0x3200  }
0x65: {  	s14 =	sshrl.u32 s12, $0x3;
	[sflag:s0] =	ssyncset.done $0x0  }
0x66: {  	s15 =	sadd.s32 s5, s14;
	[sflag:s0] =	ssyncadd.s32 $0xFFFFCE00  }
0x67: {  	[tilespmem:s4], [sflag:$0x1] =	stream.linear.gather [hbm4b:s15+s4], $0x320, $0x38;
	[tilespmem:$0x1F720] =	vst v63  }
0x68: {  	s14 =	sadd.s32 s6, s14  }
0x69: {  	[tilespmem:s21], [sflag:$0x1] =	stream.linear.gather [hbm4b:s14+s4], $0x320, $0x38;
	[tilespmem:$0x1F720] =	vst v63  }
0x6a: {  	_ =	swait.ge [sflag:s3], $0x3200  }
0x6b: {  	[sflag:s3] =	ssyncset.done $0x0  }
0x6c: {  	[sflag:s3] =	ssyncadd.s32 $0xFFFFCE00  }
0x6d: {  	_ =	swait.ge [sflag:s26], $0x320  }
0x6e: {  	[sflag:s26] =	ssyncset.done $0x0  }
0x6f: {  	[sflag:s26] =	ssyncadd.s32 $0xFFFFFCE0  }
0x70: {  	_ =	swait.ge [sflag:s26], $0x320  }
0x71: {  	[sflag:s26] =	ssyncset.done $0x0  }
0x72: {  	[sflag:s26] =	ssyncadd.s32 $0xFFFFFCE0  }
0x73: {  	[tilespmem:s28], [sflag:$0x3] =	stream.indirect.gather [hbm4b:s1+s21], $0x10, s4, s21, $0xb8;
	[tilespmem:$0x1F720] =	vst v63  }
0x74: {  	_ = 	snop  }
0x75: {  	[spmem:s2] =	stream.indirect.scatter.add.f32 [tilespmem:s31], [sflag:$0x5], $0x10, s23, s21, $0xb8;
	[tilespmem:$0x1F720] =	vst v63  }
.Ltmp0:
0x76: {  	_ =	swait.ge [sflag:s0], $0x3200;
	(pc) =	sbr.rel @p1 .LBB2_2-.Ltmp0, $4  }
0x77: {  	[sflag:s0] =	ssyncset.done $0x0  }
0x78: {  	s14 =	sadd.s32 s13, s19;
	[sflag:s0] =	ssyncadd.s32 $0xFFFFCE00  }
0x79: {  	[tilespmem:s22], [sflag:$0x2] =	stream.linear.gather [hbm4b:s14+s4], $0x320, $0x38;
	[tilespmem:$0x1F720] =	vst v63  }
0x7a: {  	s12 =	sadd.s32 $0x640, s12;
	s13 =	sadd.s32 s13, s18  }
0x7b: {  	[tilespmem:s23], [sflag:$0x2] =	stream.linear.gather [hbm4b:s13+s4], $0x320, $0x38;
	[tilespmem:$0x1F720] =	vst v63  }
0x7c: {  	_ =	swait.ge [sflag:s29], $0x3200  }
0x7d: {  	[sflag:s29] =	ssyncset.done $0x0  }
0x7e: {  	[sflag:s29] =	ssyncadd.s32 $0xFFFFCE00  }
0x7f: {  	_ =	swait.ge [sflag:s30], $0x320  }
0x80: {  	[sflag:s30] =	ssyncset.done $0x0  }
0x81: {  	[sflag:s30] =	ssyncadd.s32 $0xFFFFFCE0  }
0x82: {  	_ =	swait.ge [sflag:s30], $0x320  }
0x83: {  	[sflag:s30] =	ssyncset.done $0x0  }
0x84: {  	[sflag:s30] =	ssyncadd.s32 $0xFFFFFCE0  }
0x85: {  	[tilespmem:s31], [sflag:$0x4] =	stream.indirect.gather [hbm4b:s1+s21], $0x10, s22, s21, $0xb8;
	[tilespmem:$0x1F720] =	vst v63  }
0x86: {  	_ = 	snop  }
0x87: {  	[spmem:s2] =	stream.indirect.scatter.add.f32 [tilespmem:s28], [sflag:$0x5], $0x10, s21, s21, $0xb8;
	[tilespmem:$0x1F720] =	vst v63  }
0x88: {  	_ =	swait.ge [sflag:s0], $0x3200  }
0x89: {  	[sflag:s0] =	ssyncset.done $0x0  }
0x8a: {  	[sflag:s0] =	ssyncadd.s32 $0xFFFFCE00  }
0x8b: {  	[tilespmem:s4], [sflag:$0x1] =	stream.linear.gather [hbm4b:s16+s4], $0x320, $0x38;
	[tilespmem:$0x1F720] =	vst v63  }
0x8c: {  	_ = 	snop  }
0x8d: {  	[tilespmem:s21], [sflag:$0x1] =	stream.linear.gather [hbm4b:s17+s4], $0x320, $0x38;
	[tilespmem:$0x1F720] =	vst v63  }
0x8e: {  	_ =	swait.ge [sflag:s3], $0x3200  }
0x8f: {  	[sflag:s3] =	ssyncset.done $0x0  }
0x90: {  	[sflag:s3] =	ssyncadd.s32 $0xFFFFCE00  }
0x91: {  	_ =	swait.ge [sflag:s26], $0x320  }
0x92: {  	[sflag:s26] =	ssyncset.done $0x0  }
0x93: {  	[sflag:s26] =	ssyncadd.s32 $0xFFFFFCE0  }
0x94: {  	_ =	swait.ge [sflag:s26], $0x320  }
0x95: {  	[sflag:s26] =	ssyncset.done $0x0  }
0x96: {  	[sflag:s26] =	ssyncadd.s32 $0xFFFFFCE0  }
0x97: {  	[tilespmem:s28], [sflag:$0x3] =	stream.indirect.gather [hbm4b:s1+s21], $0x10, s4, s21, $0xb8;
	[tilespmem:$0x1F720] =	vst v63  }
0x98: {  	_ = 	snop  }
0x99: {  	[spmem:s2] =	stream.indirect.scatter.add.f32 [tilespmem:s31], [sflag:$0x5], $0x10, s23, s21, $0xb8;
	[tilespmem:$0x1F720] =	vst v63  }
0x9a: {  	_ =	swait.ge [sflag:s0], $0x3200  }
0x9b: {  	[sflag:s0] =	ssyncset.done $0x0  }
0x9c: {  	[sflag:s0] =	ssyncadd.s32 $0xFFFFCE00  }
0x9d: {  	_ =	swait.ge [sflag:s29], $0x3200  }
0x9e: {  	[sflag:s29] =	ssyncset.done $0x0  }
0x9f: {  	[sflag:s29] =	ssyncadd.s32 $0xFFFFCE00  }
0xa0: {  	[spmem:s2] =	stream.indirect.scatter.add.f32 [tilespmem:s28], [sflag:$0x5], $0x10, s21, s21, $0xb8;
	[tilespmem:$0x1F720] =	vst v63  }
0xa1: {  	_ =	swait.ge [sflag:s0], $0x3200  }
0xa2: {  	[sflag:s0] =	ssyncset.done $0x0  }
0xa3: {  	[sflag:s0] =	ssyncadd.s32 $0xFFFFCE00  }
0xa4: {  	[bflag:$0x0] =	sbarrier.arrive $0xFFFF  }
0xa5: {  	s11 =	simm.s32 @p0 $0x1FC5;
	s12 =	rddreg [dreg:$0xa]  }
0xa6: {  	[hbm:s12], [sflag:s11] =	dma.local @p0 [spmem:s9], $0x3020  }
0xa7: {  	s9 =	simm.s32 @p0 $0x5  }
0xa8: {  	_ =	swait.ge @p0 [sflag:s9], $0x3020  }
0xa9: {  	[sflag:s9] =	ssyncset.done @p0 $0x0  }
0xaa: {  	[sflag:s9] =	ssyncadd.s32 @p0 $0xFFFFCFE0;
	s9 =	rddreg [dreg:$0x9]  }
0xab: {  	[hbm:s9], [sflag:s10] =	dma.local @!p0 [spmem:s25], $0x30E0  }
0xac: {  	s9 =	simm.s32 @!p0 $0x5  }
0xad: {  	_ =	swait.ge @!p0 [sflag:s9], $0x30E0  }
0xae: {  	s8 =	sadd.s32 $0x1, s8;
	s15 =	rddreg [dreg:$0xb]  }
0xaf: {  	p1 =	sne.s32 s8, s15  }
.Ltmp1:
0xb0: {  	_ = 	snop;
	(pc) =	sbr.rel @p1 .LBB2_1-.Ltmp1, $3  }
0xb1: {  	_ =	sdelay $0x1  }
0xb2: {  	[sflag:s9] =	ssyncset.done @!p0 $0x0  }
0xb3: {  	[sflag:s9] =	ssyncadd.s32 @!p0 $0xFFFFCF20  }
0xb4: {  	_ =	sfence.sel $0x180000  }
0xb5: {  	[bflag:$0x0] =	sbarrier.arrive $0xFFFF  }
0xb6: {  	_ =	strace $0x90000047  }
0xb7: {  	s0 =	stileid.u32;
	[bflag:$0x2] =	sbarrier.arrive $0xFFFF  }
0xb8: {  	p0 =	sne.s32 s0, $0x0;
	s0 =	rddreg [dreg:$0x3]  }
0xb9: {  	s0 =	sadd.s32 @!p0 $0x100000, s0  }
0xba: {  	[sflag:s0] =	ssyncadd.tile.s32 @!p0 $0x1;
	_ =	shalt  }
.Lfunc_end2:
_tile_overlayer_lowered:
.L_overlay_start_2:
0xbb: {  	(tag) =	ssettag $0x2  }
0xbc: {  	s0 =	rddreg [dreg:$0x0];
	s2 =	stileid.u32  }
0xbd: {  	s1 =	rddreg [dreg:$0x1];
	p0 =	sne.s32 s2, $0x0  }
0xbe: {  	s3 =	rddreg [dreg:$0x2];
	[bflag:$0x3] =	sbarrier.arrive $0xFFFF;
	s2 =	simm.s32 @!p0 $0x1C05  }
0xbf: {  	[timem:s3], [sflag:s2] =	dma.local @!p0 [hbm:s0], s1  }
0xc0: {  	s0 =	simm.s32 @!p0 $0x5  }
0xc1: {  	_ =	swait.ge @!p0 [sflag:s0], s1  }
0xc2: {  	s1 =	ssub.s32 @!p0 $0x0, s1;
	[sflag:s0] =	ssyncset.done @!p0 $0x0  }
0xc3: {  	[sflag:s0] =	ssyncadd.s32 @!p0 s1  }
0xc4: {  	[bflag:$0x3] =	sbarrier.arrive $0xFFFF  }
0xc5: {  	_ =	shalt  }

// kernel: kernel.14.cloned.1.call-start
scs
__scs_entry_jumppad:
0x0: {  	(pc) =	sbr.rel $0x88, $3  }
0x1: {  	(tag) =	ssettag $0x0;
	lr =	simm.s32 $0x1  }
0x2: {  	[smem:$0x3F9B] =	sst lr;
	_ =	strace $0xD0000000  }
0x3: {  	_ = 	snop  }
0x4: {  	_ = 	snop  }
0x5: {  	_ = 	snop  }
0x6: {  	_ = 	snop  }
0x7: {  	_ = 	snop  }
__scs_overlays_trampoline_lowered:
0x8: {  	[smem:$0x3FAA] =	sst s0  }
0x9: {  	[smem:$0x3FAB] =	sst s1  }
0xa: {  	[smem:$0x3FAC] =	sst s2  }
0xb: {  	[smem:$0x3FAD] =	sst s3  }
0xc: {  	[smem:$0x3FAE] =	sst s4  }
0xd: {  	[smem:$0x3FAF] =	sst s5  }
0xe: {  	[smem:$0x3FB0] =	sst s6  }
0xf: {  	[smem:$0x3FB1] =	sst s7  }
0x10: {  	[smem:$0x3FB2] =	sst s8  }
0x11: {  	[smem:$0x3FB3] =	sst s9;
	s0 =	simm.s32 @!p0 $0x0  }
0x12: {  	s1 =	sld [smem:$0x3F99];
	s0 =	simm.s32 @p0 $0x1  }
0x13: {  	[smem:$0x3FB4] =	sst s0;
	s0 =	simm.s32 @!p1 $0x0  }
0x14: {  	s2 =	sld [smem:$0x3F98];
	s0 =	simm.s32 @p1 $0x1  }
0x15: {  	[smem:$0x3FB5] =	sst s0;
	s0 =	simm.s32 @!p2 $0x0  }
0x16: {  	s3 =	sld [smem:$0x3FDB];
	s0 =	simm.s32 @p2 $0x1  }
0x17: {  	s4 =	simm.s32 $0x1BF5;
	[smem:$0x3FB7] =	sst s0  }
0x18: {  	s0 =	sld [smem:$0x3F9A];
	_ =	swait.ge [sflag:s4], $0x0  }
0x19: {  	s7 =	sld [smem:$0x3F9B]  }
0x1a: {  	s8 =	sadd.s32 $0xFFFFE003, lr  }
0x1b: {  	s9 =	sadd.s32 $0xFFFFFEF7, lr;
	s5 =	simm.s32 $0xFFFFFFFF;
	p2 =	slt.u32 s8, $0xFFFFF086  }
0x1c: {  	p1 =	slt.u32 s9, $0xF7A;
	s5 =	simm.s32 @!p2 $0x0  }
0x1d: {  	s5 =	simm.s32 @p1 $0x1;
	p0 =	seq.s32 s7, s2  }
0x1e: {  	s7 =	smul.u32 @!p0 $0xF7A, s2;
	p2 =	seq.s32 @!p0 s5, $0x0  }
0x1f: {  	s9 =	smul.u32 $0xF7A, s1;
	s8 =	simm.s32 @!p0 $0x1BF5;
	p2 =	por !p2, p0  }
0x20: {  	[sflag:s8] =	ssyncset.s32 @!p0 $0xFFFFF086;
	s6 =	sadd.s32 @!p0 s3, s7;
	s7 =	simm.s32 @!p0 $0x108  }
0x21: {  	s3 =	sadd.s32 s3, s9;
	s6 =	sadd.s32 @!p0 $0x88, s6;
	s7 =	simm.s32 @p2 $0x1082  }
0x22: {  	[simem:s7], [sflag:s8] =	dma.local @!p0 [hbm:s6], $0xF7A  }
0x23: {  	s9 =	sor.u32 $0xD0000000, s2;
	s6 =	simm.s32 $0x108;
	_ =	swait.ge @!p0 [sflag:s8], $0x0  }
0x24: {  	s3 =	sadd.s32 $0x88, s3;
	s6 =	simm.s32 @!p1 $0x1082;
	[sflag:s4] =	ssyncset.s32 $0xFFFFF086  }
0x25: {  	[simem:s6], [sflag:s4] =	dma.local [hbm:s3], $0xF7A  }
0x26: {  	[smem:$0x3F9B] =	sst s1;
	(tag) =	ssettag s2;
	_ =	strace s9  }
0x27: {  	s1 =	sld [smem:$0x3FAB]  }
0x28: {  	s2 =	sld [smem:$0x3FAC]  }
0x29: {  	s4 =	sld [smem:$0x3FAE]  }
0x2a: {  	p0 =	seq.s32 s5, $0x0;
	s5 =	sld [smem:$0x3FAF]  }
0x2b: {  	s6 =	sld [smem:$0x3FB0]  }
0x2c: {  	s7 =	sld [smem:$0x3FB1]  }
0x2d: {  	s3 =	simm.s32 $0x108;
	s8 =	sld [smem:$0x3FB2]  }
0x2e: {  	s3 =	simm.s32 @!p0 $0x1082;
	s9 =	sld [smem:$0x3FB3]  }
0x2f: {  	lr =	sadd.s32 s0, s3;
	s0 =	sld [smem:$0x3FAA]  }
0x30: {  	s3 =	sld [smem:$0x3FAD]  }
0x31: {  	[smem:$0x3FB6] =	sst s10  }
0x32: {  	s10 =	sld [smem:$0x3FB4];
	_ =	sdelay $0x3  }
0x33: {  	p0 =	seq.s32 s10, $0x1;
	s10 =	sld [smem:$0x3FB6];
	_ =	sdelay $0x3  }
0x34: {  	[smem:$0x3FB6] =	sst s10  }
0x35: {  	s10 =	sld [smem:$0x3FB5];
	_ =	sdelay $0x3  }
0x36: {  	p1 =	seq.s32 s10, $0x1;
	s10 =	sld [smem:$0x3FB6];
	_ =	sdelay $0x3  }
0x37: {  	[smem:$0x3FB6] =	sst s10  }
0x38: {  	s10 =	sld [smem:$0x3FB7]  }
0x39: {  	_ = 	snop;
	(pc) =	sbr.ind lr, $3  }
0x3a: {  	_ = 	snop  }
0x3b: {  	_ = 	snop  }
0x3c: {  	p2 =	seq.s32 s10, $0x1;
	s10 =	sld [smem:$0x3FB6]  }
0x3d: {  	_ =	shalt  }
0x3e: {  	_ =	shalt  }
0x3f: {  	_ =	shalt  }
0x40: {  	_ =	shalt  }
0x41: {  	_ =	shalt  }
0x42: {  	_ =	shalt  }
0x43: {  	_ =	shalt  }
0x44: {  	_ =	shalt  }
0x45: {  	_ =	shalt  }
0x46: {  	_ =	shalt  }
0x47: {  	_ =	shalt  }
0x48: {  	_ =	shalt  }
0x49: {  	_ =	shalt  }
0x4a: {  	_ =	shalt  }
0x4b: {  	_ =	shalt  }
0x4c: {  	_ =	shalt  }
0x4d: {  	_ =	shalt  }
0x4e: {  	_ =	shalt  }
0x4f: {  	_ =	shalt  }
0x50: {  	_ =	shalt  }
0x51: {  	_ =	shalt  }
0x52: {  	_ =	shalt  }
0x53: {  	_ =	shalt  }
0x54: {  	_ =	shalt  }
0x55: {  	_ =	shalt  }
0x56: {  	_ =	shalt  }
0x57: {  	_ =	shalt  }
0x58: {  	_ =	shalt  }
0x59: {  	_ =	shalt  }
0x5a: {  	_ =	shalt  }
0x5b: {  	_ =	shalt  }
0x5c: {  	_ =	shalt  }
0x5d: {  	_ =	shalt  }
0x5e: {  	_ =	shalt  }
0x5f: {  	_ =	shalt  }
0x60: {  	_ =	shalt  }
0x61: {  	_ =	shalt  }
0x62: {  	_ =	shalt  }
0x63: {  	_ =	shalt  }
0x64: {  	_ =	shalt  }
0x65: {  	_ =	shalt  }
0x66: {  	_ =	shalt  }
0x67: {  	_ =	shalt  }
0x68: {  	_ =	shalt  }
0x69: {  	_ =	shalt  }
0x6a: {  	_ =	shalt  }
0x6b: {  	_ =	shalt  }
0x6c: {  	_ =	shalt  }
0x6d: {  	_ =	shalt  }
0x6e: {  	_ =	shalt  }
0x6f: {  	_ =	shalt  }
0x70: {  	_ =	shalt  }
0x71: {  	_ =	shalt  }
0x72: {  	_ =	shalt  }
0x73: {  	_ =	shalt  }
0x74: {  	_ =	shalt  }
0x75: {  	_ =	shalt  }
0x76: {  	_ =	shalt  }
0x77: {  	_ =	shalt  }
0x78: {  	_ =	shalt  }
0x79: {  	_ =	shalt  }
0x7a: {  	_ =	shalt  }
0x7b: {  	_ =	shalt  }
0x7c: {  	_ =	shalt  }
0x7d: {  	_ =	shalt  }
0x7e: {  	_ =	shalt  }
0x7f: {  	_ =	shalt  }
0x80: {  	_ =	shalt  }
0x81: {  	_ =	shalt  }
0x82: {  	_ =	shalt  }
0x83: {  	_ =	shalt  }
0x84: {  	_ =	shalt  }
0x85: {  	_ =	shalt  }
0x86: {  	_ =	shalt  }
0x87: {  	_ =	shalt  }
.Lfunc_end0:
.L_simem_size_0:
called_computation.1_lowered:
.L_overlay_start_0:
0x88: {  	s2 =	sld [smem:$0x3FD9]  }
0x89: {  	s3 =	sld [smem:$0x3FFE];
	_ =	sdelay $0x1  }
0x8a: {  	s1 =	srdreg.scid  }
0x8b: {  	s0 =	sand.u32 $0x1, s1  }
0x8c: {  	s17 =	sshll.u32 s0, $0xA;
	s2 =	sadd.s32 s3, s2  }
0x8d: {  	s2 =	sadd.s32 s2, s17  }
0x8e: {  	[smem:$0x3FC2] =	sst s2  }
0x8f: {  	_ = 	snop  }
0x90: {  	s2 =	sld [smem:$0x3FD0];
	(tm) =	ssettm $0x1  }
0x91: {  	s18 =	sld [smem:$0x3FFB];
	_ =	sdelay $0x3  }
0x92: {  	_ =	strace s18  }
0x93: {  	s3 =	sld [smem:$0x3FFC];
	_ =	sdelay $0x3  }
0x94: {  	_ =	strace s3  }
0x95: {  	s3 =	sld [smem:$0x3FFD];
	_ =	sdelay $0x3  }
0x96: {  	_ =	strace s3  }
0x97: {  	_ =	strace $0x8FFFFFFF  }
0x98: {  	s19 =	sld [smem:$0x3FDB];
	_ =	sdelay $0x1  }
0x99: {  	s4 =	simm.s32 $_scs_section_size  }
0x9a: {  	s5 =	simm.s32 $_size__tile_overlayer_lowered;
	s6 =	simm.s32 $_tile_overlayer_lowered  }
0x9b: {  	s22 =	simm.s32 $0x1BFF;
	s21 =	sshll.u32 s6, $0x1;
	s3 =	sadd.s32 s4, s19  }
0x9c: {  	s7 =	simm.s32 $0x0;
	s20 =	sshll.u32 s5, $0x1;
	s5 =	sadd.s32 s21, s3  }
0x9d: {  	[timem:s7], [sflag:s22] =	dma.local [hbm:s5], s20  }
0x9e: {  	_ =	swait.ge [sflag:s22], s20  }
0x9f: {  	s4 =	ssub.s32 $0x0, s20;
	[sflag:s22] =	ssyncset.done $0x0  }
0xa0: {  	[sflag:s22] =	ssyncadd.s32 s4;
	_ =	sdelay $0x1  }
0xa1: {  	s23 =	simm.s32 $0x1B8B  }
0xa2: {  	_ =	swait.ge [sflag:s23], $0x1  }
0xa3: {  	[sflag:s23] =	ssyncset.done $0x0  }
0xa4: {  	s25 =	simm.s32 $0x1B8E;
	s24 =	sld [smem:$0x3FFE];
	[sflag:s23] =	ssyncadd.s32 $0xFFFFFFFF  }
0xa5: {  	s26 =	simm.s32 $execute0_lowered;
	[smem:$0x3FD2] =	sst s25  }
0xa6: {  	s5 =	sshll.u32 s26, $0x1;
	_ =	strace $0x80000049;
	[dreg:$0x1] =	wrdreg $0xFFFFFFFF  }
0xa7: {  	s28 =	simm.s32 $_size_execute0_lowered;
	s3 =	sadd.s32 s3, s5;
	[dreg:$0x0] =	wrdreg $0x0  }
0xa8: {  	s5 =	sshll.u32 s28, $0x1;
	[dreg:$0x2] =	wrdreg s3  }
0xa9: {  	[dreg:$0x3] =	wrdreg s5  }
0xaa: {  	[dreg:$0x4] =	wrdreg $0xC0  }
0xab: {  	_ =	task [dreg:s7], $0x5FFFF  }
0xac: {  	[dreg:$0x1] =	wrdreg $0xFFFFFFFF  }
0xad: {  	[dreg:$0x0] =	wrdreg $0x60  }
0xae: {  	[dreg:$0x2] =	wrdreg s24  }
0xaf: {  	[dreg:$0x3] =	wrdreg s2  }
0xb0: {  	[dreg:$0x4] =	wrdreg $0x70800  }
0xb1: {  	[dreg:$0x5] =	wrdreg $0x9  }
0xb2: {  	_ =	task.clear_ibuf [dreg:s7], $0x6FFFF;
	_ =	strace $0x90000049  }
0xb3: {  	s29 =	simm.s32 $0x9;
	_ =	strace $0x8000004B  }
0xb4: {  	_ =	swait.ge [sflag:s29], $0x1  }
0xb5: {  	[sflag:s29] =	ssyncadd.s32 $0xFFFFFFFF  }
0xb6: {  	_ =	strace $0x9000004B  }
0xb7: {  	_ =	sfence  }
0xb8: {  	s30 =	sld [smem:$0x0];
	_ =	sdelay $0x2  }
0xb9: {  	s31 =	sshll.u32 s1, $0xD;
	s1 =	sshrl.u32 s1, $0x2  }
0xba: {  	s3 =	sand.u32 $0x4000, s31;
	s1 =	sadd.s32 s1, s30  }
0xbb: {  	s0 =	sor.u32 s3, s0;
	s1 =	sshll.u32 s1, $0x11  }
0xbc: {  	s0 =	sor.u32 s1, s0  }
0xbd: {  	s0 =	sadd.s32 $0x8F2B, s0  }
0xbe: {  	[sflag:s0] =	ssyncadd.remote.s32 $0x1  }
0xbf: {  	_ =	sfence.sel $0xFFFF  }
0xc0: {  	[dreg:$0x0] =	wrdreg $0xFFFFFFFF;
	(pc) =	sbr.abs _section_cstart, $3  }
0xc1: {  	[dreg:$0x1] =	wrdreg $0xFFFFFFFF  }
0xc2: {  	_ =	task.clear_ibuf [dreg:s7], $0x2FFFF;
	_ =	strace $0x9FFFFFFF  }
0xc3: {  	(tm) =	ssettm $0x7FFFFFFF  }
tec
execute0_lowered:
.L_overlay_start_1:
0x0: {  	(tag) =	ssettag $0x1  }
0x1: {  	s0 =	rddreg [dreg:$0x0]  }
0x2: {  	s1 =	rddreg [dreg:$0x1]  }
0x3: {  	s2 =	rddreg [dreg:$0x2];
	s3 =	srdreg.scid;
	s4 =	simm.s32 $0x0  }
0x4: {  	s14 =	stileid.u32;
	s28 =	simm.s32 $0x640;
	s29 =	simm.s32 $0x3  }
0x5: {  	s30 =	simm.s32 $0x2;
	s31 =	simm.s32 $0x3E80;
	s10 =	smul.u32 $0x61C00, s14  }
0x6: {  	s3 =	sand.u32 $0x1, s3;
	[smem:$0x7FF] =	sst s4;
	s12 =	smul.u32 $0x18700, s14  }
0x7: {  	s5 =	sadd.s32 $0x63600, s0;
	s7 =	sadd.s32 $0xC5200, s0;
	s23 =	smul.u32 $0x186A0, s14  }
0x8: {  	s15 =	sadd.s32 $0x16E900, s2;
	p0 =	seq.s32 s14, $0xF;
	s6 =	sshll.u32 s3, $0x4  }
0x9: {  	_ =	strace $0x8000004A;
	s9 =	ssub.s32 $0x2, s3;
	s3 =	smul.u32 $0x186A00, s3  }
0xa: {  	[dreg:$0x8] =	wrdreg s15;
	s8 =	sor.u32 s14, s6;
	s6 =	sadd.s32 $0x1A00, s0  }
0xb: {  	s0 =	sadd.s32 $0xC8400, s0;
	s11 =	sshrl.u32 s9, $0x1;
	s10 =	sshrl.u32 s10, $0x2  }
0xc: {  	s8 =	smul.u32 $0x186A0, s8;
	s9 =	ssub.s32 s9, s11;
	s22 =	sadd.s32 s12, s3  }
0xd: {  	s10 =	sadd.s32 s10, s2;
	s24 =	sshrl.u32 s3, $0x3;
	s12 =	sadd.s32 s12, s2  }
0xe: {  	s3 =	sadd.s32 s23, s3;
	s23 =	simm.s32 $0x3B60;
	s9 =	smax.u32 s9, $0x1  }
0xf: {  	s26 =	sadd.s32 $0x960, s3;
	s8 =	sshrl.u32 s8, $0x3;
	[dreg:$0xb] =	wrdreg s9  }
0x10: {  	s19 =	sadd.s32 $0x64, s8;
	s13 =	sadd.s32 s5, s8;
	s20 =	sadd.s32 s6, s8  }
0x11: {  	s25 =	sadd.s32 $0x3070, s8;
	s8 =	sshrl.u32 s26, $0x3;
	[dreg:$0x4] =	wrdreg s13  }
0x12: {  	s26 =	simm.s32 $0x1;
	[dreg:$0x5] =	wrdreg s20;
	s21 =	sadd.s32 s5, s19  }
0x13: {  	s11 =	sadd.s32 s6, s19;
	s16 =	sadd.s32 s5, s25;
	s17 =	sadd.s32 s6, s25  }
0x14: {  	s18 =	sadd.s32 s8, s6;
	s19 =	sadd.s32 s8, s5;
	s20 =	sadd.s32 $0x640, s3  }
0x15: {  	s25 =	sshrl.u32 @!p0 s12, $0x3;
	s3 =	simm.s32 $0x4;
	[dreg:$0x6] =	wrdreg s21  }
0x16: {  	s8 =	simm.s32 $0x0;
	[dreg:$0x7] =	wrdreg s11;
	s11 =	sshrl.u32 s22, $0x3  }
0x17: {  	s21 =	simm.s32 $0x320;
	s11 =	sadd.s32 s0, s11;
	s0 =	sadd.s32 s0, s24  }
0x18: {  	s22 =	simm.s32 $0x3840;
	[dreg:$0x9] =	wrdreg s11;
	s0 =	sadd.s32 $0x2DD20, s0  }
0x19: {  	s24 =	sshrl.u32 @!p0 s10, $0x3;
	[dreg:$0xa] =	wrdreg s0;
	s0 =	simm.s32 $0x5  }
.LBB2_1:
0x1a: {  	s9 =	rddreg [dreg:$0x4]  }
0x1b: {  	s11 =	rddreg [dreg:$0x5]  }
0x1c: {  	[tilespmem:s4], [sflag:$0x1] =	stream.linear.gather [hbm4b:s9+s4], $0x320, $0x38;
	[tilespmem:$0x1F720] =	vst v63  }
0x1d: {  	s12 =	rddreg [dreg:$0x6]  }
0x1e: {  	[tilespmem:s21], [sflag:$0x1] =	stream.linear.gather [hbm4b:s11+s4], $0x320, $0x38;
	[tilespmem:$0x1F720] =	vst v63  }
0x1f: {  	s9 =	rddreg [dreg:$0x8]  }
0x20: {  	[tilespmem:s22], [sflag:$0x2] =	stream.linear.gather [hbm4b:s12+s4], $0x320, $0x38;
	[tilespmem:$0x1F720] =	vst v63  }
0x21: {  	s13 =	rddreg [dreg:$0x7];
	s10 =	simm.s32 @p0 $0x1FC5;
	s9 =	sshrl.u32 @p0 s9, $0x3  }
0x22: {  	[tilespmem:s23], [sflag:$0x2] =	stream.linear.gather [hbm4b:s13+s4], $0x320, $0x38;
	[tilespmem:$0x1F720] =	vst v63  }
0x23: {  	[spmem:s9], [sflag:s10] =	dma.local @p0 [hbm:s7], $0x3020  }
0x24: {  	s10 =	simm.s32 @p0 $0x5  }
0x25: {  	s11 =	stileid.u32;
	_ =	swait.ge @p0 [sflag:s10], $0x3020  }
0x26: {  	s11 =	sshll.u32 @!p0 s11, $0x6;
	[sflag:s10] =	ssyncset.done @p0 $0x0  }
0x27: {  	[sflag:s10] =	ssyncadd.s32 @p0 $0xFFFFCFE0;
	s10 =	sor.u32 @!p0 $0x1C05, s11;
	s11 =	simm.s32 @!p0 $0x5  }
0x28: {  	[spmem:s24], [sflag:s10] =	dma.local @!p0 [hbm:s7], $0x30E0  }
0x29: {  	_ =	swait.ge @!p0 [sflag:s11], $0x30E0  }
0x2a: {  	[sflag:s11] =	ssyncset.done @!p0 $0x0  }
0x2b: {  	[sflag:s11] =	ssyncadd.s32 @!p0 $0xFFFFCF20  }
0x2c: {  	_ =	swait.ge [sflag:s26], $0x320  }
0x2d: {  	[sflag:s26] =	ssyncset.done $0x0  }
0x2e: {  	[sflag:s26] =	ssyncadd.s32 $0xFFFFFCE0  }
0x2f: {  	_ =	swait.ge [sflag:s26], $0x320  }
0x30: {  	[sflag:s26] =	ssyncset.done $0x0  }
0x31: {  	[sflag:s26] =	ssyncadd.s32 $0xFFFFFCE0  }
0x32: {  	[tilespmem:s28], [sflag:$0x3] =	stream.indirect.gather [hbm4b:s1+s21], $0x10, s4, s21, $0xb8;
	[tilespmem:$0x1F720] =	vst v63  }
0x33: {  	[bflag:$0x0] =	sbarrier.arrive $0xFFFF  }
0x34: {  	_ =	swait.ge [sflag:s29], $0x3200  }
0x35: {  	[sflag:s29] =	ssyncset.done $0x0  }
0x36: {  	[sflag:s29] =	ssyncadd.s32 $0xFFFFCE00  }
0x37: {  	_ =	swait.ge [sflag:s30], $0x320  }
0x38: {  	[sflag:s30] =	ssyncset.done $0x0  }
0x39: {  	[sflag:s30] =	ssyncadd.s32 $0xFFFFFCE0  }
0x3a: {  	_ =	swait.ge [sflag:s30], $0x320  }
0x3b: {  	[sflag:s30] =	ssyncset.done $0x0  }
0x3c: {  	[sflag:s30] =	ssyncadd.s32 $0xFFFFFCE0  }
0x3d: {  	[tilespmem:s31], [sflag:$0x4] =	stream.indirect.gather [hbm4b:s1+s21], $0x10, s22, s21, $0xb8;
	[tilespmem:$0x1F720] =	vst v63  }
0x3e: {  	_ = 	snop  }
0x3f: {  	[spmem:s2] =	stream.indirect.scatter.add.f32 [tilespmem:s28], [sflag:$0x5], $0x10, s21, s21, $0xb8;
	[tilespmem:$0x1F720] =	vst v63  }
0x40: {  	_ =	swait.ge [sflag:s0], $0x3200  }
0x41: {  	s14 =	sshrl.u32 s20, $0x3;
	[sflag:s0] =	ssyncset.done $0x0  }
0x42: {  	s12 =	sadd.s32 s5, s14;
	[sflag:s0] =	ssyncadd.s32 $0xFFFFCE00  }
0x43: {  	[tilespmem:s4], [sflag:$0x1] =	stream.linear.gather [hbm4b:s12+s4], $0x320, $0x38;
	[tilespmem:$0x1F720] =	vst v63  }
0x44: {  	s11 =	sadd.s32 s6, s14  }
0x45: {  	[tilespmem:s21], [sflag:$0x1] =	stream.linear.gather [hbm4b:s11+s4], $0x320, $0x38;
	[tilespmem:$0x1F720] =	vst v63  }
0x46: {  	_ =	swait.ge [sflag:s3], $0x3200  }
0x47: {  	[sflag:s3] =	ssyncset.done $0x0  }
0x48: {  	[sflag:s3] =	ssyncadd.s32 $0xFFFFCE00  }
0x49: {  	_ =	swait.ge [sflag:s26], $0x320  }
0x4a: {  	[sflag:s26] =	ssyncset.done $0x0  }
0x4b: {  	[sflag:s26] =	ssyncadd.s32 $0xFFFFFCE0  }
0x4c: {  	_ =	swait.ge [sflag:s26], $0x320  }
0x4d: {  	[sflag:s26] =	ssyncset.done $0x0  }
0x4e: {  	[sflag:s26] =	ssyncadd.s32 $0xFFFFFCE0  }
0x4f: {  	[tilespmem:s28], [sflag:$0x3] =	stream.indirect.gather [hbm4b:s1+s21], $0x10, s4, s21, $0xb8;
	[tilespmem:$0x1F720] =	vst v63  }
0x50: {  	_ = 	snop  }
0x51: {  	[spmem:s2] =	stream.indirect.scatter.add.f32 [tilespmem:s31], [sflag:$0x5], $0x10, s23, s21, $0xb8;
	[tilespmem:$0x1F720] =	vst v63  }
0x52: {  	_ =	swait.ge [sflag:s0], $0x3200  }
0x53: {  	s15 =	sadd.s32 $0x0, s19;
	s13 =	sadd.s32 $0x0, s18;
	[sflag:s0] =	ssyncset.done $0x0  }
0x54: {  	s12 =	sadd.s32 $0x640, s20;
	s11 =	simm.s32 $0xC8;
	[sflag:s0] =	ssyncadd.s32 $0xFFFFCE00  }
0x55: {  	[tilespmem:s22], [sflag:$0x2] =	stream.linear.gather [hbm4b:s15+s4], $0x320, $0x38;
	[tilespmem:$0x1F720] =	vst v63  }
.LBB2_2:
0x56: {  	[tilespmem:s23], [sflag:$0x2] =	stream.linear.gather [hbm4b:s13+s4], $0x320, $0x38;
	[tilespmem:$0x1F720] =	vst v63  }
0x57: {  	s13 =	smov.u32 s11  }
0x58: {  	p1 =	sne.s32 s11, $0x2EE0;
	s11 =	sadd.s32 $0xC8, s11;
	_ =	swait.ge [sflag:s29], $0x3200  }
0x59: {  	[sflag:s29] =	ssyncset.done $0x0  }
0x5a: {  	[sflag:s29] =	ssyncadd.s32 $0xFFFFCE00  }
0x5b: {  	_ =	swait.ge [sflag:s30], $0x320  }
0x5c: {  	[sflag:s30] =	ssyncset.done $0x0  }
0x5d: {  	[sflag:s30] =	ssyncadd.s32 $0xFFFFFCE0  }
0x5e: {  	_ =	swait.ge [sflag:s30], $0x320  }
0x5f: {  	[sflag:s30] =	ssyncset.done $0x0  }
0x60: {  	[sflag:s30] =	ssyncadd.s32 $0xFFFFFCE0  }
0x61: {  	[tilespmem:s31], [sflag:$0x4] =	stream.indirect.gather [hbm4b:s1+s21], $0x10, s22, s21, $0xb8;
	[tilespmem:$0x1F720] =	vst v63  }
0x62: {  	_ = 	snop  }
0x63: {  	[spmem:s2] =	stream.indirect.scatter.add.f32 [tilespmem:s28], [sflag:$0x5], $0x10, s21, s21, $0xb8;
	[tilespmem:$0x1F720] =	vst v63  }
0x64: {  	_ =	swait.ge [sflag:s0], $0x3200  }
0x65: {  	s14 =	sshrl.u32 s12, $0x3;
	[sflag:s0] =	ssyncset.done $0x0  }
0x66: {  	s15 =	sadd.s32 s5, s14;
	[sflag:s0] =	ssyncadd.s32 $0xFFFFCE00  }
0x67: {  	[tilespmem:s4], [sflag:$0x1] =	stream.linear.gather [hbm4b:s15+s4], $0x320, $0x38;
	[tilespmem:$0x1F720] =	vst v63  }
0x68: {  	s14 =	sadd.s32 s6, s14  }
0x69: {  	[tilespmem:s21], [sflag:$0x1] =	stream.linear.gather [hbm4b:s14+s4], $0x320, $0x38;
	[tilespmem:$0x1F720] =	vst v63  }
0x6a: {  	_ =	swait.ge [sflag:s3], $0x3200  }
0x6b: {  	[sflag:s3] =	ssyncset.done $0x0  }
0x6c: {  	[sflag:s3] =	ssyncadd.s32 $0xFFFFCE00  }
0x6d: {  	_ =	swait.ge [sflag:s26], $0x320  }
0x6e: {  	[sflag:s26] =	ssyncset.done $0x0  }
0x6f: {  	[sflag:s26] =	ssyncadd.s32 $0xFFFFFCE0  }
0x70: {  	_ =	swait.ge [sflag:s26], $0x320  }
0x71: {  	[sflag:s26] =	ssyncset.done $0x0  }
0x72: {  	[sflag:s26] =	ssyncadd.s32 $0xFFFFFCE0  }
0x73: {  	[tilespmem:s28], [sflag:$0x3] =	stream.indirect.gather [hbm4b:s1+s21], $0x10, s4, s21, $0xb8;
	[tilespmem:$0x1F720] =	vst v63  }
0x74: {  	_ = 	snop  }
0x75: {  	[spmem:s2] =	stream.indirect.scatter.add.f32 [tilespmem:s31], [sflag:$0x5], $0x10, s23, s21, $0xb8;
	[tilespmem:$0x1F720] =	vst v63  }
.Ltmp0:
0x76: {  	_ =	swait.ge [sflag:s0], $0x3200;
	(pc) =	sbr.rel @p1 .LBB2_2-.Ltmp0, $4  }
0x77: {  	[sflag:s0] =	ssyncset.done $0x0  }
0x78: {  	s14 =	sadd.s32 s13, s19;
	[sflag:s0] =	ssyncadd.s32 $0xFFFFCE00  }
0x79: {  	[tilespmem:s22], [sflag:$0x2] =	stream.linear.gather [hbm4b:s14+s4], $0x320, $0x38;
	[tilespmem:$0x1F720] =	vst v63  }
0x7a: {  	s12 =	sadd.s32 $0x640, s12;
	s13 =	sadd.s32 s13, s18  }
0x7b: {  	[tilespmem:s23], [sflag:$0x2] =	stream.linear.gather [hbm4b:s13+s4], $0x320, $0x38;
	[tilespmem:$0x1F720] =	vst v63  }
0x7c: {  	_ =	swait.ge [sflag:s29], $0x3200  }
0x7d: {  	[sflag:s29] =	ssyncset.done $0x0  }
0x7e: {  	[sflag:s29] =	ssyncadd.s32 $0xFFFFCE00  }
0x7f: {  	_ =	swait.ge [sflag:s30], $0x320  }
0x80: {  	[sflag:s30] =	ssyncset.done $0x0  }
0x81: {  	[sflag:s30] =	ssyncadd.s32 $0xFFFFFCE0  }
0x82: {  	_ =	swait.ge [sflag:s30], $0x320  }
0x83: {  	[sflag:s30] =	ssyncset.done $0x0  }
0x84: {  	[sflag:s30] =	ssyncadd.s32 $0xFFFFFCE0  }
0x85: {  	[tilespmem:s31], [sflag:$0x4] =	stream.indirect.gather [hbm4b:s1+s21], $0x10, s22, s21, $0xb8;
	[tilespmem:$0x1F720] =	vst v63  }
0x86: {  	_ = 	snop  }
0x87: {  	[spmem:s2] =	stream.indirect.scatter.add.f32 [tilespmem:s28], [sflag:$0x5], $0x10, s21, s21, $0xb8;
	[tilespmem:$0x1F720] =	vst v63  }
0x88: {  	_ =	swait.ge [sflag:s0], $0x3200  }
0x89: {  	[sflag:s0] =	ssyncset.done $0x0  }
0x8a: {  	[sflag:s0] =	ssyncadd.s32 $0xFFFFCE00  }
0x8b: {  	[tilespmem:s4], [sflag:$0x1] =	stream.linear.gather [hbm4b:s16+s4], $0x320, $0x38;
	[tilespmem:$0x1F720] =	vst v63  }
0x8c: {  	_ = 	snop  }
0x8d: {  	[tilespmem:s21], [sflag:$0x1] =	stream.linear.gather [hbm4b:s17+s4], $0x320, $0x38;
	[tilespmem:$0x1F720] =	vst v63  }
0x8e: {  	_ =	swait.ge [sflag:s3], $0x3200  }
0x8f: {  	[sflag:s3] =	ssyncset.done $0x0  }
0x90: {  	[sflag:s3] =	ssyncadd.s32 $0xFFFFCE00  }
0x91: {  	_ =	swait.ge [sflag:s26], $0x320  }
0x92: {  	[sflag:s26] =	ssyncset.done $0x0  }
0x93: {  	[sflag:s26] =	ssyncadd.s32 $0xFFFFFCE0  }
0x94: {  	_ =	swait.ge [sflag:s26], $0x320  }
0x95: {  	[sflag:s26] =	ssyncset.done $0x0  }
0x96: {  	[sflag:s26] =	ssyncadd.s32 $0xFFFFFCE0  }
0x97: {  	[tilespmem:s28], [sflag:$0x3] =	stream.indirect.gather [hbm4b:s1+s21], $0x10, s4, s21, $0xb8;
	[tilespmem:$0x1F720] =	vst v63  }
0x98: {  	_ = 	snop  }
0x99: {  	[spmem:s2] =	stream.indirect.scatter.add.f32 [tilespmem:s31], [sflag:$0x5], $0x10, s23, s21, $0xb8;
	[tilespmem:$0x1F720] =	vst v63  }
0x9a: {  	_ =	swait.ge [sflag:s0], $0x3200  }
0x9b: {  	[sflag:s0] =	ssyncset.done $0x0  }
0x9c: {  	[sflag:s0] =	ssyncadd.s32 $0xFFFFCE00  }
0x9d: {  	_ =	swait.ge [sflag:s29], $0x3200  }
0x9e: {  	[sflag:s29] =	ssyncset.done $0x0  }
0x9f: {  	[sflag:s29] =	ssyncadd.s32 $0xFFFFCE00  }
0xa0: {  	[spmem:s2] =	stream.indirect.scatter.add.f32 [tilespmem:s28], [sflag:$0x5], $0x10, s21, s21, $0xb8;
	[tilespmem:$0x1F720] =	vst v63  }
0xa1: {  	_ =	swait.ge [sflag:s0], $0x3200  }
0xa2: {  	[sflag:s0] =	ssyncset.done $0x0  }
0xa3: {  	[sflag:s0] =	ssyncadd.s32 $0xFFFFCE00  }
0xa4: {  	[bflag:$0x0] =	sbarrier.arrive $0xFFFF  }
0xa5: {  	s11 =	simm.s32 @p0 $0x1FC5;
	s12 =	rddreg [dreg:$0xa]  }
0xa6: {  	[hbm:s12], [sflag:s11] =	dma.local @p0 [spmem:s9], $0x3020  }
0xa7: {  	s9 =	simm.s32 @p0 $0x5  }
0xa8: {  	_ =	swait.ge @p0 [sflag:s9], $0x3020  }
0xa9: {  	[sflag:s9] =	ssyncset.done @p0 $0x0  }
0xaa: {  	[sflag:s9] =	ssyncadd.s32 @p0 $0xFFFFCFE0;
	s9 =	rddreg [dreg:$0x9]  }
0xab: {  	[hbm:s9], [sflag:s10] =	dma.local @!p0 [spmem:s25], $0x30E0  }
0xac: {  	s9 =	simm.s32 @!p0 $0x5  }
0xad: {  	_ =	swait.ge @!p0 [sflag:s9], $0x30E0  }
0xae: {  	s8 =	sadd.s32 $0x1, s8;
	s15 =	rddreg [dreg:$0xb]  }
0xaf: {  	p1 =	sne.s32 s8, s15  }
.Ltmp1:
0xb0: {  	_ = 	snop;
	(pc) =	sbr.rel @p1 .LBB2_1-.Ltmp1, $3  }
0xb1: {  	_ =	sdelay $0x1  }
0xb2: {  	[sflag:s9] =	ssyncset.done @!p0 $0x0  }
0xb3: {  	[sflag:s9] =	ssyncadd.s32 @!p0 $0xFFFFCF20  }
0xb4: {  	_ =	sfence.sel $0x180000  }
0xb5: {  	[bflag:$0x0] =	sbarrier.arrive $0xFFFF  }
0xb6: {  	_ =	strace $0x9000004A  }
0xb7: {  	s0 =	stileid.u32;
	[bflag:$0x2] =	sbarrier.arrive $0xFFFF  }
0xb8: {  	p0 =	sne.s32 s0, $0x0;
	s0 =	rddreg [dreg:$0x3]  }
0xb9: {  	s0 =	sadd.s32 @!p0 $0x100000, s0  }
0xba: {  	[sflag:s0] =	ssyncadd.tile.s32 @!p0 $0x1;
	_ =	shalt  }
.Lfunc_end2:
_tile_overlayer_lowered:
.L_overlay_start_2:
0xbb: {  	(tag) =	ssettag $0x2  }
0xbc: {  	s0 =	rddreg [dreg:$0x0];
	s2 =	stileid.u32  }
0xbd: {  	s1 =	rddreg [dreg:$0x1];
	p0 =	sne.s32 s2, $0x0  }
0xbe: {  	s3 =	rddreg [dreg:$0x2];
	[bflag:$0x3] =	sbarrier.arrive $0xFFFF;
	s2 =	simm.s32 @!p0 $0x1C05  }
0xbf: {  	[timem:s3], [sflag:s2] =	dma.local @!p0 [hbm:s0], s1  }
0xc0: {  	s0 =	simm.s32 @!p0 $0x5  }
0xc1: {  	_ =	swait.ge @!p0 [sflag:s0], s1  }
0xc2: {  	s1 =	ssub.s32 @!p0 $0x0, s1;
	[sflag:s0] =	ssyncset.done @!p0 $0x0  }
0xc3: {  	[sflag:s0] =	ssyncadd.s32 @!p0 s1  }
0xc4: {  	[bflag:$0x3] =	sbarrier.arrive $0xFFFF  }
0xc5: {  	_ =	shalt  }

// kernel: kernel.17.cloned.1.call-start
scs
__scs_entry_jumppad:
0x0: {  	(pc) =	sbr.rel $0x88, $3  }
0x1: {  	(tag) =	ssettag $0x0;
	lr =	simm.s32 $0x1  }
0x2: {  	[smem:$0x3F9B] =	sst lr;
	_ =	strace $0xD0000000  }
0x3: {  	_ = 	snop  }
0x4: {  	_ = 	snop  }
0x5: {  	_ = 	snop  }
0x6: {  	_ = 	snop  }
0x7: {  	_ = 	snop  }
__scs_overlays_trampoline_lowered:
0x8: {  	[smem:$0x3FAA] =	sst s0  }
0x9: {  	[smem:$0x3FAB] =	sst s1  }
0xa: {  	[smem:$0x3FAC] =	sst s2  }
0xb: {  	[smem:$0x3FAD] =	sst s3  }
0xc: {  	[smem:$0x3FAE] =	sst s4  }
0xd: {  	[smem:$0x3FAF] =	sst s5  }
0xe: {  	[smem:$0x3FB0] =	sst s6  }
0xf: {  	[smem:$0x3FB1] =	sst s7  }
0x10: {  	[smem:$0x3FB2] =	sst s8  }
0x11: {  	[smem:$0x3FB3] =	sst s9;
	s0 =	simm.s32 @!p0 $0x0  }
0x12: {  	s1 =	sld [smem:$0x3F99];
	s0 =	simm.s32 @p0 $0x1  }
0x13: {  	[smem:$0x3FB4] =	sst s0;
	s0 =	simm.s32 @!p1 $0x0  }
0x14: {  	s2 =	sld [smem:$0x3F98];
	s0 =	simm.s32 @p1 $0x1  }
0x15: {  	[smem:$0x3FB5] =	sst s0;
	s0 =	simm.s32 @!p2 $0x0  }
0x16: {  	s3 =	sld [smem:$0x3FDB];
	s0 =	simm.s32 @p2 $0x1  }
0x17: {  	s4 =	simm.s32 $0x1BF5;
	[smem:$0x3FB7] =	sst s0  }
0x18: {  	s0 =	sld [smem:$0x3F9A];
	_ =	swait.ge [sflag:s4], $0x0  }
0x19: {  	s7 =	sld [smem:$0x3F9B]  }
0x1a: {  	s8 =	sadd.s32 $0xFFFFE003, lr  }
0x1b: {  	s9 =	sadd.s32 $0xFFFFFEF7, lr;
	s5 =	simm.s32 $0xFFFFFFFF;
	p2 =	slt.u32 s8, $0xFFFFF086  }
0x1c: {  	p1 =	slt.u32 s9, $0xF7A;
	s5 =	simm.s32 @!p2 $0x0  }
0x1d: {  	s5 =	simm.s32 @p1 $0x1;
	p0 =	seq.s32 s7, s2  }
0x1e: {  	s7 =	smul.u32 @!p0 $0xF7A, s2;
	p2 =	seq.s32 @!p0 s5, $0x0  }
0x1f: {  	s9 =	smul.u32 $0xF7A, s1;
	s8 =	simm.s32 @!p0 $0x1BF5;
	p2 =	por !p2, p0  }
0x20: {  	[sflag:s8] =	ssyncset.s32 @!p0 $0xFFFFF086;
	s6 =	sadd.s32 @!p0 s3, s7;
	s7 =	simm.s32 @!p0 $0x108  }
0x21: {  	s3 =	sadd.s32 s3, s9;
	s6 =	sadd.s32 @!p0 $0x88, s6;
	s7 =	simm.s32 @p2 $0x1082  }
0x22: {  	[simem:s7], [sflag:s8] =	dma.local @!p0 [hbm:s6], $0xF7A  }
0x23: {  	s9 =	sor.u32 $0xD0000000, s2;
	s6 =	simm.s32 $0x108;
	_ =	swait.ge @!p0 [sflag:s8], $0x0  }
0x24: {  	s3 =	sadd.s32 $0x88, s3;
	s6 =	simm.s32 @!p1 $0x1082;
	[sflag:s4] =	ssyncset.s32 $0xFFFFF086  }
0x25: {  	[simem:s6], [sflag:s4] =	dma.local [hbm:s3], $0xF7A  }
0x26: {  	[smem:$0x3F9B] =	sst s1;
	(tag) =	ssettag s2;
	_ =	strace s9  }
0x27: {  	s1 =	sld [smem:$0x3FAB]  }
0x28: {  	s2 =	sld [smem:$0x3FAC]  }
0x29: {  	s4 =	sld [smem:$0x3FAE]  }
0x2a: {  	p0 =	seq.s32 s5, $0x0;
	s5 =	sld [smem:$0x3FAF]  }
0x2b: {  	s6 =	sld [smem:$0x3FB0]  }
0x2c: {  	s7 =	sld [smem:$0x3FB1]  }
0x2d: {  	s3 =	simm.s32 $0x108;
	s8 =	sld [smem:$0x3FB2]  }
0x2e: {  	s3 =	simm.s32 @!p0 $0x1082;
	s9 =	sld [smem:$0x3FB3]  }
0x2f: {  	lr =	sadd.s32 s0, s3;
	s0 =	sld [smem:$0x3FAA]  }
0x30: {  	s3 =	sld [smem:$0x3FAD]  }
0x31: {  	[smem:$0x3FB6] =	sst s10  }
0x32: {  	s10 =	sld [smem:$0x3FB4];
	_ =	sdelay $0x3  }
0x33: {  	p0 =	seq.s32 s10, $0x1;
	s10 =	sld [smem:$0x3FB6];
	_ =	sdelay $0x3  }
0x34: {  	[smem:$0x3FB6] =	sst s10  }
0x35: {  	s10 =	sld [smem:$0x3FB5];
	_ =	sdelay $0x3  }
0x36: {  	p1 =	seq.s32 s10, $0x1;
	s10 =	sld [smem:$0x3FB6];
	_ =	sdelay $0x3  }
0x37: {  	[smem:$0x3FB6] =	sst s10  }
0x38: {  	s10 =	sld [smem:$0x3FB7]  }
0x39: {  	_ = 	snop;
	(pc) =	sbr.ind lr, $3  }
0x3a: {  	_ = 	snop  }
0x3b: {  	_ = 	snop  }
0x3c: {  	p2 =	seq.s32 s10, $0x1;
	s10 =	sld [smem:$0x3FB6]  }
0x3d: {  	_ =	shalt  }
0x3e: {  	_ =	shalt  }
0x3f: {  	_ =	shalt  }
0x40: {  	_ =	shalt  }
0x41: {  	_ =	shalt  }
0x42: {  	_ =	shalt  }
0x43: {  	_ =	shalt  }
0x44: {  	_ =	shalt  }
0x45: {  	_ =	shalt  }
0x46: {  	_ =	shalt  }
0x47: {  	_ =	shalt  }
0x48: {  	_ =	shalt  }
0x49: {  	_ =	shalt  }
0x4a: {  	_ =	shalt  }
0x4b: {  	_ =	shalt  }
0x4c: {  	_ =	shalt  }
0x4d: {  	_ =	shalt  }
0x4e: {  	_ =	shalt  }
0x4f: {  	_ =	shalt  }
0x50: {  	_ =	shalt  }
0x51: {  	_ =	shalt  }
0x52: {  	_ =	shalt  }
0x53: {  	_ =	shalt  }
0x54: {  	_ =	shalt  }
0x55: {  	_ =	shalt  }
0x56: {  	_ =	shalt  }
0x57: {  	_ =	shalt  }
0x58: {  	_ =	shalt  }
0x59: {  	_ =	shalt  }
0x5a: {  	_ =	shalt  }
0x5b: {  	_ =	shalt  }
0x5c: {  	_ =	shalt  }
0x5d: {  	_ =	shalt  }
0x5e: {  	_ =	shalt  }
0x5f: {  	_ =	shalt  }
0x60: {  	_ =	shalt  }
0x61: {  	_ =	shalt  }
0x62: {  	_ =	shalt  }
0x63: {  	_ =	shalt  }
0x64: {  	_ =	shalt  }
0x65: {  	_ =	shalt  }
0x66: {  	_ =	shalt  }
0x67: {  	_ =	shalt  }
0x68: {  	_ =	shalt  }
0x69: {  	_ =	shalt  }
0x6a: {  	_ =	shalt  }
0x6b: {  	_ =	shalt  }
0x6c: {  	_ =	shalt  }
0x6d: {  	_ =	shalt  }
0x6e: {  	_ =	shalt  }
0x6f: {  	_ =	shalt  }
0x70: {  	_ =	shalt  }
0x71: {  	_ =	shalt  }
0x72: {  	_ =	shalt  }
0x73: {  	_ =	shalt  }
0x74: {  	_ =	shalt  }
0x75: {  	_ =	shalt  }
0x76: {  	_ =	shalt  }
0x77: {  	_ =	shalt  }
0x78: {  	_ =	shalt  }
0x79: {  	_ =	shalt  }
0x7a: {  	_ =	shalt  }
0x7b: {  	_ =	shalt  }
0x7c: {  	_ =	shalt  }
0x7d: {  	_ =	shalt  }
0x7e: {  	_ =	shalt  }
0x7f: {  	_ =	shalt  }
0x80: {  	_ =	shalt  }
0x81: {  	_ =	shalt  }
0x82: {  	_ =	shalt  }
0x83: {  	_ =	shalt  }
0x84: {  	_ =	shalt  }
0x85: {  	_ =	shalt  }
0x86: {  	_ =	shalt  }
0x87: {  	_ =	shalt  }
.Lfunc_end0:
.L_simem_size_0:
called_computation.2_lowered:
.L_overlay_start_0:
0x88: {  	s2 =	sld [smem:$0x3FD9]  }
0x89: {  	s3 =	sld [smem:$0x3FFE];
	_ =	sdelay $0x1  }
0x8a: {  	s1 =	srdreg.scid  }
0x8b: {  	s0 =	sand.u32 $0x1, s1  }
0x8c: {  	s17 =	sshll.u32 s0, $0xA;
	s2 =	sadd.s32 s3, s2  }
0x8d: {  	s2 =	sadd.s32 s2, s17  }
0x8e: {  	[smem:$0x3FC2] =	sst s2  }
0x8f: {  	_ = 	snop  }
0x90: {  	s2 =	sld [smem:$0x3FD0];
	(tm) =	ssettm $0x1  }
0x91: {  	s18 =	sld [smem:$0x3FFB];
	_ =	sdelay $0x3  }
0x92: {  	_ =	strace s18  }
0x93: {  	s3 =	sld [smem:$0x3FFC];
	_ =	sdelay $0x3  }
0x94: {  	_ =	strace s3  }
0x95: {  	s3 =	sld [smem:$0x3FFD];
	_ =	sdelay $0x3  }
0x96: {  	_ =	strace s3  }
0x97: {  	_ =	strace $0x8FFFFFFF  }
0x98: {  	s19 =	sld [smem:$0x3FDB];
	_ =	sdelay $0x1  }
0x99: {  	s4 =	simm.s32 $_scs_section_size  }
0x9a: {  	s5 =	simm.s32 $_size__tile_overlayer_lowered;
	s6 =	simm.s32 $_tile_overlayer_lowered  }
0x9b: {  	s22 =	simm.s32 $0x1BFF;
	s21 =	sshll.u32 s6, $0x1;
	s3 =	sadd.s32 s4, s19  }
0x9c: {  	s7 =	simm.s32 $0x0;
	s20 =	sshll.u32 s5, $0x1;
	s5 =	sadd.s32 s21, s3  }
0x9d: {  	[timem:s7], [sflag:s22] =	dma.local [hbm:s5], s20  }
0x9e: {  	_ =	swait.ge [sflag:s22], s20  }
0x9f: {  	s4 =	ssub.s32 $0x0, s20;
	[sflag:s22] =	ssyncset.done $0x0  }
0xa0: {  	[sflag:s22] =	ssyncadd.s32 s4;
	_ =	sdelay $0x1  }
0xa1: {  	s23 =	simm.s32 $0x1B8B  }
0xa2: {  	_ =	swait.ge [sflag:s23], $0x1  }
0xa3: {  	[sflag:s23] =	ssyncset.done $0x0  }
0xa4: {  	s25 =	simm.s32 $0x1B8E;
	s24 =	sld [smem:$0x3FFE];
	[sflag:s23] =	ssyncadd.s32 $0xFFFFFFFF  }
0xa5: {  	s26 =	simm.s32 $execute0_lowered;
	[smem:$0x3FD2] =	sst s25  }
0xa6: {  	s5 =	sshll.u32 s26, $0x1;
	_ =	strace $0x8000004C;
	[dreg:$0x1] =	wrdreg $0xFFFFFFFF  }
0xa7: {  	s28 =	simm.s32 $_size_execute0_lowered;
	s3 =	sadd.s32 s3, s5;
	[dreg:$0x0] =	wrdreg $0x0  }
0xa8: {  	s5 =	sshll.u32 s28, $0x1;
	[dreg:$0x2] =	wrdreg s3  }
0xa9: {  	[dreg:$0x3] =	wrdreg s5  }
0xaa: {  	[dreg:$0x4] =	wrdreg $0xC0  }
0xab: {  	_ =	task [dreg:s7], $0x5FFFF  }
0xac: {  	[dreg:$0x1] =	wrdreg $0xFFFFFFFF  }
0xad: {  	[dreg:$0x0] =	wrdreg $0x60  }
0xae: {  	[dreg:$0x2] =	wrdreg s24  }
0xaf: {  	[dreg:$0x3] =	wrdreg s2  }
0xb0: {  	[dreg:$0x4] =	wrdreg $0x70800  }
0xb1: {  	[dreg:$0x5] =	wrdreg $0x9  }
0xb2: {  	_ =	task.clear_ibuf [dreg:s7], $0x6FFFF;
	_ =	strace $0x9000004C  }
0xb3: {  	s29 =	simm.s32 $0x9;
	_ =	strace $0x8000004E  }
0xb4: {  	_ =	swait.ge [sflag:s29], $0x1  }
0xb5: {  	[sflag:s29] =	ssyncadd.s32 $0xFFFFFFFF  }
0xb6: {  	_ =	strace $0x9000004E  }
0xb7: {  	_ =	sfence  }
0xb8: {  	s30 =	sld [smem:$0x0];
	_ =	sdelay $0x2  }
0xb9: {  	s31 =	sshll.u32 s1, $0xD;
	s1 =	sshrl.u32 s1, $0x2  }
0xba: {  	s3 =	sand.u32 $0x4000, s31;
	s1 =	sadd.s32 s1, s30  }
0xbb: {  	s0 =	sor.u32 s3, s0;
	s1 =	sshll.u32 s1, $0x11  }
0xbc: {  	s0 =	sor.u32 s1, s0  }
0xbd: {  	s0 =	sadd.s32 $0x8F2B, s0  }
0xbe: {  	[sflag:s0] =	ssyncadd.remote.s32 $0x1  }
0xbf: {  	_ =	sfence.sel $0xFFFF  }
0xc0: {  	[dreg:$0x0] =	wrdreg $0xFFFFFFFF;
	(pc) =	sbr.abs _section_cstart, $3  }
0xc1: {  	[dreg:$0x1] =	wrdreg $0xFFFFFFFF  }
0xc2: {  	_ =	task.clear_ibuf [dreg:s7], $0x2FFFF;
	_ =	strace $0x9FFFFFFF  }
0xc3: {  	(tm) =	ssettm $0x7FFFFFFF  }
tec
execute0_lowered:
.L_overlay_start_1:
0x0: {  	(tag) =	ssettag $0x1  }
0x1: {  	s0 =	rddreg [dreg:$0x0]  }
0x2: {  	s1 =	rddreg [dreg:$0x1]  }
0x3: {  	s2 =	rddreg [dreg:$0x2];
	s3 =	srdreg.scid;
	s4 =	simm.s32 $0x0  }
0x4: {  	s14 =	stileid.u32;
	s28 =	simm.s32 $0x640;
	s29 =	simm.s32 $0x3  }
0x5: {  	s30 =	simm.s32 $0x2;
	s31 =	simm.s32 $0x3E80;
	s10 =	smul.u32 $0x61C00, s14  }
0x6: {  	s3 =	sand.u32 $0x1, s3;
	[smem:$0x7FF] =	sst s4;
	s12 =	smul.u32 $0x18700, s14  }
0x7: {  	s5 =	sadd.s32 $0x1A00, s0;
	s7 =	sadd.s32 $0xC5200, s0;
	s23 =	smul.u32 $0x186A0, s14  }
0x8: {  	s15 =	sadd.s32 $0x16E900, s2;
	p0 =	seq.s32 s14, $0xF;
	s6 =	sshll.u32 s3, $0x4  }
0x9: {  	_ =	strace $0x8000004D;
	s9 =	ssub.s32 $0x2, s3;
	s3 =	smul.u32 $0x186A00, s3  }
0xa: {  	[dreg:$0x8] =	wrdreg s15;
	s8 =	sor.u32 s14, s6;
	s6 =	sadd.s32 $0x63600, s0  }
0xb: {  	s0 =	sadd.s32 $0xC8400, s0;
	s11 =	sshrl.u32 s9, $0x1;
	s10 =	sshrl.u32 s10, $0x2  }
0xc: {  	s8 =	smul.u32 $0x186A0, s8;
	s9 =	ssub.s32 s9, s11;
	s22 =	sadd.s32 s12, s3  }
0xd: {  	s10 =	sadd.s32 s10, s2;
	s24 =	sshrl.u32 s3, $0x3;
	s12 =	sadd.s32 s12, s2  }
0xe: {  	s3 =	sadd.s32 s23, s3;
	s23 =	simm.s32 $0x3B60;
	s9 =	smax.u32 s9, $0x1  }
0xf: {  	s26 =	sadd.s32 $0x960, s3;
	s8 =	sshrl.u32 s8, $0x3;
	[dreg:$0xb] =	wrdreg s9  }
0x10: {  	s19 =	sadd.s32 $0x64, s8;
	s13 =	sadd.s32 s5, s8;
	s20 =	sadd.s32 s6, s8  }
0x11: {  	s25 =	sadd.s32 $0x3070, s8;
	s8 =	sshrl.u32 s26, $0x3;
	[dreg:$0x4] =	wrdreg s13  }
0x12: {  	s26 =	simm.s32 $0x1;
	[dreg:$0x5] =	wrdreg s20;
	s21 =	sadd.s32 s5, s19  }
0x13: {  	s11 =	sadd.s32 s6, s19;
	s16 =	sadd.s32 s5, s25;
	s17 =	sadd.s32 s6, s25  }
0x14: {  	s18 =	sadd.s32 s8, s6;
	s19 =	sadd.s32 s8, s5;
	s20 =	sadd.s32 $0x640, s3  }
0x15: {  	s25 =	sshrl.u32 @!p0 s12, $0x3;
	s3 =	simm.s32 $0x4;
	[dreg:$0x6] =	wrdreg s21  }
0x16: {  	s8 =	simm.s32 $0x0;
	[dreg:$0x7] =	wrdreg s11;
	s11 =	sshrl.u32 s22, $0x3  }
0x17: {  	s21 =	simm.s32 $0x320;
	s11 =	sadd.s32 s0, s11;
	s0 =	sadd.s32 s0, s24  }
0x18: {  	s22 =	simm.s32 $0x3840;
	[dreg:$0x9] =	wrdreg s11;
	s0 =	sadd.s32 $0x2DD20, s0  }
0x19: {  	s24 =	sshrl.u32 @!p0 s10, $0x3;
	[dreg:$0xa] =	wrdreg s0;
	s0 =	simm.s32 $0x5  }
.LBB2_1:
0x1a: {  	s9 =	rddreg [dreg:$0x4]  }
0x1b: {  	s11 =	rddreg [dreg:$0x5]  }
0x1c: {  	[tilespmem:s4], [sflag:$0x1] =	stream.linear.gather [hbm4b:s9+s4], $0x320, $0x38;
	[tilespmem:$0x1F720] =	vst v63  }
0x1d: {  	s12 =	rddreg [dreg:$0x6]  }
0x1e: {  	[tilespmem:s21], [sflag:$0x1] =	stream.linear.gather [hbm4b:s11+s4], $0x320, $0x38;
	[tilespmem:$0x1F720] =	vst v63  }
0x1f: {  	s9 =	rddreg [dreg:$0x8]  }
0x20: {  	[tilespmem:s22], [sflag:$0x2] =	stream.linear.gather [hbm4b:s12+s4], $0x320, $0x38;
	[tilespmem:$0x1F720] =	vst v63  }
0x21: {  	s13 =	rddreg [dreg:$0x7];
	s10 =	simm.s32 @p0 $0x1FC5;
	s9 =	sshrl.u32 @p0 s9, $0x3  }
0x22: {  	[tilespmem:s23], [sflag:$0x2] =	stream.linear.gather [hbm4b:s13+s4], $0x320, $0x38;
	[tilespmem:$0x1F720] =	vst v63  }
0x23: {  	[spmem:s9], [sflag:s10] =	dma.local @p0 [hbm:s7], $0x3020  }
0x24: {  	s10 =	simm.s32 @p0 $0x5  }
0x25: {  	s11 =	stileid.u32;
	_ =	swait.ge @p0 [sflag:s10], $0x3020  }
0x26: {  	s11 =	sshll.u32 @!p0 s11, $0x6;
	[sflag:s10] =	ssyncset.done @p0 $0x0  }
0x27: {  	[sflag:s10] =	ssyncadd.s32 @p0 $0xFFFFCFE0;
	s10 =	sor.u32 @!p0 $0x1C05, s11;
	s11 =	simm.s32 @!p0 $0x5  }
0x28: {  	[spmem:s24], [sflag:s10] =	dma.local @!p0 [hbm:s7], $0x30E0  }
0x29: {  	_ =	swait.ge @!p0 [sflag:s11], $0x30E0  }
0x2a: {  	[sflag:s11] =	ssyncset.done @!p0 $0x0  }
0x2b: {  	[sflag:s11] =	ssyncadd.s32 @!p0 $0xFFFFCF20  }
0x2c: {  	_ =	swait.ge [sflag:s26], $0x320  }
0x2d: {  	[sflag:s26] =	ssyncset.done $0x0  }
0x2e: {  	[sflag:s26] =	ssyncadd.s32 $0xFFFFFCE0  }
0x2f: {  	_ =	swait.ge [sflag:s26], $0x320  }
0x30: {  	[sflag:s26] =	ssyncset.done $0x0  }
0x31: {  	[sflag:s26] =	ssyncadd.s32 $0xFFFFFCE0  }
0x32: {  	[tilespmem:s28], [sflag:$0x3] =	stream.indirect.gather [hbm4b:s1+s21], $0x10, s4, s21, $0xb8;
	[tilespmem:$0x1F720] =	vst v63  }
0x33: {  	[bflag:$0x0] =	sbarrier.arrive $0xFFFF  }
0x34: {  	_ =	swait.ge [sflag:s29], $0x3200  }
0x35: {  	[sflag:s29] =	ssyncset.done $0x0  }
0x36: {  	[sflag:s29] =	ssyncadd.s32 $0xFFFFCE00  }
0x37: {  	_ =	swait.ge [sflag:s30], $0x320  }
0x38: {  	[sflag:s30] =	ssyncset.done $0x0  }
0x39: {  	[sflag:s30] =	ssyncadd.s32 $0xFFFFFCE0  }
0x3a: {  	_ =	swait.ge [sflag:s30], $0x320  }
0x3b: {  	[sflag:s30] =	ssyncset.done $0x0  }
0x3c: {  	[sflag:s30] =	ssyncadd.s32 $0xFFFFFCE0  }
0x3d: {  	[tilespmem:s31], [sflag:$0x4] =	stream.indirect.gather [hbm4b:s1+s21], $0x10, s22, s21, $0xb8;
	[tilespmem:$0x1F720] =	vst v63  }
0x3e: {  	_ = 	snop  }
0x3f: {  	[spmem:s2] =	stream.indirect.scatter.add.f32 [tilespmem:s28], [sflag:$0x5], $0x10, s21, s21, $0xb8;
	[tilespmem:$0x1F720] =	vst v63  }
0x40: {  	_ =	swait.ge [sflag:s0], $0x3200  }
0x41: {  	s14 =	sshrl.u32 s20, $0x3;
	[sflag:s0] =	ssyncset.done $0x0  }
0x42: {  	s12 =	sadd.s32 s5, s14;
	[sflag:s0] =	ssyncadd.s32 $0xFFFFCE00  }
0x43: {  	[tilespmem:s4], [sflag:$0x1] =	stream.linear.gather [hbm4b:s12+s4], $0x320, $0x38;
	[tilespmem:$0x1F720] =	vst v63  }
0x44: {  	s11 =	sadd.s32 s6, s14  }
0x45: {  	[tilespmem:s21], [sflag:$0x1] =	stream.linear.gather [hbm4b:s11+s4], $0x320, $0x38;
	[tilespmem:$0x1F720] =	vst v63  }
0x46: {  	_ =	swait.ge [sflag:s3], $0x3200  }
0x47: {  	[sflag:s3] =	ssyncset.done $0x0  }
0x48: {  	[sflag:s3] =	ssyncadd.s32 $0xFFFFCE00  }
0x49: {  	_ =	swait.ge [sflag:s26], $0x320  }
0x4a: {  	[sflag:s26] =	ssyncset.done $0x0  }
0x4b: {  	[sflag:s26] =	ssyncadd.s32 $0xFFFFFCE0  }
0x4c: {  	_ =	swait.ge [sflag:s26], $0x320  }
0x4d: {  	[sflag:s26] =	ssyncset.done $0x0  }
0x4e: {  	[sflag:s26] =	ssyncadd.s32 $0xFFFFFCE0  }
0x4f: {  	[tilespmem:s28], [sflag:$0x3] =	stream.indirect.gather [hbm4b:s1+s21], $0x10, s4, s21, $0xb8;
	[tilespmem:$0x1F720] =	vst v63  }
0x50: {  	_ = 	snop  }
0x51: {  	[spmem:s2] =	stream.indirect.scatter.add.f32 [tilespmem:s31], [sflag:$0x5], $0x10, s23, s21, $0xb8;
	[tilespmem:$0x1F720] =	vst v63  }
0x52: {  	_ =	swait.ge [sflag:s0], $0x3200  }
0x53: {  	s15 =	sadd.s32 $0x0, s19;
	s13 =	sadd.s32 $0x0, s18;
	[sflag:s0] =	ssyncset.done $0x0  }
0x54: {  	s12 =	sadd.s32 $0x640, s20;
	s11 =	simm.s32 $0xC8;
	[sflag:s0] =	ssyncadd.s32 $0xFFFFCE00  }
0x55: {  	[tilespmem:s22], [sflag:$0x2] =	stream.linear.gather [hbm4b:s15+s4], $0x320, $0x38;
	[tilespmem:$0x1F720] =	vst v63  }
.LBB2_2:
0x56: {  	[tilespmem:s23], [sflag:$0x2] =	stream.linear.gather [hbm4b:s13+s4], $0x320, $0x38;
	[tilespmem:$0x1F720] =	vst v63  }
0x57: {  	s13 =	smov.u32 s11  }
0x58: {  	p1 =	sne.s32 s11, $0x2EE0;
	s11 =	sadd.s32 $0xC8, s11;
	_ =	swait.ge [sflag:s29], $0x3200  }
0x59: {  	[sflag:s29] =	ssyncset.done $0x0  }
0x5a: {  	[sflag:s29] =	ssyncadd.s32 $0xFFFFCE00  }
0x5b: {  	_ =	swait.ge [sflag:s30], $0x320  }
0x5c: {  	[sflag:s30] =	ssyncset.done $0x0  }
0x5d: {  	[sflag:s30] =	ssyncadd.s32 $0xFFFFFCE0  }
0x5e: {  	_ =	swait.ge [sflag:s30], $0x320  }
0x5f: {  	[sflag:s30] =	ssyncset.done $0x0  }
0x60: {  	[sflag:s30] =	ssyncadd.s32 $0xFFFFFCE0  }
0x61: {  	[tilespmem:s31], [sflag:$0x4] =	stream.indirect.gather [hbm4b:s1+s21], $0x10, s22, s21, $0xb8;
	[tilespmem:$0x1F720] =	vst v63  }
0x62: {  	_ = 	snop  }
0x63: {  	[spmem:s2] =	stream.indirect.scatter.add.f32 [tilespmem:s28], [sflag:$0x5], $0x10, s21, s21, $0xb8;
	[tilespmem:$0x1F720] =	vst v63  }
0x64: {  	_ =	swait.ge [sflag:s0], $0x3200  }
0x65: {  	s14 =	sshrl.u32 s12, $0x3;
	[sflag:s0] =	ssyncset.done $0x0  }
0x66: {  	s15 =	sadd.s32 s5, s14;
	[sflag:s0] =	ssyncadd.s32 $0xFFFFCE00  }
0x67: {  	[tilespmem:s4], [sflag:$0x1] =	stream.linear.gather [hbm4b:s15+s4], $0x320, $0x38;
	[tilespmem:$0x1F720] =	vst v63  }
0x68: {  	s14 =	sadd.s32 s6, s14  }
0x69: {  	[tilespmem:s21], [sflag:$0x1] =	stream.linear.gather [hbm4b:s14+s4], $0x320, $0x38;
	[tilespmem:$0x1F720] =	vst v63  }
0x6a: {  	_ =	swait.ge [sflag:s3], $0x3200  }
0x6b: {  	[sflag:s3] =	ssyncset.done $0x0  }
0x6c: {  	[sflag:s3] =	ssyncadd.s32 $0xFFFFCE00  }
0x6d: {  	_ =	swait.ge [sflag:s26], $0x320  }
0x6e: {  	[sflag:s26] =	ssyncset.done $0x0  }
0x6f: {  	[sflag:s26] =	ssyncadd.s32 $0xFFFFFCE0  }
0x70: {  	_ =	swait.ge [sflag:s26], $0x320  }
0x71: {  	[sflag:s26] =	ssyncset.done $0x0  }
0x72: {  	[sflag:s26] =	ssyncadd.s32 $0xFFFFFCE0  }
0x73: {  	[tilespmem:s28], [sflag:$0x3] =	stream.indirect.gather [hbm4b:s1+s21], $0x10, s4, s21, $0xb8;
	[tilespmem:$0x1F720] =	vst v63  }
0x74: {  	_ = 	snop  }
0x75: {  	[spmem:s2] =	stream.indirect.scatter.add.f32 [tilespmem:s31], [sflag:$0x5], $0x10, s23, s21, $0xb8;
	[tilespmem:$0x1F720] =	vst v63  }
.Ltmp0:
0x76: {  	_ =	swait.ge [sflag:s0], $0x3200;
	(pc) =	sbr.rel @p1 .LBB2_2-.Ltmp0, $4  }
0x77: {  	[sflag:s0] =	ssyncset.done $0x0  }
0x78: {  	s14 =	sadd.s32 s13, s19;
	[sflag:s0] =	ssyncadd.s32 $0xFFFFCE00  }
0x79: {  	[tilespmem:s22], [sflag:$0x2] =	stream.linear.gather [hbm4b:s14+s4], $0x320, $0x38;
	[tilespmem:$0x1F720] =	vst v63  }
0x7a: {  	s12 =	sadd.s32 $0x640, s12;
	s13 =	sadd.s32 s13, s18  }
0x7b: {  	[tilespmem:s23], [sflag:$0x2] =	stream.linear.gather [hbm4b:s13+s4], $0x320, $0x38;
	[tilespmem:$0x1F720] =	vst v63  }
0x7c: {  	_ =	swait.ge [sflag:s29], $0x3200  }
0x7d: {  	[sflag:s29] =	ssyncset.done $0x0  }
0x7e: {  	[sflag:s29] =	ssyncadd.s32 $0xFFFFCE00  }
0x7f: {  	_ =	swait.ge [sflag:s30], $0x320  }
0x80: {  	[sflag:s30] =	ssyncset.done $0x0  }
0x81: {  	[sflag:s30] =	ssyncadd.s32 $0xFFFFFCE0  }
0x82: {  	_ =	swait.ge [sflag:s30], $0x320  }
0x83: {  	[sflag:s30] =	ssyncset.done $0x0  }
0x84: {  	[sflag:s30] =	ssyncadd.s32 $0xFFFFFCE0  }
0x85: {  	[tilespmem:s31], [sflag:$0x4] =	stream.indirect.gather [hbm4b:s1+s21], $0x10, s22, s21, $0xb8;
	[tilespmem:$0x1F720] =	vst v63  }
0x86: {  	_ = 	snop  }
0x87: {  	[spmem:s2] =	stream.indirect.scatter.add.f32 [tilespmem:s28], [sflag:$0x5], $0x10, s21, s21, $0xb8;
	[tilespmem:$0x1F720] =	vst v63  }
0x88: {  	_ =	swait.ge [sflag:s0], $0x3200  }
0x89: {  	[sflag:s0] =	ssyncset.done $0x0  }
0x8a: {  	[sflag:s0] =	ssyncadd.s32 $0xFFFFCE00  }
0x8b: {  	[tilespmem:s4], [sflag:$0x1] =	stream.linear.gather [hbm4b:s16+s4], $0x320, $0x38;
	[tilespmem:$0x1F720] =	vst v63  }
0x8c: {  	_ = 	snop  }
0x8d: {  	[tilespmem:s21], [sflag:$0x1] =	stream.linear.gather [hbm4b:s17+s4], $0x320, $0x38;
	[tilespmem:$0x1F720] =	vst v63  }
0x8e: {  	_ =	swait.ge [sflag:s3], $0x3200  }
0x8f: {  	[sflag:s3] =	ssyncset.done $0x0  }
0x90: {  	[sflag:s3] =	ssyncadd.s32 $0xFFFFCE00  }
0x91: {  	_ =	swait.ge [sflag:s26], $0x320  }
0x92: {  	[sflag:s26] =	ssyncset.done $0x0  }
0x93: {  	[sflag:s26] =	ssyncadd.s32 $0xFFFFFCE0  }
0x94: {  	_ =	swait.ge [sflag:s26], $0x320  }
0x95: {  	[sflag:s26] =	ssyncset.done $0x0  }
0x96: {  	[sflag:s26] =	ssyncadd.s32 $0xFFFFFCE0  }
0x97: {  	[tilespmem:s28], [sflag:$0x3] =	stream.indirect.gather [hbm4b:s1+s21], $0x10, s4, s21, $0xb8;
	[tilespmem:$0x1F720] =	vst v63  }
0x98: {  	_ = 	snop  }
0x99: {  	[spmem:s2] =	stream.indirect.scatter.add.f32 [tilespmem:s31], [sflag:$0x5], $0x10, s23, s21, $0xb8;
	[tilespmem:$0x1F720] =	vst v63  }
0x9a: {  	_ =	swait.ge [sflag:s0], $0x3200  }
0x9b: {  	[sflag:s0] =	ssyncset.done $0x0  }
0x9c: {  	[sflag:s0] =	ssyncadd.s32 $0xFFFFCE00  }
0x9d: {  	_ =	swait.ge [sflag:s29], $0x3200  }
0x9e: {  	[sflag:s29] =	ssyncset.done $0x0  }
0x9f: {  	[sflag:s29] =	ssyncadd.s32 $0xFFFFCE00  }
0xa0: {  	[spmem:s2] =	stream.indirect.scatter.add.f32 [tilespmem:s28], [sflag:$0x5], $0x10, s21, s21, $0xb8;
	[tilespmem:$0x1F720] =	vst v63  }
0xa1: {  	_ =	swait.ge [sflag:s0], $0x3200  }
0xa2: {  	[sflag:s0] =	ssyncset.done $0x0  }
0xa3: {  	[sflag:s0] =	ssyncadd.s32 $0xFFFFCE00  }
0xa4: {  	[bflag:$0x0] =	sbarrier.arrive $0xFFFF  }
0xa5: {  	s11 =	simm.s32 @p0 $0x1FC5;
	s12 =	rddreg [dreg:$0xa]  }
0xa6: {  	[hbm:s12], [sflag:s11] =	dma.local @p0 [spmem:s9], $0x3020  }
0xa7: {  	s9 =	simm.s32 @p0 $0x5  }
0xa8: {  	_ =	swait.ge @p0 [sflag:s9], $0x3020  }
0xa9: {  	[sflag:s9] =	ssyncset.done @p0 $0x0  }
0xaa: {  	[sflag:s9] =	ssyncadd.s32 @p0 $0xFFFFCFE0;
	s9 =	rddreg [dreg:$0x9]  }
0xab: {  	[hbm:s9], [sflag:s10] =	dma.local @!p0 [spmem:s25], $0x30E0  }
0xac: {  	s9 =	simm.s32 @!p0 $0x5  }
0xad: {  	_ =	swait.ge @!p0 [sflag:s9], $0x30E0  }
0xae: {  	s8 =	sadd.s32 $0x1, s8;
	s15 =	rddreg [dreg:$0xb]  }
0xaf: {  	p1 =	sne.s32 s8, s15  }
.Ltmp1:
0xb0: {  	_ = 	snop;
	(pc) =	sbr.rel @p1 .LBB2_1-.Ltmp1, $3  }
0xb1: {  	_ =	sdelay $0x1  }
0xb2: {  	[sflag:s9] =	ssyncset.done @!p0 $0x0  }
0xb3: {  	[sflag:s9] =	ssyncadd.s32 @!p0 $0xFFFFCF20  }
0xb4: {  	_ =	sfence.sel $0x180000  }
0xb5: {  	[bflag:$0x0] =	sbarrier.arrive $0xFFFF  }
0xb6: {  	_ =	strace $0x9000004D  }
0xb7: {  	s0 =	stileid.u32;
	[bflag:$0x2] =	sbarrier.arrive $0xFFFF  }
0xb8: {  	p0 =	sne.s32 s0, $0x0;
	s0 =	rddreg [dreg:$0x3]  }
0xb9: {  	s0 =	sadd.s32 @!p0 $0x100000, s0  }
0xba: {  	[sflag:s0] =	ssyncadd.tile.s32 @!p0 $0x1;
	_ =	shalt  }
.Lfunc_end2:
_tile_overlayer_lowered:
.L_overlay_start_2:
0xbb: {  	(tag) =	ssettag $0x2  }
0xbc: {  	s0 =	rddreg [dreg:$0x0];
	s2 =	stileid.u32  }
0xbd: {  	s1 =	rddreg [dreg:$0x1];
	p0 =	sne.s32 s2, $0x0  }
0xbe: {  	s3 =	rddreg [dreg:$0x2];
	[bflag:$0x3] =	sbarrier.arrive $0xFFFF;
	s2 =	simm.s32 @!p0 $0x1C05  }
0xbf: {  	[timem:s3], [sflag:s2] =	dma.local @!p0 [hbm:s0], s1  }
0xc0: {  	s0 =	simm.s32 @!p0 $0x5  }
0xc1: {  	_ =	swait.ge @!p0 [sflag:s0], s1  }
0xc2: {  	s1 =	ssub.s32 @!p0 $0x0, s1;
	[sflag:s0] =	ssyncset.done @!p0 $0x0  }
0xc3: {  	[sflag:s0] =	ssyncadd.s32 @!p0 s1  }
0xc4: {  	[bflag:$0x3] =	sbarrier.arrive $0xFFFF  }
0xc5: {  	_ =	shalt  }

// kernel: kernel.20.cloned.1.call-start
scs
__scs_entry_jumppad:
0x0: {  	(pc) =	sbr.rel $0x88, $3  }
0x1: {  	(tag) =	ssettag $0x0;
	lr =	simm.s32 $0x1  }
0x2: {  	[smem:$0x3F9B] =	sst lr;
	_ =	strace $0xD0000000  }
0x3: {  	_ = 	snop  }
0x4: {  	_ = 	snop  }
0x5: {  	_ = 	snop  }
0x6: {  	_ = 	snop  }
0x7: {  	_ = 	snop  }
__scs_overlays_trampoline_lowered:
0x8: {  	[smem:$0x3FAA] =	sst s0  }
0x9: {  	[smem:$0x3FAB] =	sst s1  }
0xa: {  	[smem:$0x3FAC] =	sst s2  }
0xb: {  	[smem:$0x3FAD] =	sst s3  }
0xc: {  	[smem:$0x3FAE] =	sst s4  }
0xd: {  	[smem:$0x3FAF] =	sst s5  }
0xe: {  	[smem:$0x3FB0] =	sst s6  }
0xf: {  	[smem:$0x3FB1] =	sst s7  }
0x10: {  	[smem:$0x3FB2] =	sst s8  }
0x11: {  	[smem:$0x3FB3] =	sst s9;
	s0 =	simm.s32 @!p0 $0x0  }
0x12: {  	s1 =	sld [smem:$0x3F99];
	s0 =	simm.s32 @p0 $0x1  }
0x13: {  	[smem:$0x3FB4] =	sst s0;
	s0 =	simm.s32 @!p1 $0x0  }
0x14: {  	s2 =	sld [smem:$0x3F98];
	s0 =	simm.s32 @p1 $0x1  }
0x15: {  	[smem:$0x3FB5] =	sst s0;
	s0 =	simm.s32 @!p2 $0x0  }
0x16: {  	s3 =	sld [smem:$0x3FDB];
	s0 =	simm.s32 @p2 $0x1  }
0x17: {  	s4 =	simm.s32 $0x1BF5;
	[smem:$0x3FB7] =	sst s0  }
0x18: {  	s0 =	sld [smem:$0x3F9A];
	_ =	swait.ge [sflag:s4], $0x0  }
0x19: {  	s7 =	sld [smem:$0x3F9B]  }
0x1a: {  	s8 =	sadd.s32 $0xFFFFE003, lr  }
0x1b: {  	s9 =	sadd.s32 $0xFFFFFEF7, lr;
	s5 =	simm.s32 $0xFFFFFFFF;
	p2 =	slt.u32 s8, $0xFFFFF086  }
0x1c: {  	p1 =	slt.u32 s9, $0xF7A;
	s5 =	simm.s32 @!p2 $0x0  }
0x1d: {  	s5 =	simm.s32 @p1 $0x1;
	p0 =	seq.s32 s7, s2  }
0x1e: {  	s7 =	smul.u32 @!p0 $0xF7A, s2;
	p2 =	seq.s32 @!p0 s5, $0x0  }
0x1f: {  	s9 =	smul.u32 $0xF7A, s1;
	s8 =	simm.s32 @!p0 $0x1BF5;
	p2 =	por !p2, p0  }
0x20: {  	[sflag:s8] =	ssyncset.s32 @!p0 $0xFFFFF086;
	s6 =	sadd.s32 @!p0 s3, s7;
	s7 =	simm.s32 @!p0 $0x108  }
0x21: {  	s3 =	sadd.s32 s3, s9;
	s6 =	sadd.s32 @!p0 $0x88, s6;
	s7 =	simm.s32 @p2 $0x1082  }
0x22: {  	[simem:s7], [sflag:s8] =	dma.local @!p0 [hbm:s6], $0xF7A  }
0x23: {  	s9 =	sor.u32 $0xD0000000, s2;
	s6 =	simm.s32 $0x108;
	_ =	swait.ge @!p0 [sflag:s8], $0x0  }
0x24: {  	s3 =	sadd.s32 $0x88, s3;
	s6 =	simm.s32 @!p1 $0x1082;
	[sflag:s4] =	ssyncset.s32 $0xFFFFF086  }
0x25: {  	[simem:s6], [sflag:s4] =	dma.local [hbm:s3], $0xF7A  }
0x26: {  	[smem:$0x3F9B] =	sst s1;
	(tag) =	ssettag s2;
	_ =	strace s9  }
0x27: {  	s1 =	sld [smem:$0x3FAB]  }
0x28: {  	s2 =	sld [smem:$0x3FAC]  }
0x29: {  	s4 =	sld [smem:$0x3FAE]  }
0x2a: {  	p0 =	seq.s32 s5, $0x0;
	s5 =	sld [smem:$0x3FAF]  }
0x2b: {  	s6 =	sld [smem:$0x3FB0]  }
0x2c: {  	s7 =	sld [smem:$0x3FB1]  }
0x2d: {  	s3 =	simm.s32 $0x108;
	s8 =	sld [smem:$0x3FB2]  }
0x2e: {  	s3 =	simm.s32 @!p0 $0x1082;
	s9 =	sld [smem:$0x3FB3]  }
0x2f: {  	lr =	sadd.s32 s0, s3;
	s0 =	sld [smem:$0x3FAA]  }
0x30: {  	s3 =	sld [smem:$0x3FAD]  }
0x31: {  	[smem:$0x3FB6] =	sst s10  }
0x32: {  	s10 =	sld [smem:$0x3FB4];
	_ =	sdelay $0x3  }
0x33: {  	p0 =	seq.s32 s10, $0x1;
	s10 =	sld [smem:$0x3FB6];
	_ =	sdelay $0x3  }
0x34: {  	[smem:$0x3FB6] =	sst s10  }
0x35: {  	s10 =	sld [smem:$0x3FB5];
	_ =	sdelay $0x3  }
0x36: {  	p1 =	seq.s32 s10, $0x1;
	s10 =	sld [smem:$0x3FB6];
	_ =	sdelay $0x3  }
0x37: {  	[smem:$0x3FB6] =	sst s10  }
0x38: {  	s10 =	sld [smem:$0x3FB7]  }
0x39: {  	_ = 	snop;
	(pc) =	sbr.ind lr, $3  }
0x3a: {  	_ = 	snop  }
0x3b: {  	_ = 	snop  }
0x3c: {  	p2 =	seq.s32 s10, $0x1;
	s10 =	sld [smem:$0x3FB6]  }
0x3d: {  	_ =	shalt  }
0x3e: {  	_ =	shalt  }
0x3f: {  	_ =	shalt  }
0x40: {  	_ =	shalt  }
0x41: {  	_ =	shalt  }
0x42: {  	_ =	shalt  }
0x43: {  	_ =	shalt  }
0x44: {  	_ =	shalt  }
0x45: {  	_ =	shalt  }
0x46: {  	_ =	shalt  }
0x47: {  	_ =	shalt  }
0x48: {  	_ =	shalt  }
0x49: {  	_ =	shalt  }
0x4a: {  	_ =	shalt  }
0x4b: {  	_ =	shalt  }
0x4c: {  	_ =	shalt  }
0x4d: {  	_ =	shalt  }
0x4e: {  	_ =	shalt  }
0x4f: {  	_ =	shalt  }
0x50: {  	_ =	shalt  }
0x51: {  	_ =	shalt  }
0x52: {  	_ =	shalt  }
0x53: {  	_ =	shalt  }
0x54: {  	_ =	shalt  }
0x55: {  	_ =	shalt  }
0x56: {  	_ =	shalt  }
0x57: {  	_ =	shalt  }
0x58: {  	_ =	shalt  }
0x59: {  	_ =	shalt  }
0x5a: {  	_ =	shalt  }
0x5b: {  	_ =	shalt  }
0x5c: {  	_ =	shalt  }
0x5d: {  	_ =	shalt  }
0x5e: {  	_ =	shalt  }
0x5f: {  	_ =	shalt  }
0x60: {  	_ =	shalt  }
0x61: {  	_ =	shalt  }
0x62: {  	_ =	shalt  }
0x63: {  	_ =	shalt  }
0x64: {  	_ =	shalt  }
0x65: {  	_ =	shalt  }
0x66: {  	_ =	shalt  }
0x67: {  	_ =	shalt  }
0x68: {  	_ =	shalt  }
0x69: {  	_ =	shalt  }
0x6a: {  	_ =	shalt  }
0x6b: {  	_ =	shalt  }
0x6c: {  	_ =	shalt  }
0x6d: {  	_ =	shalt  }
0x6e: {  	_ =	shalt  }
0x6f: {  	_ =	shalt  }
0x70: {  	_ =	shalt  }
0x71: {  	_ =	shalt  }
0x72: {  	_ =	shalt  }
0x73: {  	_ =	shalt  }
0x74: {  	_ =	shalt  }
0x75: {  	_ =	shalt  }
0x76: {  	_ =	shalt  }
0x77: {  	_ =	shalt  }
0x78: {  	_ =	shalt  }
0x79: {  	_ =	shalt  }
0x7a: {  	_ =	shalt  }
0x7b: {  	_ =	shalt  }
0x7c: {  	_ =	shalt  }
0x7d: {  	_ =	shalt  }
0x7e: {  	_ =	shalt  }
0x7f: {  	_ =	shalt  }
0x80: {  	_ =	shalt  }
0x81: {  	_ =	shalt  }
0x82: {  	_ =	shalt  }
0x83: {  	_ =	shalt  }
0x84: {  	_ =	shalt  }
0x85: {  	_ =	shalt  }
0x86: {  	_ =	shalt  }
0x87: {  	_ =	shalt  }
.Lfunc_end0:
.L_simem_size_0:
called_computation.3_lowered:
.L_overlay_start_0:
0x88: {  	s2 =	sld [smem:$0x3FD9]  }
0x89: {  	s3 =	sld [smem:$0x3FFE];
	_ =	sdelay $0x1  }
0x8a: {  	s1 =	srdreg.scid  }
0x8b: {  	s0 =	sand.u32 $0x1, s1  }
0x8c: {  	s17 =	sshll.u32 s0, $0xA;
	s2 =	sadd.s32 s3, s2  }
0x8d: {  	s2 =	sadd.s32 s2, s17  }
0x8e: {  	[smem:$0x3FC2] =	sst s2  }
0x8f: {  	_ = 	snop  }
0x90: {  	s2 =	sld [smem:$0x3FD0];
	(tm) =	ssettm $0x1  }
0x91: {  	s18 =	sld [smem:$0x3FFB];
	_ =	sdelay $0x3  }
0x92: {  	_ =	strace s18  }
0x93: {  	s3 =	sld [smem:$0x3FFC];
	_ =	sdelay $0x3  }
0x94: {  	_ =	strace s3  }
0x95: {  	s3 =	sld [smem:$0x3FFD];
	_ =	sdelay $0x3  }
0x96: {  	_ =	strace s3  }
0x97: {  	_ =	strace $0x8FFFFFFF  }
0x98: {  	s19 =	sld [smem:$0x3FDB];
	_ =	sdelay $0x1  }
0x99: {  	s4 =	simm.s32 $_scs_section_size  }
0x9a: {  	s5 =	simm.s32 $_size__tile_overlayer_lowered;
	s6 =	simm.s32 $_tile_overlayer_lowered  }
0x9b: {  	s22 =	simm.s32 $0x1BFF;
	s21 =	sshll.u32 s6, $0x1;
	s3 =	sadd.s32 s4, s19  }
0x9c: {  	s7 =	simm.s32 $0x0;
	s20 =	sshll.u32 s5, $0x1;
	s5 =	sadd.s32 s21, s3  }
0x9d: {  	[timem:s7], [sflag:s22] =	dma.local [hbm:s5], s20  }
0x9e: {  	_ =	swait.ge [sflag:s22], s20  }
0x9f: {  	s4 =	ssub.s32 $0x0, s20;
	[sflag:s22] =	ssyncset.done $0x0  }
0xa0: {  	[sflag:s22] =	ssyncadd.s32 s4;
	_ =	sdelay $0x1  }
0xa1: {  	s23 =	simm.s32 $0x1B8B  }
0xa2: {  	_ =	swait.ge [sflag:s23], $0x1  }
0xa3: {  	[sflag:s23] =	ssyncset.done $0x0  }
0xa4: {  	s25 =	simm.s32 $0x1B8E;
	s24 =	sld [smem:$0x3FFE];
	[sflag:s23] =	ssyncadd.s32 $0xFFFFFFFF  }
0xa5: {  	s26 =	simm.s32 $execute0_lowered;
	[smem:$0x3FD2] =	sst s25  }
0xa6: {  	s5 =	sshll.u32 s26, $0x1;
	_ =	strace $0x8000004F;
	[dreg:$0x1] =	wrdreg $0xFFFFFFFF  }
0xa7: {  	s28 =	simm.s32 $_size_execute0_lowered;
	s3 =	sadd.s32 s3, s5;
	[dreg:$0x0] =	wrdreg $0x0  }
0xa8: {  	s5 =	sshll.u32 s28, $0x1;
	[dreg:$0x2] =	wrdreg s3  }
0xa9: {  	[dreg:$0x3] =	wrdreg s5  }
0xaa: {  	[dreg:$0x4] =	wrdreg $0xC0  }
0xab: {  	_ =	task [dreg:s7], $0x5FFFF  }
0xac: {  	[dreg:$0x1] =	wrdreg $0xFFFFFFFF  }
0xad: {  	[dreg:$0x0] =	wrdreg $0x60  }
0xae: {  	[dreg:$0x2] =	wrdreg s24  }
0xaf: {  	[dreg:$0x3] =	wrdreg s2  }
0xb0: {  	[dreg:$0x4] =	wrdreg $0x70800  }
0xb1: {  	[dreg:$0x5] =	wrdreg $0x9  }
0xb2: {  	_ =	task.clear_ibuf [dreg:s7], $0x6FFFF;
	_ =	strace $0x9000004F  }
0xb3: {  	s29 =	simm.s32 $0x9;
	_ =	strace $0x80000051  }
0xb4: {  	_ =	swait.ge [sflag:s29], $0x1  }
0xb5: {  	[sflag:s29] =	ssyncadd.s32 $0xFFFFFFFF  }
0xb6: {  	_ =	strace $0x90000051  }
0xb7: {  	_ =	sfence  }
0xb8: {  	s30 =	sld [smem:$0x0];
	_ =	sdelay $0x2  }
0xb9: {  	s31 =	sshll.u32 s1, $0xD;
	s1 =	sshrl.u32 s1, $0x2  }
0xba: {  	s3 =	sand.u32 $0x4000, s31;
	s1 =	sadd.s32 s1, s30  }
0xbb: {  	s0 =	sor.u32 s3, s0;
	s1 =	sshll.u32 s1, $0x11  }
0xbc: {  	s0 =	sor.u32 s1, s0  }
0xbd: {  	s0 =	sadd.s32 $0x8F2B, s0  }
0xbe: {  	[sflag:s0] =	ssyncadd.remote.s32 $0x1  }
0xbf: {  	_ =	sfence.sel $0xFFFF  }
0xc0: {  	[dreg:$0x0] =	wrdreg $0xFFFFFFFF;
	(pc) =	sbr.abs _section_cstart, $3  }
0xc1: {  	[dreg:$0x1] =	wrdreg $0xFFFFFFFF  }
0xc2: {  	_ =	task.clear_ibuf [dreg:s7], $0x2FFFF;
	_ =	strace $0x9FFFFFFF  }
0xc3: {  	(tm) =	ssettm $0x7FFFFFFF  }
tec
execute0_lowered:
.L_overlay_start_1:
0x0: {  	(tag) =	ssettag $0x1  }
0x1: {  	s0 =	rddreg [dreg:$0x0]  }
0x2: {  	s1 =	rddreg [dreg:$0x1]  }
0x3: {  	s2 =	rddreg [dreg:$0x2];
	s3 =	srdreg.scid;
	s4 =	simm.s32 $0x0  }
0x4: {  	s14 =	stileid.u32;
	s28 =	simm.s32 $0x640;
	s29 =	simm.s32 $0x3  }
0x5: {  	s30 =	simm.s32 $0x2;
	s31 =	simm.s32 $0x3E80;
	s10 =	smul.u32 $0x61C00, s14  }
0x6: {  	s3 =	sand.u32 $0x1, s3;
	[smem:$0x7FF] =	sst s4;
	s12 =	smul.u32 $0x18700, s14  }
0x7: {  	s5 =	sadd.s32 $0x63600, s0;
	s7 =	sadd.s32 $0xC5200, s0;
	s23 =	smul.u32 $0x186A0, s14  }
0x8: {  	s15 =	sadd.s32 $0x16E900, s2;
	p0 =	seq.s32 s14, $0xF;
	s6 =	sshll.u32 s3, $0x4  }
0x9: {  	_ =	strace $0x80000050;
	s9 =	ssub.s32 $0x2, s3;
	s3 =	smul.u32 $0x186A00, s3  }
0xa: {  	[dreg:$0x8] =	wrdreg s15;
	s8 =	sor.u32 s14, s6;
	s6 =	sadd.s32 $0x1A00, s0  }
0xb: {  	s0 =	sadd.s32 $0xC8400, s0;
	s11 =	sshrl.u32 s9, $0x1;
	s10 =	sshrl.u32 s10, $0x2  }
0xc: {  	s8 =	smul.u32 $0x186A0, s8;
	s9 =	ssub.s32 s9, s11;
	s22 =	sadd.s32 s12, s3  }
0xd: {  	s10 =	sadd.s32 s10, s2;
	s24 =	sshrl.u32 s3, $0x3;
	s12 =	sadd.s32 s12, s2  }
0xe: {  	s3 =	sadd.s32 s23, s3;
	s23 =	simm.s32 $0x3B60;
	s9 =	smax.u32 s9, $0x1  }
0xf: {  	s26 =	sadd.s32 $0x960, s3;
	s8 =	sshrl.u32 s8, $0x3;
	[dreg:$0xb] =	wrdreg s9  }
0x10: {  	s19 =	sadd.s32 $0x64, s8;
	s13 =	sadd.s32 s5, s8;
	s20 =	sadd.s32 s6, s8  }
0x11: {  	s25 =	sadd.s32 $0x3070, s8;
	s8 =	sshrl.u32 s26, $0x3;
	[dreg:$0x4] =	wrdreg s13  }
0x12: {  	s26 =	simm.s32 $0x1;
	[dreg:$0x5] =	wrdreg s20;
	s21 =	sadd.s32 s5, s19  }
0x13: {  	s11 =	sadd.s32 s6, s19;
	s16 =	sadd.s32 s5, s25;
	s17 =	sadd.s32 s6, s25  }
0x14: {  	s18 =	sadd.s32 s8, s6;
	s19 =	sadd.s32 s8, s5;
	s20 =	sadd.s32 $0x640, s3  }
0x15: {  	s25 =	sshrl.u32 @!p0 s12, $0x3;
	s3 =	simm.s32 $0x4;
	[dreg:$0x6] =	wrdreg s21  }
0x16: {  	s8 =	simm.s32 $0x0;
	[dreg:$0x7] =	wrdreg s11;
	s11 =	sshrl.u32 s22, $0x3  }
0x17: {  	s21 =	simm.s32 $0x320;
	s11 =	sadd.s32 s0, s11;
	s0 =	sadd.s32 s0, s24  }
0x18: {  	s22 =	simm.s32 $0x3840;
	[dreg:$0x9] =	wrdreg s11;
	s0 =	sadd.s32 $0x2DD20, s0  }
0x19: {  	s24 =	sshrl.u32 @!p0 s10, $0x3;
	[dreg:$0xa] =	wrdreg s0;
	s0 =	simm.s32 $0x5  }
.LBB2_1:
0x1a: {  	s9 =	rddreg [dreg:$0x4]  }
0x1b: {  	s11 =	rddreg [dreg:$0x5]  }
0x1c: {  	[tilespmem:s4], [sflag:$0x1] =	stream.linear.gather [hbm4b:s9+s4], $0x320, $0x38;
	[tilespmem:$0x1F720] =	vst v63  }
0x1d: {  	s12 =	rddreg [dreg:$0x6]  }
0x1e: {  	[tilespmem:s21], [sflag:$0x1] =	stream.linear.gather [hbm4b:s11+s4], $0x320, $0x38;
	[tilespmem:$0x1F720] =	vst v63  }
0x1f: {  	s9 =	rddreg [dreg:$0x8]  }
0x20: {  	[tilespmem:s22], [sflag:$0x2] =	stream.linear.gather [hbm4b:s12+s4], $0x320, $0x38;
	[tilespmem:$0x1F720] =	vst v63  }
0x21: {  	s13 =	rddreg [dreg:$0x7];
	s10 =	simm.s32 @p0 $0x1FC5;
	s9 =	sshrl.u32 @p0 s9, $0x3  }
0x22: {  	[tilespmem:s23], [sflag:$0x2] =	stream.linear.gather [hbm4b:s13+s4], $0x320, $0x38;
	[tilespmem:$0x1F720] =	vst v63  }
0x23: {  	[spmem:s9], [sflag:s10] =	dma.local @p0 [hbm:s7], $0x3020  }
0x24: {  	s10 =	simm.s32 @p0 $0x5  }
0x25: {  	s11 =	stileid.u32;
	_ =	swait.ge @p0 [sflag:s10], $0x3020  }
0x26: {  	s11 =	sshll.u32 @!p0 s11, $0x6;
	[sflag:s10] =	ssyncset.done @p0 $0x0  }
0x27: {  	[sflag:s10] =	ssyncadd.s32 @p0 $0xFFFFCFE0;
	s10 =	sor.u32 @!p0 $0x1C05, s11;
	s11 =	simm.s32 @!p0 $0x5  }
0x28: {  	[spmem:s24], [sflag:s10] =	dma.local @!p0 [hbm:s7], $0x30E0  }
0x29: {  	_ =	swait.ge @!p0 [sflag:s11], $0x30E0  }
0x2a: {  	[sflag:s11] =	ssyncset.done @!p0 $0x0  }
0x2b: {  	[sflag:s11] =	ssyncadd.s32 @!p0 $0xFFFFCF20  }
0x2c: {  	_ =	swait.ge [sflag:s26], $0x320  }
0x2d: {  	[sflag:s26] =	ssyncset.done $0x0  }
0x2e: {  	[sflag:s26] =	ssyncadd.s32 $0xFFFFFCE0  }
0x2f: {  	_ =	swait.ge [sflag:s26], $0x320  }
0x30: {  	[sflag:s26] =	ssyncset.done $0x0  }
0x31: {  	[sflag:s26] =	ssyncadd.s32 $0xFFFFFCE0  }
0x32: {  	[tilespmem:s28], [sflag:$0x3] =	stream.indirect.gather [hbm4b:s1+s21], $0x10, s4, s21, $0xb8;
	[tilespmem:$0x1F720] =	vst v63  }
0x33: {  	[bflag:$0x0] =	sbarrier.arrive $0xFFFF  }
0x34: {  	_ =	swait.ge [sflag:s29], $0x3200  }
0x35: {  	[sflag:s29] =	ssyncset.done $0x0  }
0x36: {  	[sflag:s29] =	ssyncadd.s32 $0xFFFFCE00  }
0x37: {  	_ =	swait.ge [sflag:s30], $0x320  }
0x38: {  	[sflag:s30] =	ssyncset.done $0x0  }
0x39: {  	[sflag:s30] =	ssyncadd.s32 $0xFFFFFCE0  }
0x3a: {  	_ =	swait.ge [sflag:s30], $0x320  }
0x3b: {  	[sflag:s30] =	ssyncset.done $0x0  }
0x3c: {  	[sflag:s30] =	ssyncadd.s32 $0xFFFFFCE0  }
0x3d: {  	[tilespmem:s31], [sflag:$0x4] =	stream.indirect.gather [hbm4b:s1+s21], $0x10, s22, s21, $0xb8;
	[tilespmem:$0x1F720] =	vst v63  }
0x3e: {  	_ = 	snop  }
0x3f: {  	[spmem:s2] =	stream.indirect.scatter.add.f32 [tilespmem:s28], [sflag:$0x5], $0x10, s21, s21, $0xb8;
	[tilespmem:$0x1F720] =	vst v63  }
0x40: {  	_ =	swait.ge [sflag:s0], $0x3200  }
0x41: {  	s14 =	sshrl.u32 s20, $0x3;
	[sflag:s0] =	ssyncset.done $0x0  }
0x42: {  	s12 =	sadd.s32 s5, s14;
	[sflag:s0] =	ssyncadd.s32 $0xFFFFCE00  }
0x43: {  	[tilespmem:s4], [sflag:$0x1] =	stream.linear.gather [hbm4b:s12+s4], $0x320, $0x38;
	[tilespmem:$0x1F720] =	vst v63  }
0x44: {  	s11 =	sadd.s32 s6, s14  }
0x45: {  	[tilespmem:s21], [sflag:$0x1] =	stream.linear.gather [hbm4b:s11+s4], $0x320, $0x38;
	[tilespmem:$0x1F720] =	vst v63  }
0x46: {  	_ =	swait.ge [sflag:s3], $0x3200  }
0x47: {  	[sflag:s3] =	ssyncset.done $0x0  }
0x48: {  	[sflag:s3] =	ssyncadd.s32 $0xFFFFCE00  }
0x49: {  	_ =	swait.ge [sflag:s26], $0x320  }
0x4a: {  	[sflag:s26] =	ssyncset.done $0x0  }
0x4b: {  	[sflag:s26] =	ssyncadd.s32 $0xFFFFFCE0  }
0x4c: {  	_ =	swait.ge [sflag:s26], $0x320  }
0x4d: {  	[sflag:s26] =	ssyncset.done $0x0  }
0x4e: {  	[sflag:s26] =	ssyncadd.s32 $0xFFFFFCE0  }
0x4f: {  	[tilespmem:s28], [sflag:$0x3] =	stream.indirect.gather [hbm4b:s1+s21], $0x10, s4, s21, $0xb8;
	[tilespmem:$0x1F720] =	vst v63  }
0x50: {  	_ = 	snop  }
0x51: {  	[spmem:s2] =	stream.indirect.scatter.add.f32 [tilespmem:s31], [sflag:$0x5], $0x10, s23, s21, $0xb8;
	[tilespmem:$0x1F720] =	vst v63  }
0x52: {  	_ =	swait.ge [sflag:s0], $0x3200  }
0x53: {  	s15 =	sadd.s32 $0x0, s19;
	s13 =	sadd.s32 $0x0, s18;
	[sflag:s0] =	ssyncset.done $0x0  }
0x54: {  	s12 =	sadd.s32 $0x640, s20;
	s11 =	simm.s32 $0xC8;
	[sflag:s0] =	ssyncadd.s32 $0xFFFFCE00  }
0x55: {  	[tilespmem:s22], [sflag:$0x2] =	stream.linear.gather [hbm4b:s15+s4], $0x320, $0x38;
	[tilespmem:$0x1F720] =	vst v63  }
.LBB2_2:
0x56: {  	[tilespmem:s23], [sflag:$0x2] =	stream.linear.gather [hbm4b:s13+s4], $0x320, $0x38;
	[tilespmem:$0x1F720] =	vst v63  }
0x57: {  	s13 =	smov.u32 s11  }
0x58: {  	p1 =	sne.s32 s11, $0x2EE0;
	s11 =	sadd.s32 $0xC8, s11;
	_ =	swait.ge [sflag:s29], $0x3200  }
0x59: {  	[sflag:s29] =	ssyncset.done $0x0  }
0x5a: {  	[sflag:s29] =	ssyncadd.s32 $0xFFFFCE00  }
0x5b: {  	_ =	swait.ge [sflag:s30], $0x320  }
0x5c: {  	[sflag:s30] =	ssyncset.done $0x0  }
0x5d: {  	[sflag:s30] =	ssyncadd.s32 $0xFFFFFCE0  }
0x5e: {  	_ =	swait.ge [sflag:s30], $0x320  }
0x5f: {  	[sflag:s30] =	ssyncset.done $0x0  }
0x60: {  	[sflag:s30] =	ssyncadd.s32 $0xFFFFFCE0  }
0x61: {  	[tilespmem:s31], [sflag:$0x4] =	stream.indirect.gather [hbm4b:s1+s21], $0x10, s22, s21, $0xb8;
	[tilespmem:$0x1F720] =	vst v63  }
0x62: {  	_ = 	snop  }
0x63: {  	[spmem:s2] =	stream.indirect.scatter.add.f32 [tilespmem:s28], [sflag:$0x5], $0x10, s21, s21, $0xb8;
	[tilespmem:$0x1F720] =	vst v63  }
0x64: {  	_ =	swait.ge [sflag:s0], $0x3200  }
0x65: {  	s14 =	sshrl.u32 s12, $0x3;
	[sflag:s0] =	ssyncset.done $0x0  }
0x66: {  	s15 =	sadd.s32 s5, s14;
	[sflag:s0] =	ssyncadd.s32 $0xFFFFCE00  }
0x67: {  	[tilespmem:s4], [sflag:$0x1] =	stream.linear.gather [hbm4b:s15+s4], $0x320, $0x38;
	[tilespmem:$0x1F720] =	vst v63  }
0x68: {  	s14 =	sadd.s32 s6, s14  }
0x69: {  	[tilespmem:s21], [sflag:$0x1] =	stream.linear.gather [hbm4b:s14+s4], $0x320, $0x38;
	[tilespmem:$0x1F720] =	vst v63  }
0x6a: {  	_ =	swait.ge [sflag:s3], $0x3200  }
0x6b: {  	[sflag:s3] =	ssyncset.done $0x0  }
0x6c: {  	[sflag:s3] =	ssyncadd.s32 $0xFFFFCE00  }
0x6d: {  	_ =	swait.ge [sflag:s26], $0x320  }
0x6e: {  	[sflag:s26] =	ssyncset.done $0x0  }
0x6f: {  	[sflag:s26] =	ssyncadd.s32 $0xFFFFFCE0  }
0x70: {  	_ =	swait.ge [sflag:s26], $0x320  }
0x71: {  	[sflag:s26] =	ssyncset.done $0x0  }
0x72: {  	[sflag:s26] =	ssyncadd.s32 $0xFFFFFCE0  }
0x73: {  	[tilespmem:s28], [sflag:$0x3] =	stream.indirect.gather [hbm4b:s1+s21], $0x10, s4, s21, $0xb8;
	[tilespmem:$0x1F720] =	vst v63  }
0x74: {  	_ = 	snop  }
0x75: {  	[spmem:s2] =	stream.indirect.scatter.add.f32 [tilespmem:s31], [sflag:$0x5], $0x10, s23, s21, $0xb8;
	[tilespmem:$0x1F720] =	vst v63  }
.Ltmp0:
0x76: {  	_ =	swait.ge [sflag:s0], $0x3200;
	(pc) =	sbr.rel @p1 .LBB2_2-.Ltmp0, $4  }
0x77: {  	[sflag:s0] =	ssyncset.done $0x0  }
0x78: {  	s14 =	sadd.s32 s13, s19;
	[sflag:s0] =	ssyncadd.s32 $0xFFFFCE00  }
0x79: {  	[tilespmem:s22], [sflag:$0x2] =	stream.linear.gather [hbm4b:s14+s4], $0x320, $0x38;
	[tilespmem:$0x1F720] =	vst v63  }
0x7a: {  	s12 =	sadd.s32 $0x640, s12;
	s13 =	sadd.s32 s13, s18  }
0x7b: {  	[tilespmem:s23], [sflag:$0x2] =	stream.linear.gather [hbm4b:s13+s4], $0x320, $0x38;
	[tilespmem:$0x1F720] =	vst v63  }
0x7c: {  	_ =	swait.ge [sflag:s29], $0x3200  }
0x7d: {  	[sflag:s29] =	ssyncset.done $0x0  }
0x7e: {  	[sflag:s29] =	ssyncadd.s32 $0xFFFFCE00  }
0x7f: {  	_ =	swait.ge [sflag:s30], $0x320  }
0x80: {  	[sflag:s30] =	ssyncset.done $0x0  }
0x81: {  	[sflag:s30] =	ssyncadd.s32 $0xFFFFFCE0  }
0x82: {  	_ =	swait.ge [sflag:s30], $0x320  }
0x83: {  	[sflag:s30] =	ssyncset.done $0x0  }
0x84: {  	[sflag:s30] =	ssyncadd.s32 $0xFFFFFCE0  }
0x85: {  	[tilespmem:s31], [sflag:$0x4] =	stream.indirect.gather [hbm4b:s1+s21], $0x10, s22, s21, $0xb8;
	[tilespmem:$0x1F720] =	vst v63  }
0x86: {  	_ = 	snop  }
0x87: {  	[spmem:s2] =	stream.indirect.scatter.add.f32 [tilespmem:s28], [sflag:$0x5], $0x10, s21, s21, $0xb8;
	[tilespmem:$0x1F720] =	vst v63  }
0x88: {  	_ =	swait.ge [sflag:s0], $0x3200  }
0x89: {  	[sflag:s0] =	ssyncset.done $0x0  }
0x8a: {  	[sflag:s0] =	ssyncadd.s32 $0xFFFFCE00  }
0x8b: {  	[tilespmem:s4], [sflag:$0x1] =	stream.linear.gather [hbm4b:s16+s4], $0x320, $0x38;
	[tilespmem:$0x1F720] =	vst v63  }
0x8c: {  	_ = 	snop  }
0x8d: {  	[tilespmem:s21], [sflag:$0x1] =	stream.linear.gather [hbm4b:s17+s4], $0x320, $0x38;
	[tilespmem:$0x1F720] =	vst v63  }
0x8e: {  	_ =	swait.ge [sflag:s3], $0x3200  }
0x8f: {  	[sflag:s3] =	ssyncset.done $0x0  }
0x90: {  	[sflag:s3] =	ssyncadd.s32 $0xFFFFCE00  }
0x91: {  	_ =	swait.ge [sflag:s26], $0x320  }
0x92: {  	[sflag:s26] =	ssyncset.done $0x0  }
0x93: {  	[sflag:s26] =	ssyncadd.s32 $0xFFFFFCE0  }
0x94: {  	_ =	swait.ge [sflag:s26], $0x320  }
0x95: {  	[sflag:s26] =	ssyncset.done $0x0  }
0x96: {  	[sflag:s26] =	ssyncadd.s32 $0xFFFFFCE0  }
0x97: {  	[tilespmem:s28], [sflag:$0x3] =	stream.indirect.gather [hbm4b:s1+s21], $0x10, s4, s21, $0xb8;
	[tilespmem:$0x1F720] =	vst v63  }
0x98: {  	_ = 	snop  }
0x99: {  	[spmem:s2] =	stream.indirect.scatter.add.f32 [tilespmem:s31], [sflag:$0x5], $0x10, s23, s21, $0xb8;
	[tilespmem:$0x1F720] =	vst v63  }
0x9a: {  	_ =	swait.ge [sflag:s0], $0x3200  }
0x9b: {  	[sflag:s0] =	ssyncset.done $0x0  }
0x9c: {  	[sflag:s0] =	ssyncadd.s32 $0xFFFFCE00  }
0x9d: {  	_ =	swait.ge [sflag:s29], $0x3200  }
0x9e: {  	[sflag:s29] =	ssyncset.done $0x0  }
0x9f: {  	[sflag:s29] =	ssyncadd.s32 $0xFFFFCE00  }
0xa0: {  	[spmem:s2] =	stream.indirect.scatter.add.f32 [tilespmem:s28], [sflag:$0x5], $0x10, s21, s21, $0xb8;
	[tilespmem:$0x1F720] =	vst v63  }
0xa1: {  	_ =	swait.ge [sflag:s0], $0x3200  }
0xa2: {  	[sflag:s0] =	ssyncset.done $0x0  }
0xa3: {  	[sflag:s0] =	ssyncadd.s32 $0xFFFFCE00  }
0xa4: {  	[bflag:$0x0] =	sbarrier.arrive $0xFFFF  }
0xa5: {  	s11 =	simm.s32 @p0 $0x1FC5;
	s12 =	rddreg [dreg:$0xa]  }
0xa6: {  	[hbm:s12], [sflag:s11] =	dma.local @p0 [spmem:s9], $0x3020  }
0xa7: {  	s9 =	simm.s32 @p0 $0x5  }
0xa8: {  	_ =	swait.ge @p0 [sflag:s9], $0x3020  }
0xa9: {  	[sflag:s9] =	ssyncset.done @p0 $0x0  }
0xaa: {  	[sflag:s9] =	ssyncadd.s32 @p0 $0xFFFFCFE0;
	s9 =	rddreg [dreg:$0x9]  }
0xab: {  	[hbm:s9], [sflag:s10] =	dma.local @!p0 [spmem:s25], $0x30E0  }
0xac: {  	s9 =	simm.s32 @!p0 $0x5  }
0xad: {  	_ =	swait.ge @!p0 [sflag:s9], $0x30E0  }
0xae: {  	s8 =	sadd.s32 $0x1, s8;
	s15 =	rddreg [dreg:$0xb]  }
0xaf: {  	p1 =	sne.s32 s8, s15  }
.Ltmp1:
0xb0: {  	_ = 	snop;
	(pc) =	sbr.rel @p1 .LBB2_1-.Ltmp1, $3  }
0xb1: {  	_ =	sdelay $0x1  }
0xb2: {  	[sflag:s9] =	ssyncset.done @!p0 $0x0  }
0xb3: {  	[sflag:s9] =	ssyncadd.s32 @!p0 $0xFFFFCF20  }
0xb4: {  	_ =	sfence.sel $0x180000  }
0xb5: {  	[bflag:$0x0] =	sbarrier.arrive $0xFFFF  }
0xb6: {  	_ =	strace $0x90000050  }
0xb7: {  	s0 =	stileid.u32;
	[bflag:$0x2] =	sbarrier.arrive $0xFFFF  }
0xb8: {  	p0 =	sne.s32 s0, $0x0;
	s0 =	rddreg [dreg:$0x3]  }
0xb9: {  	s0 =	sadd.s32 @!p0 $0x100000, s0  }
0xba: {  	[sflag:s0] =	ssyncadd.tile.s32 @!p0 $0x1;
	_ =	shalt  }
.Lfunc_end2:
_tile_overlayer_lowered:
.L_overlay_start_2:
0xbb: {  	(tag) =	ssettag $0x2  }
0xbc: {  	s0 =	rddreg [dreg:$0x0];
	s2 =	stileid.u32  }
0xbd: {  	s1 =	rddreg [dreg:$0x1];
	p0 =	sne.s32 s2, $0x0  }
0xbe: {  	s3 =	rddreg [dreg:$0x2];
	[bflag:$0x3] =	sbarrier.arrive $0xFFFF;
	s2 =	simm.s32 @!p0 $0x1C05  }
0xbf: {  	[timem:s3], [sflag:s2] =	dma.local @!p0 [hbm:s0], s1  }
0xc0: {  	s0 =	simm.s32 @!p0 $0x5  }
0xc1: {  	_ =	swait.ge @!p0 [sflag:s0], s1  }
0xc2: {  	s1 =	ssub.s32 @!p0 $0x0, s1;
	[sflag:s0] =	ssyncset.done @!p0 $0x0  }
0xc3: {  	[sflag:s0] =	ssyncadd.s32 @!p0 s1  }
0xc4: {  	[bflag:$0x3] =	sbarrier.arrive $0xFFFF  }
0xc5: {  	_ =	shalt  }

</sc_bundles>
